<compile_context>
chip_gen: v7x
topology: tpu7x:2x2x1
jax: 0.10.2.dev20260603
libtpu: 0.0.44.dev20260713+nightly
codegen_flags: <defaults>
</compile_context>

<pallas_src>
import jax
import jax.numpy as jnp
from jax.experimental import pallas as pl
from jax.experimental.pallas import tpu as pltpu

B, C, H, W = 4, 128, 64, 64
K = 5
HW = H * W
N = B * HW
RB = 512
NRB = HW // RB

_INTERPRET = False


def _prelu(x, a):
    return jnp.where(x >= 0, x, a * x)


def _embed_kernel(hsi_ref, msi_ref,
                  e1w1_ref, e1b1_ref, e1a1_ref, e1w2_ref, e1b2_ref, e1a2_ref,
                  e2w1_ref, e2b1_ref, e2a1_ref, e2w2_ref, e2b2_ref, e2a2_ref,
                  fcl_ref, fcr_ref, al_ref, ar_ref,
                  hf_ref, mf_ref, h_ref, el_ref, er_ref):
    x_h = hsi_ref[0]
    x_m = msi_ref[0]
    hf = _prelu(jnp.dot(x_h, e1w1_ref[:], preferred_element_type=jnp.float32)
                + e1b1_ref[:], e1a1_ref[0, 0])
    hf = _prelu(jnp.dot(hf, e1w2_ref[:], preferred_element_type=jnp.float32)
                + e1b2_ref[:], e1a2_ref[0, 0])
    mf = _prelu(jnp.dot(x_m, e2w1_ref[:], preferred_element_type=jnp.float32)
                + e2b1_ref[:], e2a1_ref[0, 0])
    mf = _prelu(jnp.dot(mf, e2w2_ref[:], preferred_element_type=jnp.float32)
                + e2b2_ref[:], e2a2_ref[0, 0])
    hf_ref[0] = hf
    mf_ref[0] = mf
    h = (jnp.dot(hf, fcl_ref[:], preferred_element_type=jnp.float32)
         + jnp.dot(mf, fcr_ref[:], preferred_element_type=jnp.float32))
    h_ref[0] = h
    el_ref[0] = jnp.sum(h * al_ref[:], axis=-1).reshape(1, HW)
    er_ref[0] = jnp.sum(h * ar_ref[:], axis=-1).reshape(1, HW)


def _topk_kernel(hf_ref, mf_ref, idx_ref):
    hf_b = hf_ref[0]
    mf = mf_ref[0]
    s = jax.lax.dot_general(hf_b, mf, (((1,), (1,)), ((), ())),
                            preferred_element_type=jnp.float32)
    cols = jax.lax.broadcasted_iota(jnp.int32, (RB, HW), 1)
    work = s
    picks = []
    for _ in range(K):
        mx = jnp.max(work, axis=1, keepdims=True)
        cand = jnp.where(work == mx, cols, HW)
        ik = jnp.min(cand, axis=1)
        picks.append(ik.reshape(1, RB))
        work = jnp.where(cols == ik[:, None], -jnp.inf, work)
    idx_ref[0] = jnp.concatenate(picks, axis=0)


def _conv_kernel(x_ref, iden_ref, w1_ref, b1_ref, a1_ref, w2_ref, b2_ref, a2_ref,
                 out_ref, pad_ref):
    x = x_ref[0]
    y1 = jnp.zeros((HW, C), dtype=jnp.float32)
    for t in range(9):
        dy, dx = t // 3, t % 3
        xs = x[dy:dy + H, dx:dx + W, :].reshape(HW, C)
        y1 = y1 + jnp.dot(xs, w1_ref[t], preferred_element_type=jnp.float32)
    y1 = _prelu(y1 + b1_ref[:], a1_ref[0, 0])
    pad_ref[:] = jnp.zeros((H + 2, W + 2, C), dtype=jnp.float32)
    pad_ref[1:H + 1, 1:W + 1, :] = y1.reshape(H, W, C)
    x2 = pad_ref[:]
    y2 = jnp.zeros((HW, C), dtype=jnp.float32)
    for t in range(9):
        dy, dx = t // 3, t % 3
        xs = x2[dy:dy + H, dx:dx + W, :].reshape(HW, C)
        y2 = y2 + jnp.dot(xs, w2_ref[t], preferred_element_type=jnp.float32)
    y2 = _prelu(y2 + b2_ref[:], a2_ref[0, 0])
    out_ref[0] = y2 + iden_ref[0]


def kernel(msi_image, hsi_image, e1_w1, e1_b1, e1_a1, e1_w2, e1_b2, e1_a2,
           e2_w1, e2_b1, e2_a1, e2_w2, e2_b2, e2_a2, fc_w, attn_l, attn_r,
           gat_b, u_w1, u_b1, u_a1, u_w2, u_b2, u_a2):
    hsi_up = jax.image.resize(hsi_image, (B, C, H, W), method='bicubic')
    hsi_t = hsi_up.reshape(B, C, HW).transpose(0, 2, 1)
    msi_t = msi_image.reshape(B, C, HW).transpose(0, 2, 1)

    wspec = pl.BlockSpec((C, C), lambda b: (0, 0))
    bspec = pl.BlockSpec((1, C), lambda b: (0, 0))
    aspec = pl.BlockSpec((1, 1), lambda b: (0, 0))
    xspec = pl.BlockSpec((1, HW, C), lambda b: (b, 0, 0))

    hf, mf, h, el, er = pl.pallas_call(
        _embed_kernel,
        grid=(B,),
        in_specs=[xspec, xspec,
                  wspec, bspec, aspec, wspec, bspec, aspec,
                  wspec, bspec, aspec, wspec, bspec, aspec,
                  wspec, wspec, bspec, bspec],
        out_specs=[pl.BlockSpec((1, HW, C), lambda b: (b, 0, 0)),
                   pl.BlockSpec((1, HW, C), lambda b: (b, 0, 0)),
                   pl.BlockSpec((1, HW, C), lambda b: (b, 0, 0)),
                   pl.BlockSpec((1, 1, HW), lambda b: (b, 0, 0)),
                   pl.BlockSpec((1, 1, HW), lambda b: (b, 0, 0))],
        out_shape=[jax.ShapeDtypeStruct((B, HW, C), jnp.float32),
                   jax.ShapeDtypeStruct((B, HW, C), jnp.float32),
                   jax.ShapeDtypeStruct((B, HW, C), jnp.float32),
                   jax.ShapeDtypeStruct((B, 1, HW), jnp.float32),
                   jax.ShapeDtypeStruct((B, 1, HW), jnp.float32)],
        interpret=_INTERPRET,
    )(hsi_t, msi_t,
      e1_w1.T, e1_b1.reshape(1, C), e1_a1.reshape(1, 1),
      e1_w2.T, e1_b2.reshape(1, C), e1_a2.reshape(1, 1),
      e2_w1.T, e2_b1.reshape(1, C), e2_a1.reshape(1, 1),
      e2_w2.T, e2_b2.reshape(1, C), e2_a2.reshape(1, 1),
      fc_w[:, :C].T, fc_w[:, C:].T,
      attn_l.reshape(1, C), attn_r.reshape(1, C))

    idx = pl.pallas_call(
        _topk_kernel,
        grid=(B, NRB),
        in_specs=[pl.BlockSpec((1, RB, C), lambda b, r: (b, r, 0)),
                  pl.BlockSpec((1, HW, C), lambda b, r: (b, 0, 0))],
        out_specs=pl.BlockSpec((1, K, RB), lambda b, r: (b, 0, r)),
        out_shape=jax.ShapeDtypeStruct((B, K, HW), jnp.int32),
        interpret=_INTERPRET,
    )(hf, mf)

    h_flat = h.reshape(N, C)
    el_flat = el.reshape(N)
    er_flat = er.reshape(N)
    idx_flat = idx.transpose(0, 2, 1).reshape(-1)

    src = jnp.tile(jnp.arange(N, dtype=jnp.int32), K)
    loop = jnp.arange(N, dtype=jnp.int32)
    src = jnp.concatenate([src, loop])
    dst = jnp.concatenate([idx_flat, loop])
    e = el_flat[src] + er_flat[dst]
    e = jnp.where(e > 0, e, 0.2 * e)
    m = jax.ops.segment_max(e, dst, num_segments=N)
    ex = jnp.exp(e - m[dst])
    den = jax.ops.segment_sum(ex, dst, num_segments=N)
    alpha = ex / den[dst]
    rst = jax.ops.segment_sum(alpha[:, None] * h_flat[src], dst,
                              num_segments=N) + gat_b

    x_img = rst.reshape(B, H, W, C)
    x_pad = jnp.pad(x_img, ((0, 0), (1, 1), (1, 1), (0, 0)))
    w1_9 = u_w1.transpose(2, 3, 1, 0).reshape(9, C, C)
    w2_9 = u_w2.transpose(2, 3, 1, 0).reshape(9, C, C)

    y = pl.pallas_call(
        _conv_kernel,
        grid=(B,),
        in_specs=[pl.BlockSpec((1, H + 2, W + 2, C), lambda b: (b, 0, 0, 0)),
                  xspec,
                  pl.BlockSpec((9, C, C), lambda b: (0, 0, 0)),
                  bspec, aspec,
                  pl.BlockSpec((9, C, C), lambda b: (0, 0, 0)),
                  bspec, aspec],
        out_specs=pl.BlockSpec((1, HW, C), lambda b: (b, 0, 0)),
        out_shape=jax.ShapeDtypeStruct((B, HW, C), jnp.float32),
        scratch_shapes=[pltpu.VMEM((H + 2, W + 2, C), jnp.float32)],
        interpret=_INTERPRET,
    )(x_pad, hsi_t, w1_9, u_b1.reshape(1, C), u_a1.reshape(1, 1),
      w2_9, u_b2.reshape(1, C), u_a2.reshape(1, 1))

    return y.reshape(B, H, W, C).transpose(0, 3, 1, 2)

# --- scband reference (transcript-rebuilt; emitter-appended) ---
"""Pipeline reference for scband-sga-71605694759051 (READ-ONLY COPY).

The authoritative reference and input builder live on the scoring server;
editing this copy changes nothing except your own understanding.
"""

import jax, jax.numpy as jnp
import numpy as np

B, C, H, W = 4, 128, 64, 64
K = 5
N = B * H * W


def _prelu(x, a):
    return jnp.where(x >= 0, x, a * x)


def _conv1x1(x, w, b):
    return jnp.einsum('bihw,oi->bohw', x, w) + b[None, :, None, None]


def _conv3x3(x, w, b):
    y = jax.lax.conv_general_dilated(x, w, (1, 1), ((1, 1), (1, 1)), dimension_numbers=('NCHW', 'OIHW', 'NCHW'))
    return y + b[None, :, None, None]


def _forward(msi_image, hsi_image, e1_w1, e1_b1, e1_a1, e1_w2, e1_b2, e1_a2, e2_w1, e2_b1, e2_a1, e2_w2, e2_b2, e2_a2, fc_w, attn_l, attn_r, gat_b, u_w1, u_b1, u_a1, u_w2, u_b2, u_a2):
    # upscale(hsi) x4 bicubic
    hsi_up = jax.image.resize(hsi_image, (B, C, H, W), method='bicubic')
    iden = hsi_up
    # embed (1x1 conv + PReLU, twice) for each stream
    hf = _prelu(_conv1x1(hsi_up, e1_w1, e1_b1), e1_a1)
    hf = _prelu(_conv1x1(hf, e1_w2, e1_b2), e1_a2)
    mf = _prelu(_conv1x1(msi_image, e2_w1, e2_b1), e2_a1)
    mf = _prelu(_conv1x1(mf, e2_w2, e2_b2), e2_a2)
    # rearrange B C H W -> B (H W) C
    hsi_flat = hf.transpose(0, 2, 3, 1).reshape(B, H * W, C)
    msi_flat = mf.transpose(0, 2, 3, 1).reshape(B, H * W, C)
    # adaptive graph: per-batch similarity + top-k
    sim = jnp.einsum('bik,bjk->bij', hsi_flat, msi_flat)
    _, idx = jax.lax.top_k(sim, K)  # [B, HW, K]
    # faithful to original: src = arange(N).repeat(k) (tile), dst = indices.view(-1) (no batch offset)
    src = jnp.tile(jnp.arange(N, dtype=jnp.int32), K)
    dst = idx.reshape(-1).astype(jnp.int32)
    loop = jnp.arange(N, dtype=jnp.int32)
    src = jnp.concatenate([src, loop])  # dgl.add_self_loop appends (i, i)
    dst = jnp.concatenate([dst, loop])
    # combined features [(B H W), 2C]
    comb = jnp.concatenate([hsi_flat, msi_flat], axis=2).reshape(N, 2 * C)
    # DGL GATConv(in=2C, out=C, heads=1): fc (no bias), attn_l/attn_r, leaky_relu(0.2), edge softmax over dst, output bias
    h = comb @ fc_w.T  # [N, C]
    el = jnp.sum(h * attn_l, axis=-1)  # [N]
    er = jnp.sum(h * attn_r, axis=-1)  # [N]
    e = el[src] + er[dst]
    e = jnp.where(e > 0, e, 0.2 * e)
    m = jax.ops.segment_max(e, dst, num_segments=N)
    ex = jnp.exp(e - m[dst])
    den = jax.ops.segment_sum(ex, dst, num_segments=N)
    alpha = ex / den[dst]
    rst = jax.ops.segment_sum(alpha[:, None] * h[src], dst, num_segments=N) + gat_b
    # rearrange (B H W) c -> B c H W
    x = rst.reshape(B, H, W, C).transpose(0, 3, 1, 2)
    # upsampler: 3x3 conv + PReLU twice, then residual
    x = _prelu(_conv3x3(x, u_w1, u_b1), u_a1)
    x = _prelu(_conv3x3(x, u_w2, u_b2), u_a2)
    return x + iden


def setup_inputs(seed: int = 0):
    key = jax.random.key(seed)
    ks = jax.random.split(key, 16)
    s = 0.05
    inp = {}
    inp['msi_image'] = jax.random.normal(ks[0], (B, C, H, W), dtype=jnp.float32)
    inp['hsi_image'] = jax.random.normal(ks[1], (B, C, H // 4, W // 4), dtype=jnp.float32)
    inp['e1_w1'] = jax.random.normal(ks[2], (C, C), dtype=jnp.float32) * s
    inp['e1_b1'] = jnp.zeros((C,), dtype=jnp.float32)
    inp['e1_a1'] = jnp.array(0.25, dtype=jnp.float32)
    inp['e1_w2'] = jax.random.normal(ks[3], (C, C), dtype=jnp.float32) * s
    inp['e1_b2'] = jnp.zeros((C,), dtype=jnp.float32)
    inp['e1_a2'] = jnp.array(0.25, dtype=jnp.float32)
    inp['e2_w1'] = jax.random.normal(ks[4], (C, C), dtype=jnp.float32) * s
    inp['e2_b1'] = jnp.zeros((C,), dtype=jnp.float32)
    inp['e2_a1'] = jnp.array(0.25, dtype=jnp.float32)
    inp['e2_w2'] = jax.random.normal(ks[5], (C, C), dtype=jnp.float32) * s
    inp['e2_b2'] = jnp.zeros((C,), dtype=jnp.float32)
    inp['e2_a2'] = jnp.array(0.25, dtype=jnp.float32)
    inp['fc_w'] = jax.random.normal(ks[6], (C, 2 * C), dtype=jnp.float32) * s
    inp['attn_l'] = jax.random.normal(ks[7], (C,), dtype=jnp.float32) * s
    inp['attn_r'] = jax.random.normal(ks[8], (C,), dtype=jnp.float32) * s
    inp['gat_b'] = jnp.zeros((C,), dtype=jnp.float32)
    inp['u_w1'] = jax.random.normal(ks[9], (C, C, 3, 3), dtype=jnp.float32) * s
    inp['u_b1'] = jnp.zeros((C,), dtype=jnp.float32)
    inp['u_a1'] = jnp.array(0.25, dtype=jnp.float32)
    inp['u_w2'] = jax.random.normal(ks[10], (C, C, 3, 3), dtype=jnp.float32) * s
    inp['u_b2'] = jnp.zeros((C,), dtype=jnp.float32)
    inp['u_a2'] = jnp.array(0.25, dtype=jnp.float32)
    return inp


def reference(msi_image, hsi_image, e1_w1, e1_b1, e1_a1, e1_w2, e1_b2, e1_a2, e2_w1, e2_b1, e2_a1, e2_w2, e2_b2, e2_a2, fc_w, attn_l, attn_r, gat_b, u_w1, u_b1, u_a1, u_w2, u_b2, u_a2):
    return _forward(msi_image, hsi_image, e1_w1, e1_b1, e1_a1, e1_w2, e1_b2, e1_a2, e2_w1, e2_b1, e2_a1, e2_w2, e2_b2, e2_a2, fc_w, attn_l, attn_r, gat_b, u_w1, u_b1, u_a1, u_w2, u_b2, u_a2)

if __name__ == "__main__":
    import jax
    _d = setup_inputs()
    print(jax.jit(kernel)(*tuple(_d.values())))

</pallas_src>

<mosaic_0001>
module attributes {stable_mosaic.version = 14 : i64} {
  func.func @_embed_kernel(%arg0: i32, %arg1: memref<1x4096x128xf32, #tpu.memory_space<vmem>>, %arg2: memref<1x4096x128xf32, #tpu.memory_space<vmem>>, %arg3: memref<128x128xf32, #tpu.memory_space<vmem>>, %arg4: memref<1x128xf32, #tpu.memory_space<vmem>>, %arg5: memref<1x1xf32, #tpu.memory_space<vmem>>, %arg6: memref<128x128xf32, #tpu.memory_space<vmem>>, %arg7: memref<1x128xf32, #tpu.memory_space<vmem>>, %arg8: memref<1x1xf32, #tpu.memory_space<vmem>>, %arg9: memref<128x128xf32, #tpu.memory_space<vmem>>, %arg10: memref<1x128xf32, #tpu.memory_space<vmem>>, %arg11: memref<1x1xf32, #tpu.memory_space<vmem>>, %arg12: memref<128x128xf32, #tpu.memory_space<vmem>>, %arg13: memref<1x128xf32, #tpu.memory_space<vmem>>, %arg14: memref<1x1xf32, #tpu.memory_space<vmem>>, %arg15: memref<128x128xf32, #tpu.memory_space<vmem>>, %arg16: memref<128x128xf32, #tpu.memory_space<vmem>>, %arg17: memref<1x128xf32, #tpu.memory_space<vmem>>, %arg18: memref<1x128xf32, #tpu.memory_space<vmem>>, %arg19: memref<1x4096x128xf32, #tpu.memory_space<vmem>>, %arg20: memref<1x4096x128xf32, #tpu.memory_space<vmem>>, %arg21: memref<1x4096x128xf32, #tpu.memory_space<vmem>>, %arg22: memref<1x1x4096xf32, #tpu.memory_space<vmem>>, %arg23: memref<1x1x4096xf32, #tpu.memory_space<vmem>>) attributes {dimension_semantics = [#tpu.dimension_semantics<arbitrary>], iteration_bounds = array<i64: 4>, scalar_prefetch = 0 : i64, scratch_operands = 0 : i64, tpu.core_type = #tpu.core_type<tc>, window_params = [{transform_indices = @transform_0, window_bounds = array<i64: 1, 4096, 128>}, {transform_indices = @transform_1, window_bounds = array<i64: 1, 4096, 128>}, {pipeline_mode = #tpu.pipeline_mode<synchronous>, transform_indices = @transform_2, window_bounds = array<i64: 128, 128>}, {pipeline_mode = #tpu.pipeline_mode<synchronous>, transform_indices = @transform_3, window_bounds = array<i64: 1, 128>}, {pipeline_mode = #tpu.pipeline_mode<synchronous>, transform_indices = @transform_4, window_bounds = array<i64: 1, 1>}, {pipeline_mode = #tpu.pipeline_mode<synchronous>, transform_indices = @transform_5, window_bounds = array<i64: 128, 128>}, {pipeline_mode = #tpu.pipeline_mode<synchronous>, transform_indices = @transform_6, window_bounds = array<i64: 1, 128>}, {pipeline_mode = #tpu.pipeline_mode<synchronous>, transform_indices = @transform_7, window_bounds = array<i64: 1, 1>}, {pipeline_mode = #tpu.pipeline_mode<synchronous>, transform_indices = @transform_8, window_bounds = array<i64: 128, 128>}, {pipeline_mode = #tpu.pipeline_mode<synchronous>, transform_indices = @transform_9, window_bounds = array<i64: 1, 128>}, {pipeline_mode = #tpu.pipeline_mode<synchronous>, transform_indices = @transform_10, window_bounds = array<i64: 1, 1>}, {pipeline_mode = #tpu.pipeline_mode<synchronous>, transform_indices = @transform_11, window_bounds = array<i64: 128, 128>}, {pipeline_mode = #tpu.pipeline_mode<synchronous>, transform_indices = @transform_12, window_bounds = array<i64: 1, 128>}, {pipeline_mode = #tpu.pipeline_mode<synchronous>, transform_indices = @transform_13, window_bounds = array<i64: 1, 1>}, {pipeline_mode = #tpu.pipeline_mode<synchronous>, transform_indices = @transform_14, window_bounds = array<i64: 128, 128>}, {pipeline_mode = #tpu.pipeline_mode<synchronous>, transform_indices = @transform_15, window_bounds = array<i64: 128, 128>}, {pipeline_mode = #tpu.pipeline_mode<synchronous>, transform_indices = @transform_16, window_bounds = array<i64: 1, 128>}, {pipeline_mode = #tpu.pipeline_mode<synchronous>, transform_indices = @transform_17, window_bounds = array<i64: 1, 128>}, {transform_indices = @transform_18, window_bounds = array<i64: 1, 4096, 128>}, {transform_indices = @transform_19, window_bounds = array<i64: 1, 4096, 128>}, {transform_indices = @transform_20, window_bounds = array<i64: 1, 4096, 128>}, {transform_indices = @transform_21, window_bounds = array<i64: 1, 1, 4096>}, {transform_indices = @transform_22, window_bounds = array<i64: 1, 1, 4096>}]} {
    %get3A = arith.constant 0 : index
    %get3A_0 = arith.constant 0 : index
    %get3A_1 = arith.constant 0 : index
    %get3A_2 = vector.load %arg1[%get3A, %get3A_0, %get3A_1] : memref<1x4096x128xf32, #tpu.memory_space<vmem>>, vector<1x4096x128xf32>
    %get3A_3 = vector.shape_cast %get3A_2 : vector<1x4096x128xf32> to vector<4096x128xf32>
    %get3A_4 = arith.constant 0 : index
    %get3A_5 = arith.constant 0 : index
    %get3A_6 = arith.constant 0 : index
    %get3A_7 = vector.load %arg2[%get3A_4, %get3A_5, %get3A_6] : memref<1x4096x128xf32, #tpu.memory_space<vmem>>, vector<1x4096x128xf32>
    %get3A_8 = vector.shape_cast %get3A_7 : vector<1x4096x128xf32> to vector<4096x128xf32>
    %get3A_9 = arith.constant 0 : index
    %get3A_10 = arith.constant 0 : index
    %get3A_11 = vector.load %arg3[%get3A_9, %get3A_10] : memref<128x128xf32, #tpu.memory_space<vmem>>, vector<128x128xf32>
    %dot_general3A = arith.constant dense<0.000000e+00> : vector<4096x128xf32>
    %dot_general3A_12 = tpu.matmul %get3A_3, %get3A_11, %dot_general3A {dimension_numbers = #tpu.dot_dimension_numbers<[1], [0], [0], [1], [0, 0, 1, 1], [], []>, transpose_lhs_hint = false} : vector<4096x128xf32>, vector<128x128xf32>, vector<4096x128xf32> -> vector<4096x128xf32>
    %get3A_13 = arith.constant 0 : index
    %get3A_14 = arith.constant 0 : index
    %get3A_15 = vector.load %arg4[%get3A_13, %get3A_14] : memref<1x128xf32, #tpu.memory_space<vmem>>, vector<1x128xf32>
    %add3A = vector.broadcast %get3A_15 : vector<1x128xf32> to vector<4096x128xf32>
    %add3A_16 = arith.addf %dot_general3A_12, %add3A : vector<4096x128xf32>
    %get3A_17 = arith.constant 0 : index
    %get3A_18 = arith.constant 0 : index
    %get3A_19 = vector.load %arg5[%get3A_17, %get3A_18] : memref<1x1xf32, #tpu.memory_space<vmem>>, vector<1x1xf32>
    %get3A_20 = vector.extract %get3A_19[0, 0] : f32 from vector<1x1xf32>
    %ge3A = arith.constant 0.000000e+00 : f32
    %ge3A_21 = vector.broadcast %ge3A : f32 to vector<4096x128xf32>
    %ge3A_22 = arith.cmpf oge, %add3A_16, %ge3A_21 : vector<4096x128xf32>
    %mul3A = vector.broadcast %get3A_20 : f32 to vector<4096x128xf32>
    %mul3A_23 = arith.mulf %mul3A, %add3A_16 : vector<4096x128xf32>
    %select_n3A = arith.select %ge3A_22, %add3A_16, %mul3A_23 : vector<4096x128xi1>, vector<4096x128xf32>
    %get3A_24 = arith.constant 0 : index
    %get3A_25 = arith.constant 0 : index
    %get3A_26 = vector.load %arg6[%get3A_24, %get3A_25] : memref<128x128xf32, #tpu.memory_space<vmem>>, vector<128x128xf32>
    %dot_general3A_27 = arith.constant dense<0.000000e+00> : vector<4096x128xf32>
    %dot_general3A_28 = tpu.matmul %select_n3A, %get3A_26, %dot_general3A_27 {dimension_numbers = #tpu.dot_dimension_numbers<[1], [0], [0], [1], [0, 0, 1, 1], [], []>, transpose_lhs_hint = false} : vector<4096x128xf32>, vector<128x128xf32>, vector<4096x128xf32> -> vector<4096x128xf32>
    %get3A_29 = arith.constant 0 : index
    %get3A_30 = arith.constant 0 : index
    %get3A_31 = vector.load %arg7[%get3A_29, %get3A_30] : memref<1x128xf32, #tpu.memory_space<vmem>>, vector<1x128xf32>
    %add3A_32 = vector.broadcast %get3A_31 : vector<1x128xf32> to vector<4096x128xf32>
    %add3A_33 = arith.addf %dot_general3A_28, %add3A_32 : vector<4096x128xf32>
    %get3A_34 = arith.constant 0 : index
    %get3A_35 = arith.constant 0 : index
    %get3A_36 = vector.load %arg8[%get3A_34, %get3A_35] : memref<1x1xf32, #tpu.memory_space<vmem>>, vector<1x1xf32>
    %get3A_37 = vector.extract %get3A_36[0, 0] : f32 from vector<1x1xf32>
    %ge3A_38 = arith.constant 0.000000e+00 : f32
    %ge3A_39 = vector.broadcast %ge3A_38 : f32 to vector<4096x128xf32>
    %ge3A_40 = arith.cmpf oge, %add3A_33, %ge3A_39 : vector<4096x128xf32>
    %mul3A_41 = vector.broadcast %get3A_37 : f32 to vector<4096x128xf32>
    %mul3A_42 = arith.mulf %mul3A_41, %add3A_33 : vector<4096x128xf32>
    %select_n3A_43 = arith.select %ge3A_40, %add3A_33, %mul3A_42 : vector<4096x128xi1>, vector<4096x128xf32>
    %get3A_44 = arith.constant 0 : index
    %get3A_45 = arith.constant 0 : index
    %get3A_46 = vector.load %arg9[%get3A_44, %get3A_45] : memref<128x128xf32, #tpu.memory_space<vmem>>, vector<128x128xf32>
    %dot_general3A_47 = arith.constant dense<0.000000e+00> : vector<4096x128xf32>
    %dot_general3A_48 = tpu.matmul %get3A_8, %get3A_46, %dot_general3A_47 {dimension_numbers = #tpu.dot_dimension_numbers<[1], [0], [0], [1], [0, 0, 1, 1], [], []>, transpose_lhs_hint = false} : vector<4096x128xf32>, vector<128x128xf32>, vector<4096x128xf32> -> vector<4096x128xf32>
    %get3A_49 = arith.constant 0 : index
    %get3A_50 = arith.constant 0 : index
    %get3A_51 = vector.load %arg10[%get3A_49, %get3A_50] : memref<1x128xf32, #tpu.memory_space<vmem>>, vector<1x128xf32>
    %add3A_52 = vector.broadcast %get3A_51 : vector<1x128xf32> to vector<4096x128xf32>
    %add3A_53 = arith.addf %dot_general3A_48, %add3A_52 : vector<4096x128xf32>
    %get3A_54 = arith.constant 0 : index
    %get3A_55 = arith.constant 0 : index
    %get3A_56 = vector.load %arg11[%get3A_54, %get3A_55] : memref<1x1xf32, #tpu.memory_space<vmem>>, vector<1x1xf32>
    %get3A_57 = vector.extract %get3A_56[0, 0] : f32 from vector<1x1xf32>
    %ge3A_58 = arith.constant 0.000000e+00 : f32
    %ge3A_59 = vector.broadcast %ge3A_58 : f32 to vector<4096x128xf32>
    %ge3A_60 = arith.cmpf oge, %add3A_53, %ge3A_59 : vector<4096x128xf32>
    %mul3A_61 = vector.broadcast %get3A_57 : f32 to vector<4096x128xf32>
    %mul3A_62 = arith.mulf %mul3A_61, %add3A_53 : vector<4096x128xf32>
    %select_n3A_63 = arith.select %ge3A_60, %add3A_53, %mul3A_62 : vector<4096x128xi1>, vector<4096x128xf32>
    %get3A_64 = arith.constant 0 : index
    %get3A_65 = arith.constant 0 : index
    %get3A_66 = vector.load %arg12[%get3A_64, %get3A_65] : memref<128x128xf32, #tpu.memory_space<vmem>>, vector<128x128xf32>
    %dot_general3A_67 = arith.constant dense<0.000000e+00> : vector<4096x128xf32>
    %dot_general3A_68 = tpu.matmul %select_n3A_63, %get3A_66, %dot_general3A_67 {dimension_numbers = #tpu.dot_dimension_numbers<[1], [0], [0], [1], [0, 0, 1, 1], [], []>, transpose_lhs_hint = false} : vector<4096x128xf32>, vector<128x128xf32>, vector<4096x128xf32> -> vector<4096x128xf32>
    %get3A_69 = arith.constant 0 : index
    %get3A_70 = arith.constant 0 : index
    %get3A_71 = vector.load %arg13[%get3A_69, %get3A_70] : memref<1x128xf32, #tpu.memory_space<vmem>>, vector<1x128xf32>
    %add3A_72 = vector.broadcast %get3A_71 : vector<1x128xf32> to vector<4096x128xf32>
    %add3A_73 = arith.addf %dot_general3A_68, %add3A_72 : vector<4096x128xf32>
    %get3A_74 = arith.constant 0 : index
    %get3A_75 = arith.constant 0 : index
    %get3A_76 = vector.load %arg14[%get3A_74, %get3A_75] : memref<1x1xf32, #tpu.memory_space<vmem>>, vector<1x1xf32>
    %get3A_77 = vector.extract %get3A_76[0, 0] : f32 from vector<1x1xf32>
    %ge3A_78 = arith.constant 0.000000e+00 : f32
    %ge3A_79 = vector.broadcast %ge3A_78 : f32 to vector<4096x128xf32>
    %ge3A_80 = arith.cmpf oge, %add3A_73, %ge3A_79 : vector<4096x128xf32>
    %mul3A_81 = vector.broadcast %get3A_77 : f32 to vector<4096x128xf32>
    %mul3A_82 = arith.mulf %mul3A_81, %add3A_73 : vector<4096x128xf32>
    %select_n3A_83 = arith.select %ge3A_80, %add3A_73, %mul3A_82 : vector<4096x128xi1>, vector<4096x128xf32>
    %swap3A = arith.constant 0 : index
    %swap3A_84 = arith.constant 0 : index
    %swap3A_85 = arith.constant 0 : index
    %swap3A_86 = vector.load %arg19[%swap3A, %swap3A_84, %swap3A_85] : memref<1x4096x128xf32, #tpu.memory_space<vmem>>, vector<1x4096x128xf32>
    %swap3A_87 = vector.shape_cast %swap3A_86 : vector<1x4096x128xf32> to vector<4096x128xf32>
    %swap3A_88 = vector.shape_cast %select_n3A_43 : vector<4096x128xf32> to vector<1x4096x128xf32>
    tpu.vector_store %arg19[%swap3A, %swap3A_84, %swap3A_85], %swap3A_88 {strides = array<i32>} : memref<1x4096x128xf32, #tpu.memory_space<vmem>>, vector<1x4096x128xf32>,
    %swap3A_89 = arith.constant 0 : index
    %swap3A_90 = arith.constant 0 : index
    %swap3A_91 = arith.constant 0 : index
    %swap3A_92 = vector.load %arg20[%swap3A_89, %swap3A_90, %swap3A_91] : memref<1x4096x128xf32, #tpu.memory_space<vmem>>, vector<1x4096x128xf32>
    %swap3A_93 = vector.shape_cast %swap3A_92 : vector<1x4096x128xf32> to vector<4096x128xf32>
    %swap3A_94 = vector.shape_cast %select_n3A_83 : vector<4096x128xf32> to vector<1x4096x128xf32>
    tpu.vector_store %arg20[%swap3A_89, %swap3A_90, %swap3A_91], %swap3A_94 {strides = array<i32>} : memref<1x4096x128xf32, #tpu.memory_space<vmem>>, vector<1x4096x128xf32>,
    %get3A_95 = arith.constant 0 : index
    %get3A_96 = arith.constant 0 : index
    %get3A_97 = vector.load %arg15[%get3A_95, %get3A_96] : memref<128x128xf32, #tpu.memory_space<vmem>>, vector<128x128xf32>
    %dot_general3A_98 = arith.constant dense<0.000000e+00> : vector<4096x128xf32>
    %dot_general3A_99 = tpu.matmul %select_n3A_43, %get3A_97, %dot_general3A_98 {dimension_numbers = #tpu.dot_dimension_numbers<[1], [0], [0], [1], [0, 0, 1, 1], [], []>, transpose_lhs_hint = false} : vector<4096x128xf32>, vector<128x128xf32>, vector<4096x128xf32> -> vector<4096x128xf32>
    %get3A_100 = arith.constant 0 : index
    %get3A_101 = arith.constant 0 : index
    %get3A_102 = vector.load %arg16[%get3A_100, %get3A_101] : memref<128x128xf32, #tpu.memory_space<vmem>>, vector<128x128xf32>
    %dot_general3A_103 = arith.constant dense<0.000000e+00> : vector<4096x128xf32>
    %dot_general3A_104 = tpu.matmul %select_n3A_83, %get3A_102, %dot_general3A_103 {dimension_numbers = #tpu.dot_dimension_numbers<[1], [0], [0], [1], [0, 0, 1, 1], [], []>, transpose_lhs_hint = false} : vector<4096x128xf32>, vector<128x128xf32>, vector<4096x128xf32> -> vector<4096x128xf32>
    %add3A_105 = arith.addf %dot_general3A_99, %dot_general3A_104 : vector<4096x128xf32>
    %swap3A_106 = arith.constant 0 : index
    %swap3A_107 = arith.constant 0 : index
    %swap3A_108 = arith.constant 0 : index
    %swap3A_109 = vector.load %arg21[%swap3A_106, %swap3A_107, %swap3A_108] : memref<1x4096x128xf32, #tpu.memory_space<vmem>>, vector<1x4096x128xf32>
    %swap3A_110 = vector.shape_cast %swap3A_109 : vector<1x4096x128xf32> to vector<4096x128xf32>
    %swap3A_111 = vector.shape_cast %add3A_105 : vector<4096x128xf32> to vector<1x4096x128xf32>
    tpu.vector_store %arg21[%swap3A_106, %swap3A_107, %swap3A_108], %swap3A_111 {strides = array<i32>} : memref<1x4096x128xf32, #tpu.memory_space<vmem>>, vector<1x4096x128xf32>,
    %get3A_112 = arith.constant 0 : index
    %get3A_113 = arith.constant 0 : index
    %get3A_114 = vector.load %arg17[%get3A_112, %get3A_113] : memref<1x128xf32, #tpu.memory_space<vmem>>, vector<1x128xf32>
    %mul3A_115 = vector.broadcast %get3A_114 : vector<1x128xf32> to vector<4096x128xf32>
    %mul3A_116 = arith.mulf %add3A_105, %mul3A_115 : vector<4096x128xf32>
    %reduce_sum3A = arith.constant dense<0.000000e+00> : vector<4096xf32>
    %reduce_sum3A_117 = vector.multi_reduction <add>, %mul3A_116, %reduce_sum3A [1] : vector<4096x128xf32> to vector<4096xf32>
    %reshape3A = vector.shape_cast %reduce_sum3A_117 : vector<4096xf32> to vector<1x4096xf32>
    %swap3A_118 = arith.constant 0 : index
    %swap3A_119 = arith.constant 0 : index
    %swap3A_120 = arith.constant 0 : index
    %swap3A_121 = vector.load %arg22[%swap3A_118, %swap3A_119, %swap3A_120] : memref<1x1x4096xf32, #tpu.memory_space<vmem>>, vector<1x1x4096xf32>
    %swap3A_122 = vector.shape_cast %swap3A_121 : vector<1x1x4096xf32> to vector<1x4096xf32>
    %swap3A_123 = vector.shape_cast %reshape3A : vector<1x4096xf32> to vector<1x1x4096xf32>
    tpu.vector_store %arg22[%swap3A_118, %swap3A_119, %swap3A_120], %swap3A_123 {strides = array<i32>} : memref<1x1x4096xf32, #tpu.memory_space<vmem>>, vector<1x1x4096xf32>,
    %get3A_124 = arith.constant 0 : index
    %get3A_125 = arith.constant 0 : index
    %get3A_126 = vector.load %arg18[%get3A_124, %get3A_125] : memref<1x128xf32, #tpu.memory_space<vmem>>, vector<1x128xf32>
    %mul3A_127 = vector.broadcast %get3A_126 : vector<1x128xf32> to vector<4096x128xf32>
    %mul3A_128 = arith.mulf %add3A_105, %mul3A_127 : vector<4096x128xf32>
    %reduce_sum3A_129 = arith.constant dense<0.000000e+00> : vector<4096xf32>
    %reduce_sum3A_130 = vector.multi_reduction <add>, %mul3A_128, %reduce_sum3A_129 [1] : vector<4096x128xf32> to vector<4096xf32>
    %reshape3A_131 = vector.shape_cast %reduce_sum3A_130 : vector<4096xf32> to vector<1x4096xf32>
    %swap3A_132 = arith.constant 0 : index
    %swap3A_133 = arith.constant 0 : index
    %swap3A_134 = arith.constant 0 : index
    %swap3A_135 = vector.load %arg23[%swap3A_132, %swap3A_133, %swap3A_134] : memref<1x1x4096xf32, #tpu.memory_space<vmem>>, vector<1x1x4096xf32>
    %swap3A_136 = vector.shape_cast %swap3A_135 : vector<1x1x4096xf32> to vector<1x4096xf32>
    %swap3A_137 = vector.shape_cast %reshape3A_131 : vector<1x4096xf32> to vector<1x1x4096xf32>
    tpu.vector_store %arg23[%swap3A_132, %swap3A_133, %swap3A_134], %swap3A_137 {strides = array<i32>} : memref<1x1x4096xf32, #tpu.memory_space<vmem>>, vector<1x1x4096xf32>,
    return
  }
  func.func @transform_0(%arg0: i32) -> (i32, i32, i32) {
    %c0_i32 = arith.constant 0 : i32
    %c0_i32_0 = arith.constant 0 : i32
    %c0_i32_1 = arith.constant 0 : i32
    return %arg0, %c0_i32, %c0_i32_0 : i32, i32, i32
  }
  func.func @transform_1(%arg0: i32) -> (i32, i32, i32) {
    %c0_i32 = arith.constant 0 : i32
    %c0_i32_0 = arith.constant 0 : i32
    %c0_i32_1 = arith.constant 0 : i32
    return %arg0, %c0_i32, %c0_i32_0 : i32, i32, i32
  }
  func.func @transform_2(%arg0: i32) -> (i32, i32) {
    %c0_i32 = arith.constant 0 : i32
    %c0_i32_0 = arith.constant 0 : i32
    %c0_i32_1 = arith.constant 0 : i32
    return %c0_i32, %c0_i32_0 : i32, i32
  }
  func.func @transform_3(%arg0: i32) -> (i32, i32) {
    %c0_i32 = arith.constant 0 : i32
    %c0_i32_0 = arith.constant 0 : i32
    %c0_i32_1 = arith.constant 0 : i32
    return %c0_i32, %c0_i32_0 : i32, i32
  }
  func.func @transform_4(%arg0: i32) -> (i32, i32) {
    %c0_i32 = arith.constant 0 : i32
    %c0_i32_0 = arith.constant 0 : i32
    %c0_i32_1 = arith.constant 0 : i32
    return %c0_i32, %c0_i32_0 : i32, i32
  }
  func.func @transform_5(%arg0: i32) -> (i32, i32) {
    %c0_i32 = arith.constant 0 : i32
    %c0_i32_0 = arith.constant 0 : i32
    %c0_i32_1 = arith.constant 0 : i32
    return %c0_i32, %c0_i32_0 : i32, i32
  }
  func.func @transform_6(%arg0: i32) -> (i32, i32) {
    %c0_i32 = arith.constant 0 : i32
    %c0_i32_0 = arith.constant 0 : i32
    %c0_i32_1 = arith.constant 0 : i32
    return %c0_i32, %c0_i32_0 : i32, i32
  }
  func.func @transform_7(%arg0: i32) -> (i32, i32) {
    %c0_i32 = arith.constant 0 : i32
    %c0_i32_0 = arith.constant 0 : i32
    %c0_i32_1 = arith.constant 0 : i32
    return %c0_i32, %c0_i32_0 : i32, i32
  }
  func.func @transform_8(%arg0: i32) -> (i32, i32) {
    %c0_i32 = arith.constant 0 : i32
    %c0_i32_0 = arith.constant 0 : i32
    %c0_i32_1 = arith.constant 0 : i32
    return %c0_i32, %c0_i32_0 : i32, i32
  }
  func.func @transform_9(%arg0: i32) -> (i32, i32) {
    %c0_i32 = arith.constant 0 : i32
    %c0_i32_0 = arith.constant 0 : i32
    %c0_i32_1 = arith.constant 0 : i32
    return %c0_i32, %c0_i32_0 : i32, i32
  }
  func.func @transform_10(%arg0: i32) -> (i32, i32) {
    %c0_i32 = arith.constant 0 : i32
    %c0_i32_0 = arith.constant 0 : i32
    %c0_i32_1 = arith.constant 0 : i32
    return %c0_i32, %c0_i32_0 : i32, i32
  }
  func.func @transform_11(%arg0: i32) -> (i32, i32) {
    %c0_i32 = arith.constant 0 : i32
    %c0_i32_0 = arith.constant 0 : i32
    %c0_i32_1 = arith.constant 0 : i32
    return %c0_i32, %c0_i32_0 : i32, i32
  }
  func.func @transform_12(%arg0: i32) -> (i32, i32) {
    %c0_i32 = arith.constant 0 : i32
    %c0_i32_0 = arith.constant 0 : i32
    %c0_i32_1 = arith.constant 0 : i32
    return %c0_i32, %c0_i32_0 : i32, i32
  }
  func.func @transform_13(%arg0: i32) -> (i32, i32) {
    %c0_i32 = arith.constant 0 : i32
    %c0_i32_0 = arith.constant 0 : i32
    %c0_i32_1 = arith.constant 0 : i32
    return %c0_i32, %c0_i32_0 : i32, i32
  }
  func.func @transform_14(%arg0: i32) -> (i32, i32) {
    %c0_i32 = arith.constant 0 : i32
    %c0_i32_0 = arith.constant 0 : i32
    %c0_i32_1 = arith.constant 0 : i32
    return %c0_i32, %c0_i32_0 : i32, i32
  }
  func.func @transform_15(%arg0: i32) -> (i32, i32) {
    %c0_i32 = arith.constant 0 : i32
    %c0_i32_0 = arith.constant 0 : i32
    %c0_i32_1 = arith.constant 0 : i32
    return %c0_i32, %c0_i32_0 : i32, i32
  }
  func.func @transform_16(%arg0: i32) -> (i32, i32) {
    %c0_i32 = arith.constant 0 : i32
    %c0_i32_0 = arith.constant 0 : i32
    %c0_i32_1 = arith.constant 0 : i32
    return %c0_i32, %c0_i32_0 : i32, i32
  }
  func.func @transform_17(%arg0: i32) -> (i32, i32) {
    %c0_i32 = arith.constant 0 : i32
    %c0_i32_0 = arith.constant 0 : i32
    %c0_i32_1 = arith.constant 0 : i32
    return %c0_i32, %c0_i32_0 : i32, i32
  }
  func.func @transform_18(%arg0: i32) -> (i32, i32, i32) {
    %c0_i32 = arith.constant 0 : i32
    %c0_i32_0 = arith.constant 0 : i32
    %c0_i32_1 = arith.constant 0 : i32
    return %arg0, %c0_i32, %c0_i32_0 : i32, i32, i32
  }
  func.func @transform_19(%arg0: i32) -> (i32, i32, i32) {
    %c0_i32 = arith.constant 0 : i32
    %c0_i32_0 = arith.constant 0 : i32
    %c0_i32_1 = arith.constant 0 : i32
    return %arg0, %c0_i32, %c0_i32_0 : i32, i32, i32
  }
  func.func @transform_20(%arg0: i32) -> (i32, i32, i32) {
    %c0_i32 = arith.constant 0 : i32
    %c0_i32_0 = arith.constant 0 : i32
    %c0_i32_1 = arith.constant 0 : i32
    return %arg0, %c0_i32, %c0_i32_0 : i32, i32, i32
  }
  func.func @transform_21(%arg0: i32) -> (i32, i32, i32) {
    %c0_i32 = arith.constant 0 : i32
    %c0_i32_0 = arith.constant 0 : i32
    %c0_i32_1 = arith.constant 0 : i32
    return %arg0, %c0_i32, %c0_i32_0 : i32, i32, i32
  }
  func.func @transform_22(%arg0: i32) -> (i32, i32, i32) {
    %c0_i32 = arith.constant 0 : i32
    %c0_i32_0 = arith.constant 0 : i32
    %c0_i32_1 = arith.constant 0 : i32
    return %arg0, %c0_i32, %c0_i32_0 : i32, i32, i32
  }
}

module attributes {stable_mosaic.version = 14 : i64} {
  func.func @_topk_kernel(%arg0: i32, %arg1: i32, %arg2: memref<1x512x128xf32, #tpu.memory_space<vmem>>, %arg3: memref<1x4096x128xf32, #tpu.memory_space<vmem>>, %arg4: memref<1x5x512xi32, #tpu.memory_space<vmem>>) attributes {dimension_semantics = [#tpu.dimension_semantics<arbitrary>, #tpu.dimension_semantics<arbitrary>], iteration_bounds = array<i64: 4, 8>, scalar_prefetch = 0 : i64, scratch_operands = 0 : i64, tpu.core_type = #tpu.core_type<tc>, window_params = [{transform_indices = @transform_0, window_bounds = array<i64: 1, 512, 128>}, {transform_indices = @transform_1, window_bounds = array<i64: 1, 4096, 128>}, {transform_indices = @transform_2, window_bounds = array<i64: 1, 5, 512>}]} {
    %get3A = arith.constant 0 : index
    %get3A_0 = arith.constant 0 : index
    %get3A_1 = arith.constant 0 : index
    %get3A_2 = vector.load %arg2[%get3A, %get3A_0, %get3A_1] : memref<1x512x128xf32, #tpu.memory_space<vmem>>, vector<1x512x128xf32>
    %get3A_3 = vector.shape_cast %get3A_2 : vector<1x512x128xf32> to vector<512x128xf32>
    %get3A_4 = arith.constant 0 : index
    %get3A_5 = arith.constant 0 : index
    %get3A_6 = arith.constant 0 : index
    %get3A_7 = vector.load %arg3[%get3A_4, %get3A_5, %get3A_6] : memref<1x4096x128xf32, #tpu.memory_space<vmem>>, vector<1x4096x128xf32>
    %get3A_8 = vector.shape_cast %get3A_7 : vector<1x4096x128xf32> to vector<4096x128xf32>
    %dot_general3A = arith.constant dense<0.000000e+00> : vector<512x4096xf32>
    %dot_general3A_9 = tpu.matmul %get3A_3, %get3A_8, %dot_general3A {dimension_numbers = #tpu.dot_dimension_numbers<[1], [1], [0], [0], [0, 0, 1, 0], [], []>, transpose_lhs_hint = false} : vector<512x128xf32>, vector<4096x128xf32>, vector<512x4096xf32> -> vector<512x4096xf32>
    %iota3A = tpu.iota {dimensions = array<i32: 1>} : vector<512x4096xi32>
    %reduce_max3A = arith.constant dense<0xFF800000> : vector<512xf32>
    %reduce_max3A_10 = vector.multi_reduction <maximumf>, %dot_general3A_9, %reduce_max3A [1] : vector<512x4096xf32> to vector<512xf32>
    %broadcast_in_dim3A = vector.shape_cast %reduce_max3A_10 : vector<512xf32> to vector<512x1xf32>
    %eq3A = vector.broadcast %broadcast_in_dim3A : vector<512x1xf32> to vector<512x4096xf32>
    %eq3A_11 = arith.cmpf oeq, %dot_general3A_9, %eq3A : vector<512x4096xf32>
    %jit3A = arith.constant 4096 : i32
    %broadcast_in_dim3A_12 = vector.broadcast %jit3A : i32 to vector<512x4096xi32>
    %select_n3A = arith.select %eq3A_11, %iota3A, %broadcast_in_dim3A_12 : vector<512x4096xi1>, vector<512x4096xi32>
    %reduce_min3A = arith.constant dense<2147483647> : vector<512xi32>
    %reduce_min3A_13 = vector.multi_reduction <minsi>, %select_n3A, %reduce_min3A [1] : vector<512x4096xi32> to vector<512xi32>
    %reshape3A = vector.shape_cast %reduce_min3A_13 : vector<512xi32> to vector<1x512xi32>
    %broadcast_in_dim3A_14 = vector.shape_cast %reduce_min3A_13 : vector<512xi32> to vector<512x1xi32>
    %eq3A_15 = vector.broadcast %broadcast_in_dim3A_14 : vector<512x1xi32> to vector<512x4096xi32>
    %eq3A_16 = arith.cmpi eq, %iota3A, %eq3A_15 : vector<512x4096xi32>
    %jit3A_17 = arith.constant 0xFF800000 : f32
    %broadcast_in_dim3A_18 = vector.broadcast %jit3A_17 : f32 to vector<512x4096xf32>
    %select_n3A_19 = arith.select %eq3A_16, %broadcast_in_dim3A_18, %dot_general3A_9 : vector<512x4096xi1>, vector<512x4096xf32>
    %reduce_max3A_20 = arith.constant dense<0xFF800000> : vector<512xf32>
    %reduce_max3A_21 = vector.multi_reduction <maximumf>, %select_n3A_19, %reduce_max3A_20 [1] : vector<512x4096xf32> to vector<512xf32>
    %broadcast_in_dim3A_22 = vector.shape_cast %reduce_max3A_21 : vector<512xf32> to vector<512x1xf32>
    %eq3A_23 = vector.broadcast %broadcast_in_dim3A_22 : vector<512x1xf32> to vector<512x4096xf32>
    %eq3A_24 = arith.cmpf oeq, %select_n3A_19, %eq3A_23 : vector<512x4096xf32>
    %jit3A_25 = arith.constant 4096 : i32
    %broadcast_in_dim3A_26 = vector.broadcast %jit3A_25 : i32 to vector<512x4096xi32>
    %select_n3A_27 = arith.select %eq3A_24, %iota3A, %broadcast_in_dim3A_26 : vector<512x4096xi1>, vector<512x4096xi32>
    %reduce_min3A_28 = arith.constant dense<2147483647> : vector<512xi32>
    %reduce_min3A_29 = vector.multi_reduction <minsi>, %select_n3A_27, %reduce_min3A_28 [1] : vector<512x4096xi32> to vector<512xi32>
    %reshape3A_30 = vector.shape_cast %reduce_min3A_29 : vector<512xi32> to vector<1x512xi32>
    %broadcast_in_dim3A_31 = vector.shape_cast %reduce_min3A_29 : vector<512xi32> to vector<512x1xi32>
    %eq3A_32 = vector.broadcast %broadcast_in_dim3A_31 : vector<512x1xi32> to vector<512x4096xi32>
    %eq3A_33 = arith.cmpi eq, %iota3A, %eq3A_32 : vector<512x4096xi32>
    %jit3A_34 = arith.constant 0xFF800000 : f32
    %broadcast_in_dim3A_35 = vector.broadcast %jit3A_34 : f32 to vector<512x4096xf32>
    %select_n3A_36 = arith.select %eq3A_33, %broadcast_in_dim3A_35, %select_n3A_19 : vector<512x4096xi1>, vector<512x4096xf32>
    %reduce_max3A_37 = arith.constant dense<0xFF800000> : vector<512xf32>
    %reduce_max3A_38 = vector.multi_reduction <maximumf>, %select_n3A_36, %reduce_max3A_37 [1] : vector<512x4096xf32> to vector<512xf32>
    %broadcast_in_dim3A_39 = vector.shape_cast %reduce_max3A_38 : vector<512xf32> to vector<512x1xf32>
    %eq3A_40 = vector.broadcast %broadcast_in_dim3A_39 : vector<512x1xf32> to vector<512x4096xf32>
    %eq3A_41 = arith.cmpf oeq, %select_n3A_36, %eq3A_40 : vector<512x4096xf32>
    %jit3A_42 = arith.constant 4096 : i32
    %broadcast_in_dim3A_43 = vector.broadcast %jit3A_42 : i32 to vector<512x4096xi32>
    %select_n3A_44 = arith.select %eq3A_41, %iota3A, %broadcast_in_dim3A_43 : vector<512x4096xi1>, vector<512x4096xi32>
    %reduce_min3A_45 = arith.constant dense<2147483647> : vector<512xi32>
    %reduce_min3A_46 = vector.multi_reduction <minsi>, %select_n3A_44, %reduce_min3A_45 [1] : vector<512x4096xi32> to vector<512xi32>
    %reshape3A_47 = vector.shape_cast %reduce_min3A_46 : vector<512xi32> to vector<1x512xi32>
    %broadcast_in_dim3A_48 = vector.shape_cast %reduce_min3A_46 : vector<512xi32> to vector<512x1xi32>
    %eq3A_49 = vector.broadcast %broadcast_in_dim3A_48 : vector<512x1xi32> to vector<512x4096xi32>
    %eq3A_50 = arith.cmpi eq, %iota3A, %eq3A_49 : vector<512x4096xi32>
    %jit3A_51 = arith.constant 0xFF800000 : f32
    %broadcast_in_dim3A_52 = vector.broadcast %jit3A_51 : f32 to vector<512x4096xf32>
    %select_n3A_53 = arith.select %eq3A_50, %broadcast_in_dim3A_52, %select_n3A_36 : vector<512x4096xi1>, vector<512x4096xf32>
    %reduce_max3A_54 = arith.constant dense<0xFF800000> : vector<512xf32>
    %reduce_max3A_55 = vector.multi_reduction <maximumf>, %select_n3A_53, %reduce_max3A_54 [1] : vector<512x4096xf32> to vector<512xf32>
    %broadcast_in_dim3A_56 = vector.shape_cast %reduce_max3A_55 : vector<512xf32> to vector<512x1xf32>
    %eq3A_57 = vector.broadcast %broadcast_in_dim3A_56 : vector<512x1xf32> to vector<512x4096xf32>
    %eq3A_58 = arith.cmpf oeq, %select_n3A_53, %eq3A_57 : vector<512x4096xf32>
    %jit3A_59 = arith.constant 4096 : i32
    %broadcast_in_dim3A_60 = vector.broadcast %jit3A_59 : i32 to vector<512x4096xi32>
    %select_n3A_61 = arith.select %eq3A_58, %iota3A, %broadcast_in_dim3A_60 : vector<512x4096xi1>, vector<512x4096xi32>
    %reduce_min3A_62 = arith.constant dense<2147483647> : vector<512xi32>
    %reduce_min3A_63 = vector.multi_reduction <minsi>, %select_n3A_61, %reduce_min3A_62 [1] : vector<512x4096xi32> to vector<512xi32>
    %reshape3A_64 = vector.shape_cast %reduce_min3A_63 : vector<512xi32> to vector<1x512xi32>
    %broadcast_in_dim3A_65 = vector.shape_cast %reduce_min3A_63 : vector<512xi32> to vector<512x1xi32>
    %eq3A_66 = vector.broadcast %broadcast_in_dim3A_65 : vector<512x1xi32> to vector<512x4096xi32>
    %eq3A_67 = arith.cmpi eq, %iota3A, %eq3A_66 : vector<512x4096xi32>
    %jit3A_68 = arith.constant 0xFF800000 : f32
    %broadcast_in_dim3A_69 = vector.broadcast %jit3A_68 : f32 to vector<512x4096xf32>
    %select_n3A_70 = arith.select %eq3A_67, %broadcast_in_dim3A_69, %select_n3A_53 : vector<512x4096xi1>, vector<512x4096xf32>
    %reduce_max3A_71 = arith.constant dense<0xFF800000> : vector<512xf32>
    %reduce_max3A_72 = vector.multi_reduction <maximumf>, %select_n3A_70, %reduce_max3A_71 [1] : vector<512x4096xf32> to vector<512xf32>
    %broadcast_in_dim3A_73 = vector.shape_cast %reduce_max3A_72 : vector<512xf32> to vector<512x1xf32>
    %eq3A_74 = vector.broadcast %broadcast_in_dim3A_73 : vector<512x1xf32> to vector<512x4096xf32>
    %eq3A_75 = arith.cmpf oeq, %select_n3A_70, %eq3A_74 : vector<512x4096xf32>
    %jit3A_76 = arith.constant 4096 : i32
    %broadcast_in_dim3A_77 = vector.broadcast %jit3A_76 : i32 to vector<512x4096xi32>
    %select_n3A_78 = arith.select %eq3A_75, %iota3A, %broadcast_in_dim3A_77 : vector<512x4096xi1>, vector<512x4096xi32>
    %reduce_min3A_79 = arith.constant dense<2147483647> : vector<512xi32>
    %reduce_min3A_80 = vector.multi_reduction <minsi>, %select_n3A_78, %reduce_min3A_79 [1] : vector<512x4096xi32> to vector<512xi32>
    %reshape3A_81 = vector.shape_cast %reduce_min3A_80 : vector<512xi32> to vector<1x512xi32>
    %concatenate3A = tpu.concatenate %reshape3A, %reshape3A_30, %reshape3A_47, %reshape3A_64, %reshape3A_81 in 0 : vector<1x512xi32>, vector<1x512xi32>, vector<1x512xi32>, vector<1x512xi32>, vector<1x512xi32> -> vector<5x512xi32>
    %swap3A = arith.constant 0 : index
    %swap3A_82 = arith.constant 0 : index
    %swap3A_83 = arith.constant 0 : index
    %swap3A_84 = vector.load %arg4[%swap3A, %swap3A_82, %swap3A_83] : memref<1x5x512xi32, #tpu.memory_space<vmem>>, vector<1x5x512xi32>
    %swap3A_85 = vector.shape_cast %swap3A_84 : vector<1x5x512xi32> to vector<5x512xi32>
    %swap3A_86 = vector.shape_cast %concatenate3A : vector<5x512xi32> to vector<1x5x512xi32>
    tpu.vector_store %arg4[%swap3A, %swap3A_82, %swap3A_83], %swap3A_86 {strides = array<i32>} : memref<1x5x512xi32, #tpu.memory_space<vmem>>, vector<1x5x512xi32>,
    return
  }
  func.func @transform_0(%arg0: i32, %arg1: i32) -> (i32, i32, i32) {
    %c0_i32 = arith.constant 0 : i32
    %c0_i32_0 = arith.constant 0 : i32
    return %arg0, %arg1, %c0_i32 : i32, i32, i32
  }
  func.func @transform_1(%arg0: i32, %arg1: i32) -> (i32, i32, i32) {
    %c0_i32 = arith.constant 0 : i32
    %c0_i32_0 = arith.constant 0 : i32
    %c0_i32_1 = arith.constant 0 : i32
    return %arg0, %c0_i32, %c0_i32_0 : i32, i32, i32
  }
  func.func @transform_2(%arg0: i32, %arg1: i32) -> (i32, i32, i32) {
    %c0_i32 = arith.constant 0 : i32
    %c0_i32_0 = arith.constant 0 : i32
    return %arg0, %c0_i32, %arg1 : i32, i32, i32
  }
}

module attributes {stable_mosaic.version = 14 : i64} {
  func.func @_conv_kernel(%arg0: i32, %arg1: memref<1x66x66x128xf32, #tpu.memory_space<vmem>>, %arg2: memref<1x4096x128xf32, #tpu.memory_space<vmem>>, %arg3: memref<9x128x128xf32, #tpu.memory_space<vmem>>, %arg4: memref<1x128xf32, #tpu.memory_space<vmem>>, %arg5: memref<1x1xf32, #tpu.memory_space<vmem>>, %arg6: memref<9x128x128xf32, #tpu.memory_space<vmem>>, %arg7: memref<1x128xf32, #tpu.memory_space<vmem>>, %arg8: memref<1x1xf32, #tpu.memory_space<vmem>>, %arg9: memref<1x4096x128xf32, #tpu.memory_space<vmem>>, %arg10: memref<66x66x128xf32, #tpu.memory_space<vmem>>) attributes {dimension_semantics = [#tpu.dimension_semantics<arbitrary>], iteration_bounds = array<i64: 4>, scalar_prefetch = 0 : i64, scratch_operands = 1 : i64, tpu.core_type = #tpu.core_type<tc>, window_params = [{transform_indices = @transform_0, window_bounds = array<i64: 1, 66, 66, 128>}, {transform_indices = @transform_1, window_bounds = array<i64: 1, 4096, 128>}, {pipeline_mode = #tpu.pipeline_mode<synchronous>, transform_indices = @transform_2, window_bounds = array<i64: 9, 128, 128>}, {pipeline_mode = #tpu.pipeline_mode<synchronous>, transform_indices = @transform_3, window_bounds = array<i64: 1, 128>}, {pipeline_mode = #tpu.pipeline_mode<synchronous>, transform_indices = @transform_4, window_bounds = array<i64: 1, 1>}, {pipeline_mode = #tpu.pipeline_mode<synchronous>, transform_indices = @transform_5, window_bounds = array<i64: 9, 128, 128>}, {pipeline_mode = #tpu.pipeline_mode<synchronous>, transform_indices = @transform_6, window_bounds = array<i64: 1, 128>}, {pipeline_mode = #tpu.pipeline_mode<synchronous>, transform_indices = @transform_7, window_bounds = array<i64: 1, 1>}, {transform_indices = @transform_8, window_bounds = array<i64: 1, 4096, 128>}]} {
    %get3A = arith.constant 0 : index
    %get3A_0 = arith.constant 0 : index
    %get3A_1 = arith.constant 0 : index
    %get3A_2 = arith.constant 0 : index
    %get3A_3 = vector.load %arg1[%get3A, %get3A_0, %get3A_1, %get3A_2] : memref<1x66x66x128xf32, #tpu.memory_space<vmem>>, vector<1x66x66x128xf32>
    %get3A_4 = vector.shape_cast %get3A_3 : vector<1x66x66x128xf32> to vector<66x66x128xf32>
    %broadcast_in_dim3A = arith.constant 0.000000e+00 : f32
    %broadcast_in_dim3A_5 = vector.broadcast %broadcast_in_dim3A : f32 to vector<4096x128xf32>
    %slice3A = vector.extract_strided_slice %get3A_4 {offsets = [0, 0, 0], sizes = [64, 64, 128], strides = [1, 1, 1]} : vector<66x66x128xf32> to vector<64x64x128xf32>
    %reshape3A = vector.shape_cast %slice3A : vector<64x64x128xf32> to vector<4096x128xf32>
    %get3A_6 = arith.constant 0 : index
    %get3A_7 = arith.constant 0 : index
    %get3A_8 = arith.constant 0 : index
    %get3A_9 = vector.load %arg3[%get3A_6, %get3A_7, %get3A_8] : memref<9x128x128xf32, #tpu.memory_space<vmem>>, vector<1x128x128xf32>
    %get3A_10 = vector.shape_cast %get3A_9 : vector<1x128x128xf32> to vector<128x128xf32>
    %dot_general3A = arith.constant dense<0.000000e+00> : vector<4096x128xf32>
    %dot_general3A_11 = tpu.matmul %reshape3A, %get3A_10, %dot_general3A {dimension_numbers = #tpu.dot_dimension_numbers<[1], [0], [0], [1], [0, 0, 1, 1], [], []>, transpose_lhs_hint = false} : vector<4096x128xf32>, vector<128x128xf32>, vector<4096x128xf32> -> vector<4096x128xf32>
    %add3A = arith.addf %broadcast_in_dim3A_5, %dot_general3A_11 : vector<4096x128xf32>
    %slice3A_12 = vector.extract_strided_slice %get3A_4 {offsets = [0, 1, 0], sizes = [64, 64, 128], strides = [1, 1, 1]} : vector<66x66x128xf32> to vector<64x64x128xf32>
    %reshape3A_13 = vector.shape_cast %slice3A_12 : vector<64x64x128xf32> to vector<4096x128xf32>
    %get3A_14 = arith.constant 1 : index
    %get3A_15 = arith.constant 0 : index
    %get3A_16 = arith.constant 0 : index
    %get3A_17 = vector.load %arg3[%get3A_14, %get3A_15, %get3A_16] : memref<9x128x128xf32, #tpu.memory_space<vmem>>, vector<1x128x128xf32>
    %get3A_18 = vector.shape_cast %get3A_17 : vector<1x128x128xf32> to vector<128x128xf32>
    %dot_general3A_19 = arith.constant dense<0.000000e+00> : vector<4096x128xf32>
    %dot_general3A_20 = tpu.matmul %reshape3A_13, %get3A_18, %dot_general3A_19 {dimension_numbers = #tpu.dot_dimension_numbers<[1], [0], [0], [1], [0, 0, 1, 1], [], []>, transpose_lhs_hint = false} : vector<4096x128xf32>, vector<128x128xf32>, vector<4096x128xf32> -> vector<4096x128xf32>
    %add3A_21 = arith.addf %add3A, %dot_general3A_20 : vector<4096x128xf32>
    %slice3A_22 = vector.extract_strided_slice %get3A_4 {offsets = [0, 2, 0], sizes = [64, 64, 128], strides = [1, 1, 1]} : vector<66x66x128xf32> to vector<64x64x128xf32>
    %reshape3A_23 = vector.shape_cast %slice3A_22 : vector<64x64x128xf32> to vector<4096x128xf32>
    %get3A_24 = arith.constant 2 : index
    %get3A_25 = arith.constant 0 : index
    %get3A_26 = arith.constant 0 : index
    %get3A_27 = vector.load %arg3[%get3A_24, %get3A_25, %get3A_26] : memref<9x128x128xf32, #tpu.memory_space<vmem>>, vector<1x128x128xf32>
    %get3A_28 = vector.shape_cast %get3A_27 : vector<1x128x128xf32> to vector<128x128xf32>
    %dot_general3A_29 = arith.constant dense<0.000000e+00> : vector<4096x128xf32>
    %dot_general3A_30 = tpu.matmul %reshape3A_23, %get3A_28, %dot_general3A_29 {dimension_numbers = #tpu.dot_dimension_numbers<[1], [0], [0], [1], [0, 0, 1, 1], [], []>, transpose_lhs_hint = false} : vector<4096x128xf32>, vector<128x128xf32>, vector<4096x128xf32> -> vector<4096x128xf32>
    %add3A_31 = arith.addf %add3A_21, %dot_general3A_30 : vector<4096x128xf32>
    %slice3A_32 = vector.extract_strided_slice %get3A_4 {offsets = [1, 0, 0], sizes = [64, 64, 128], strides = [1, 1, 1]} : vector<66x66x128xf32> to vector<64x64x128xf32>
    %reshape3A_33 = vector.shape_cast %slice3A_32 : vector<64x64x128xf32> to vector<4096x128xf32>
    %get3A_34 = arith.constant 3 : index
    %get3A_35 = arith.constant 0 : index
    %get3A_36 = arith.constant 0 : index
    %get3A_37 = vector.load %arg3[%get3A_34, %get3A_35, %get3A_36] : memref<9x128x128xf32, #tpu.memory_space<vmem>>, vector<1x128x128xf32>
    %get3A_38 = vector.shape_cast %get3A_37 : vector<1x128x128xf32> to vector<128x128xf32>
    %dot_general3A_39 = arith.constant dense<0.000000e+00> : vector<4096x128xf32>
    %dot_general3A_40 = tpu.matmul %reshape3A_33, %get3A_38, %dot_general3A_39 {dimension_numbers = #tpu.dot_dimension_numbers<[1], [0], [0], [1], [0, 0, 1, 1], [], []>, transpose_lhs_hint = false} : vector<4096x128xf32>, vector<128x128xf32>, vector<4096x128xf32> -> vector<4096x128xf32>
    %add3A_41 = arith.addf %add3A_31, %dot_general3A_40 : vector<4096x128xf32>
    %slice3A_42 = vector.extract_strided_slice %get3A_4 {offsets = [1, 1, 0], sizes = [64, 64, 128], strides = [1, 1, 1]} : vector<66x66x128xf32> to vector<64x64x128xf32>
    %reshape3A_43 = vector.shape_cast %slice3A_42 : vector<64x64x128xf32> to vector<4096x128xf32>
    %get3A_44 = arith.constant 4 : index
    %get3A_45 = arith.constant 0 : index
    %get3A_46 = arith.constant 0 : index
    %get3A_47 = vector.load %arg3[%get3A_44, %get3A_45, %get3A_46] : memref<9x128x128xf32, #tpu.memory_space<vmem>>, vector<1x128x128xf32>
    %get3A_48 = vector.shape_cast %get3A_47 : vector<1x128x128xf32> to vector<128x128xf32>
    %dot_general3A_49 = arith.constant dense<0.000000e+00> : vector<4096x128xf32>
    %dot_general3A_50 = tpu.matmul %reshape3A_43, %get3A_48, %dot_general3A_49 {dimension_numbers = #tpu.dot_dimension_numbers<[1], [0], [0], [1], [0, 0, 1, 1], [], []>, transpose_lhs_hint = false} : vector<4096x128xf32>, vector<128x128xf32>, vector<4096x128xf32> -> vector<4096x128xf32>
    %add3A_51 = arith.addf %add3A_41, %dot_general3A_50 : vector<4096x128xf32>
    %slice3A_52 = vector.extract_strided_slice %get3A_4 {offsets = [1, 2, 0], sizes = [64, 64, 128], strides = [1, 1, 1]} : vector<66x66x128xf32> to vector<64x64x128xf32>
    %reshape3A_53 = vector.shape_cast %slice3A_52 : vector<64x64x128xf32> to vector<4096x128xf32>
    %get3A_54 = arith.constant 5 : index
    %get3A_55 = arith.constant 0 : index
    %get3A_56 = arith.constant 0 : index
    %get3A_57 = vector.load %arg3[%get3A_54, %get3A_55, %get3A_56] : memref<9x128x128xf32, #tpu.memory_space<vmem>>, vector<1x128x128xf32>
    %get3A_58 = vector.shape_cast %get3A_57 : vector<1x128x128xf32> to vector<128x128xf32>
    %dot_general3A_59 = arith.constant dense<0.000000e+00> : vector<4096x128xf32>
    %dot_general3A_60 = tpu.matmul %reshape3A_53, %get3A_58, %dot_general3A_59 {dimension_numbers = #tpu.dot_dimension_numbers<[1], [0], [0], [1], [0, 0, 1, 1], [], []>, transpose_lhs_hint = false} : vector<4096x128xf32>, vector<128x128xf32>, vector<4096x128xf32> -> vector<4096x128xf32>
    %add3A_61 = arith.addf %add3A_51, %dot_general3A_60 : vector<4096x128xf32>
    %slice3A_62 = vector.extract_strided_slice %get3A_4 {offsets = [2, 0, 0], sizes = [64, 64, 128], strides = [1, 1, 1]} : vector<66x66x128xf32> to vector<64x64x128xf32>
    %reshape3A_63 = vector.shape_cast %slice3A_62 : vector<64x64x128xf32> to vector<4096x128xf32>
    %get3A_64 = arith.constant 6 : index
    %get3A_65 = arith.constant 0 : index
    %get3A_66 = arith.constant 0 : index
    %get3A_67 = vector.load %arg3[%get3A_64, %get3A_65, %get3A_66] : memref<9x128x128xf32, #tpu.memory_space<vmem>>, vector<1x128x128xf32>
    %get3A_68 = vector.shape_cast %get3A_67 : vector<1x128x128xf32> to vector<128x128xf32>
    %dot_general3A_69 = arith.constant dense<0.000000e+00> : vector<4096x128xf32>
    %dot_general3A_70 = tpu.matmul %reshape3A_63, %get3A_68, %dot_general3A_69 {dimension_numbers = #tpu.dot_dimension_numbers<[1], [0], [0], [1], [0, 0, 1, 1], [], []>, transpose_lhs_hint = false} : vector<4096x128xf32>, vector<128x128xf32>, vector<4096x128xf32> -> vector<4096x128xf32>
    %add3A_71 = arith.addf %add3A_61, %dot_general3A_70 : vector<4096x128xf32>
    %slice3A_72 = vector.extract_strided_slice %get3A_4 {offsets = [2, 1, 0], sizes = [64, 64, 128], strides = [1, 1, 1]} : vector<66x66x128xf32> to vector<64x64x128xf32>
    %reshape3A_73 = vector.shape_cast %slice3A_72 : vector<64x64x128xf32> to vector<4096x128xf32>
    %get3A_74 = arith.constant 7 : index
    %get3A_75 = arith.constant 0 : index
    %get3A_76 = arith.constant 0 : index
    %get3A_77 = vector.load %arg3[%get3A_74, %get3A_75, %get3A_76] : memref<9x128x128xf32, #tpu.memory_space<vmem>>, vector<1x128x128xf32>
    %get3A_78 = vector.shape_cast %get3A_77 : vector<1x128x128xf32> to vector<128x128xf32>
    %dot_general3A_79 = arith.constant dense<0.000000e+00> : vector<4096x128xf32>
    %dot_general3A_80 = tpu.matmul %reshape3A_73, %get3A_78, %dot_general3A_79 {dimension_numbers = #tpu.dot_dimension_numbers<[1], [0], [0], [1], [0, 0, 1, 1], [], []>, transpose_lhs_hint = false} : vector<4096x128xf32>, vector<128x128xf32>, vector<4096x128xf32> -> vector<4096x128xf32>
    %add3A_81 = arith.addf %add3A_71, %dot_general3A_80 : vector<4096x128xf32>
    %slice3A_82 = vector.extract_strided_slice %get3A_4 {offsets = [2, 2, 0], sizes = [64, 64, 128], strides = [1, 1, 1]} : vector<66x66x128xf32> to vector<64x64x128xf32>
    %reshape3A_83 = vector.shape_cast %slice3A_82 : vector<64x64x128xf32> to vector<4096x128xf32>
    %get3A_84 = arith.constant 8 : index
    %get3A_85 = arith.constant 0 : index
    %get3A_86 = arith.constant 0 : index
    %get3A_87 = vector.load %arg3[%get3A_84, %get3A_85, %get3A_86] : memref<9x128x128xf32, #tpu.memory_space<vmem>>, vector<1x128x128xf32>
    %get3A_88 = vector.shape_cast %get3A_87 : vector<1x128x128xf32> to vector<128x128xf32>
    %dot_general3A_89 = arith.constant dense<0.000000e+00> : vector<4096x128xf32>
    %dot_general3A_90 = tpu.matmul %reshape3A_83, %get3A_88, %dot_general3A_89 {dimension_numbers = #tpu.dot_dimension_numbers<[1], [0], [0], [1], [0, 0, 1, 1], [], []>, transpose_lhs_hint = false} : vector<4096x128xf32>, vector<128x128xf32>, vector<4096x128xf32> -> vector<4096x128xf32>
    %add3A_91 = arith.addf %add3A_81, %dot_general3A_90 : vector<4096x128xf32>
    %get3A_92 = arith.constant 0 : index
    %get3A_93 = arith.constant 0 : index
    %get3A_94 = vector.load %arg4[%get3A_92, %get3A_93] : memref<1x128xf32, #tpu.memory_space<vmem>>, vector<1x128xf32>
    %add3A_95 = vector.broadcast %get3A_94 : vector<1x128xf32> to vector<4096x128xf32>
    %add3A_96 = arith.addf %add3A_91, %add3A_95 : vector<4096x128xf32>
    %get3A_97 = arith.constant 0 : index
    %get3A_98 = arith.constant 0 : index
    %get3A_99 = vector.load %arg5[%get3A_97, %get3A_98] : memref<1x1xf32, #tpu.memory_space<vmem>>, vector<1x1xf32>
    %get3A_100 = vector.extract %get3A_99[0, 0] : f32 from vector<1x1xf32>
    %ge3A = arith.constant 0.000000e+00 : f32
    %ge3A_101 = vector.broadcast %ge3A : f32 to vector<4096x128xf32>
    %ge3A_102 = arith.cmpf oge, %add3A_96, %ge3A_101 : vector<4096x128xf32>
    %mul3A = vector.broadcast %get3A_100 : f32 to vector<4096x128xf32>
    %mul3A_103 = arith.mulf %mul3A, %add3A_96 : vector<4096x128xf32>
    %select_n3A = arith.select %ge3A_102, %add3A_96, %mul3A_103 : vector<4096x128xi1>, vector<4096x128xf32>
    %broadcast_in_dim3A_104 = arith.constant 0.000000e+00 : f32
    %broadcast_in_dim3A_105 = vector.broadcast %broadcast_in_dim3A_104 : f32 to vector<66x66x128xf32>
    %swap3A = arith.constant 0 : index
    %swap3A_106 = arith.constant 0 : index
    %swap3A_107 = arith.constant 0 : index
    %swap3A_108 = vector.load %arg10[%swap3A, %swap3A_106, %swap3A_107] : memref<66x66x128xf32, #tpu.memory_space<vmem>>, vector<66x66x128xf32>
    tpu.vector_store %arg10[%swap3A, %swap3A_106, %swap3A_107], %broadcast_in_dim3A_105 {strides = array<i32>} : memref<66x66x128xf32, #tpu.memory_space<vmem>>, vector<66x66x128xf32>,
    %reshape3A_109 = vector.shape_cast %select_n3A : vector<4096x128xf32> to vector<64x64x128xf32>
    %swap3A_110 = arith.constant 1 : index
    %swap3A_111 = arith.constant 1 : index
    %swap3A_112 = arith.constant 0 : index
    %swap3A_113 = vector.load %arg10[%swap3A_110, %swap3A_111, %swap3A_112] : memref<66x66x128xf32, #tpu.memory_space<vmem>>, vector<64x64x128xf32>
    tpu.vector_store %arg10[%swap3A_110, %swap3A_111, %swap3A_112], %reshape3A_109 {strides = array<i32>} : memref<66x66x128xf32, #tpu.memory_space<vmem>>, vector<64x64x128xf32>,
    %get3A_114 = arith.constant 0 : index
    %get3A_115 = arith.constant 0 : index
    %get3A_116 = arith.constant 0 : index
    %get3A_117 = vector.load %arg10[%get3A_114, %get3A_115, %get3A_116] : memref<66x66x128xf32, #tpu.memory_space<vmem>>, vector<66x66x128xf32>
    %broadcast_in_dim3A_118 = arith.constant 0.000000e+00 : f32
    %broadcast_in_dim3A_119 = vector.broadcast %broadcast_in_dim3A_118 : f32 to vector<4096x128xf32>
    %slice3A_120 = vector.extract_strided_slice %get3A_117 {offsets = [0, 0, 0], sizes = [64, 64, 128], strides = [1, 1, 1]} : vector<66x66x128xf32> to vector<64x64x128xf32>
    %reshape3A_121 = vector.shape_cast %slice3A_120 : vector<64x64x128xf32> to vector<4096x128xf32>
    %get3A_122 = arith.constant 0 : index
    %get3A_123 = arith.constant 0 : index
    %get3A_124 = arith.constant 0 : index
    %get3A_125 = vector.load %arg6[%get3A_122, %get3A_123, %get3A_124] : memref<9x128x128xf32, #tpu.memory_space<vmem>>, vector<1x128x128xf32>
    %get3A_126 = vector.shape_cast %get3A_125 : vector<1x128x128xf32> to vector<128x128xf32>
    %dot_general3A_127 = arith.constant dense<0.000000e+00> : vector<4096x128xf32>
    %dot_general3A_128 = tpu.matmul %reshape3A_121, %get3A_126, %dot_general3A_127 {dimension_numbers = #tpu.dot_dimension_numbers<[1], [0], [0], [1], [0, 0, 1, 1], [], []>, transpose_lhs_hint = false} : vector<4096x128xf32>, vector<128x128xf32>, vector<4096x128xf32> -> vector<4096x128xf32>
    %add3A_129 = arith.addf %broadcast_in_dim3A_119, %dot_general3A_128 : vector<4096x128xf32>
    %slice3A_130 = vector.extract_strided_slice %get3A_117 {offsets = [0, 1, 0], sizes = [64, 64, 128], strides = [1, 1, 1]} : vector<66x66x128xf32> to vector<64x64x128xf32>
    %reshape3A_131 = vector.shape_cast %slice3A_130 : vector<64x64x128xf32> to vector<4096x128xf32>
    %get3A_132 = arith.constant 1 : index
    %get3A_133 = arith.constant 0 : index
    %get3A_134 = arith.constant 0 : index
    %get3A_135 = vector.load %arg6[%get3A_132, %get3A_133, %get3A_134] : memref<9x128x128xf32, #tpu.memory_space<vmem>>, vector<1x128x128xf32>
    %get3A_136 = vector.shape_cast %get3A_135 : vector<1x128x128xf32> to vector<128x128xf32>
    %dot_general3A_137 = arith.constant dense<0.000000e+00> : vector<4096x128xf32>
    %dot_general3A_138 = tpu.matmul %reshape3A_131, %get3A_136, %dot_general3A_137 {dimension_numbers = #tpu.dot_dimension_numbers<[1], [0], [0], [1], [0, 0, 1, 1], [], []>, transpose_lhs_hint = false} : vector<4096x128xf32>, vector<128x128xf32>, vector<4096x128xf32> -> vector<4096x128xf32>
    %add3A_139 = arith.addf %add3A_129, %dot_general3A_138 : vector<4096x128xf32>
    %slice3A_140 = vector.extract_strided_slice %get3A_117 {offsets = [0, 2, 0], sizes = [64, 64, 128], strides = [1, 1, 1]} : vector<66x66x128xf32> to vector<64x64x128xf32>
    %reshape3A_141 = vector.shape_cast %slice3A_140 : vector<64x64x128xf32> to vector<4096x128xf32>
    %get3A_142 = arith.constant 2 : index
    %get3A_143 = arith.constant 0 : index
    %get3A_144 = arith.constant 0 : index
    %get3A_145 = vector.load %arg6[%get3A_142, %get3A_143, %get3A_144] : memref<9x128x128xf32, #tpu.memory_space<vmem>>, vector<1x128x128xf32>
    %get3A_146 = vector.shape_cast %get3A_145 : vector<1x128x128xf32> to vector<128x128xf32>
    %dot_general3A_147 = arith.constant dense<0.000000e+00> : vector<4096x128xf32>
    %dot_general3A_148 = tpu.matmul %reshape3A_141, %get3A_146, %dot_general3A_147 {dimension_numbers = #tpu.dot_dimension_numbers<[1], [0], [0], [1], [0, 0, 1, 1], [], []>, transpose_lhs_hint = false} : vector<4096x128xf32>, vector<128x128xf32>, vector<4096x128xf32> -> vector<4096x128xf32>
    %add3A_149 = arith.addf %add3A_139, %dot_general3A_148 : vector<4096x128xf32>
    %slice3A_150 = vector.extract_strided_slice %get3A_117 {offsets = [1, 0, 0], sizes = [64, 64, 128], strides = [1, 1, 1]} : vector<66x66x128xf32> to vector<64x64x128xf32>
    %reshape3A_151 = vector.shape_cast %slice3A_150 : vector<64x64x128xf32> to vector<4096x128xf32>
    %get3A_152 = arith.constant 3 : index
    %get3A_153 = arith.constant 0 : index
    %get3A_154 = arith.constant 0 : index
    %get3A_155 = vector.load %arg6[%get3A_152, %get3A_153, %get3A_154] : memref<9x128x128xf32, #tpu.memory_space<vmem>>, vector<1x128x128xf32>
    %get3A_156 = vector.shape_cast %get3A_155 : vector<1x128x128xf32> to vector<128x128xf32>
    %dot_general3A_157 = arith.constant dense<0.000000e+00> : vector<4096x128xf32>
    %dot_general3A_158 = tpu.matmul %reshape3A_151, %get3A_156, %dot_general3A_157 {dimension_numbers = #tpu.dot_dimension_numbers<[1], [0], [0], [1], [0, 0, 1, 1], [], []>, transpose_lhs_hint = false} : vector<4096x128xf32>, vector<128x128xf32>, vector<4096x128xf32> -> vector<4096x128xf32>
    %add3A_159 = arith.addf %add3A_149, %dot_general3A_158 : vector<4096x128xf32>
    %slice3A_160 = vector.extract_strided_slice %get3A_117 {offsets = [1, 1, 0], sizes = [64, 64, 128], strides = [1, 1, 1]} : vector<66x66x128xf32> to vector<64x64x128xf32>
    %reshape3A_161 = vector.shape_cast %slice3A_160 : vector<64x64x128xf32> to vector<4096x128xf32>
    %get3A_162 = arith.constant 4 : index
    %get3A_163 = arith.constant 0 : index
    %get3A_164 = arith.constant 0 : index
    %get3A_165 = vector.load %arg6[%get3A_162, %get3A_163, %get3A_164] : memref<9x128x128xf32, #tpu.memory_space<vmem>>, vector<1x128x128xf32>
    %get3A_166 = vector.shape_cast %get3A_165 : vector<1x128x128xf32> to vector<128x128xf32>
    %dot_general3A_167 = arith.constant dense<0.000000e+00> : vector<4096x128xf32>
    %dot_general3A_168 = tpu.matmul %reshape3A_161, %get3A_166, %dot_general3A_167 {dimension_numbers = #tpu.dot_dimension_numbers<[1], [0], [0], [1], [0, 0, 1, 1], [], []>, transpose_lhs_hint = false} : vector<4096x128xf32>, vector<128x128xf32>, vector<4096x128xf32> -> vector<4096x128xf32>
    %add3A_169 = arith.addf %add3A_159, %dot_general3A_168 : vector<4096x128xf32>
    %slice3A_170 = vector.extract_strided_slice %get3A_117 {offsets = [1, 2, 0], sizes = [64, 64, 128], strides = [1, 1, 1]} : vector<66x66x128xf32> to vector<64x64x128xf32>
    %reshape3A_171 = vector.shape_cast %slice3A_170 : vector<64x64x128xf32> to vector<4096x128xf32>
    %get3A_172 = arith.constant 5 : index
    %get3A_173 = arith.constant 0 : index
    %get3A_174 = arith.constant 0 : index
    %get3A_175 = vector.load %arg6[%get3A_172, %get3A_173, %get3A_174] : memref<9x128x128xf32, #tpu.memory_space<vmem>>, vector<1x128x128xf32>
    %get3A_176 = vector.shape_cast %get3A_175 : vector<1x128x128xf32> to vector<128x128xf32>
    %dot_general3A_177 = arith.constant dense<0.000000e+00> : vector<4096x128xf32>
    %dot_general3A_178 = tpu.matmul %reshape3A_171, %get3A_176, %dot_general3A_177 {dimension_numbers = #tpu.dot_dimension_numbers<[1], [0], [0], [1], [0, 0, 1, 1], [], []>, transpose_lhs_hint = false} : vector<4096x128xf32>, vector<128x128xf32>, vector<4096x128xf32> -> vector<4096x128xf32>
    %add3A_179 = arith.addf %add3A_169, %dot_general3A_178 : vector<4096x128xf32>
    %slice3A_180 = vector.extract_strided_slice %get3A_117 {offsets = [2, 0, 0], sizes = [64, 64, 128], strides = [1, 1, 1]} : vector<66x66x128xf32> to vector<64x64x128xf32>
    %reshape3A_181 = vector.shape_cast %slice3A_180 : vector<64x64x128xf32> to vector<4096x128xf32>
    %get3A_182 = arith.constant 6 : index
    %get3A_183 = arith.constant 0 : index
    %get3A_184 = arith.constant 0 : index
    %get3A_185 = vector.load %arg6[%get3A_182, %get3A_183, %get3A_184] : memref<9x128x128xf32, #tpu.memory_space<vmem>>, vector<1x128x128xf32>
    %get3A_186 = vector.shape_cast %get3A_185 : vector<1x128x128xf32> to vector<128x128xf32>
    %dot_general3A_187 = arith.constant dense<0.000000e+00> : vector<4096x128xf32>
    %dot_general3A_188 = tpu.matmul %reshape3A_181, %get3A_186, %dot_general3A_187 {dimension_numbers = #tpu.dot_dimension_numbers<[1], [0], [0], [1], [0, 0, 1, 1], [], []>, transpose_lhs_hint = false} : vector<4096x128xf32>, vector<128x128xf32>, vector<4096x128xf32> -> vector<4096x128xf32>
    %add3A_189 = arith.addf %add3A_179, %dot_general3A_188 : vector<4096x128xf32>
    %slice3A_190 = vector.extract_strided_slice %get3A_117 {offsets = [2, 1, 0], sizes = [64, 64, 128], strides = [1, 1, 1]} : vector<66x66x128xf32> to vector<64x64x128xf32>
    %reshape3A_191 = vector.shape_cast %slice3A_190 : vector<64x64x128xf32> to vector<4096x128xf32>
    %get3A_192 = arith.constant 7 : index
    %get3A_193 = arith.constant 0 : index
    %get3A_194 = arith.constant 0 : index
    %get3A_195 = vector.load %arg6[%get3A_192, %get3A_193, %get3A_194] : memref<9x128x128xf32, #tpu.memory_space<vmem>>, vector<1x128x128xf32>
    %get3A_196 = vector.shape_cast %get3A_195 : vector<1x128x128xf32> to vector<128x128xf32>
    %dot_general3A_197 = arith.constant dense<0.000000e+00> : vector<4096x128xf32>
    %dot_general3A_198 = tpu.matmul %reshape3A_191, %get3A_196, %dot_general3A_197 {dimension_numbers = #tpu.dot_dimension_numbers<[1], [0], [0], [1], [0, 0, 1, 1], [], []>, transpose_lhs_hint = false} : vector<4096x128xf32>, vector<128x128xf32>, vector<4096x128xf32> -> vector<4096x128xf32>
    %add3A_199 = arith.addf %add3A_189, %dot_general3A_198 : vector<4096x128xf32>
    %slice3A_200 = vector.extract_strided_slice %get3A_117 {offsets = [2, 2, 0], sizes = [64, 64, 128], strides = [1, 1, 1]} : vector<66x66x128xf32> to vector<64x64x128xf32>
    %reshape3A_201 = vector.shape_cast %slice3A_200 : vector<64x64x128xf32> to vector<4096x128xf32>
    %get3A_202 = arith.constant 8 : index
    %get3A_203 = arith.constant 0 : index
    %get3A_204 = arith.constant 0 : index
    %get3A_205 = vector.load %arg6[%get3A_202, %get3A_203, %get3A_204] : memref<9x128x128xf32, #tpu.memory_space<vmem>>, vector<1x128x128xf32>
    %get3A_206 = vector.shape_cast %get3A_205 : vector<1x128x128xf32> to vector<128x128xf32>
    %dot_general3A_207 = arith.constant dense<0.000000e+00> : vector<4096x128xf32>
    %dot_general3A_208 = tpu.matmul %reshape3A_201, %get3A_206, %dot_general3A_207 {dimension_numbers = #tpu.dot_dimension_numbers<[1], [0], [0], [1], [0, 0, 1, 1], [], []>, transpose_lhs_hint = false} : vector<4096x128xf32>, vector<128x128xf32>, vector<4096x128xf32> -> vector<4096x128xf32>
    %add3A_209 = arith.addf %add3A_199, %dot_general3A_208 : vector<4096x128xf32>
    %get3A_210 = arith.constant 0 : index
    %get3A_211 = arith.constant 0 : index
    %get3A_212 = vector.load %arg7[%get3A_210, %get3A_211] : memref<1x128xf32, #tpu.memory_space<vmem>>, vector<1x128xf32>
    %add3A_213 = vector.broadcast %get3A_212 : vector<1x128xf32> to vector<4096x128xf32>
    %add3A_214 = arith.addf %add3A_209, %add3A_213 : vector<4096x128xf32>
    %get3A_215 = arith.constant 0 : index
    %get3A_216 = arith.constant 0 : index
    %get3A_217 = vector.load %arg8[%get3A_215, %get3A_216] : memref<1x1xf32, #tpu.memory_space<vmem>>, vector<1x1xf32>
    %get3A_218 = vector.extract %get3A_217[0, 0] : f32 from vector<1x1xf32>
    %ge3A_219 = arith.constant 0.000000e+00 : f32
    %ge3A_220 = vector.broadcast %ge3A_219 : f32 to vector<4096x128xf32>
    %ge3A_221 = arith.cmpf oge, %add3A_214, %ge3A_220 : vector<4096x128xf32>
    %mul3A_222 = vector.broadcast %get3A_218 : f32 to vector<4096x128xf32>
    %mul3A_223 = arith.mulf %mul3A_222, %add3A_214 : vector<4096x128xf32>
    %select_n3A_224 = arith.select %ge3A_221, %add3A_214, %mul3A_223 : vector<4096x128xi1>, vector<4096x128xf32>
    %get3A_225 = arith.constant 0 : index
    %get3A_226 = arith.constant 0 : index
    %get3A_227 = arith.constant 0 : index
    %get3A_228 = vector.load %arg2[%get3A_225, %get3A_226, %get3A_227] : memref<1x4096x128xf32, #tpu.memory_space<vmem>>, vector<1x4096x128xf32>
    %get3A_229 = vector.shape_cast %get3A_228 : vector<1x4096x128xf32> to vector<4096x128xf32>
    %add3A_230 = arith.addf %select_n3A_224, %get3A_229 : vector<4096x128xf32>
    %swap3A_231 = arith.constant 0 : index
    %swap3A_232 = arith.constant 0 : index
    %swap3A_233 = arith.constant 0 : index
    %swap3A_234 = vector.load %arg9[%swap3A_231, %swap3A_232, %swap3A_233] : memref<1x4096x128xf32, #tpu.memory_space<vmem>>, vector<1x4096x128xf32>
    %swap3A_235 = vector.shape_cast %swap3A_234 : vector<1x4096x128xf32> to vector<4096x128xf32>
    %swap3A_236 = vector.shape_cast %add3A_230 : vector<4096x128xf32> to vector<1x4096x128xf32>
    tpu.vector_store %arg9[%swap3A_231, %swap3A_232, %swap3A_233], %swap3A_236 {strides = array<i32>} : memref<1x4096x128xf32, #tpu.memory_space<vmem>>, vector<1x4096x128xf32>,
    return
  }
  func.func @transform_0(%arg0: i32) -> (i32, i32, i32, i32) {
    %c0_i32 = arith.constant 0 : i32
    %c0_i32_0 = arith.constant 0 : i32
    %c0_i32_1 = arith.constant 0 : i32
    %c0_i32_2 = arith.constant 0 : i32
    return %arg0, %c0_i32, %c0_i32_0, %c0_i32_1 : i32, i32, i32, i32
  }
  func.func @transform_1(%arg0: i32) -> (i32, i32, i32) {
    %c0_i32 = arith.constant 0 : i32
    %c0_i32_0 = arith.constant 0 : i32
    %c0_i32_1 = arith.constant 0 : i32
    return %arg0, %c0_i32, %c0_i32_0 : i32, i32, i32
  }
  func.func @transform_2(%arg0: i32) -> (i32, i32, i32) {
    %c0_i32 = arith.constant 0 : i32
    %c0_i32_0 = arith.constant 0 : i32
    %c0_i32_1 = arith.constant 0 : i32
    %c0_i32_2 = arith.constant 0 : i32
    return %c0_i32, %c0_i32_0, %c0_i32_1 : i32, i32, i32
  }
  func.func @transform_3(%arg0: i32) -> (i32, i32) {
    %c0_i32 = arith.constant 0 : i32
    %c0_i32_0 = arith.constant 0 : i32
    %c0_i32_1 = arith.constant 0 : i32
    return %c0_i32, %c0_i32_0 : i32, i32
  }
  func.func @transform_4(%arg0: i32) -> (i32, i32) {
    %c0_i32 = arith.constant 0 : i32
    %c0_i32_0 = arith.constant 0 : i32
    %c0_i32_1 = arith.constant 0 : i32
    return %c0_i32, %c0_i32_0 : i32, i32
  }
  func.func @transform_5(%arg0: i32) -> (i32, i32, i32) {
    %c0_i32 = arith.constant 0 : i32
    %c0_i32_0 = arith.constant 0 : i32
    %c0_i32_1 = arith.constant 0 : i32
    %c0_i32_2 = arith.constant 0 : i32
    return %c0_i32, %c0_i32_0, %c0_i32_1 : i32, i32, i32
  }
  func.func @transform_6(%arg0: i32) -> (i32, i32) {
    %c0_i32 = arith.constant 0 : i32
    %c0_i32_0 = arith.constant 0 : i32
    %c0_i32_1 = arith.constant 0 : i32
    return %c0_i32, %c0_i32_0 : i32, i32
  }
  func.func @transform_7(%arg0: i32) -> (i32, i32) {
    %c0_i32 = arith.constant 0 : i32
    %c0_i32_0 = arith.constant 0 : i32
    %c0_i32_1 = arith.constant 0 : i32
    return %c0_i32, %c0_i32_0 : i32, i32
  }
  func.func @transform_8(%arg0: i32) -> (i32, i32, i32) {
    %c0_i32 = arith.constant 0 : i32
    %c0_i32_0 = arith.constant 0 : i32
    %c0_i32_1 = arith.constant 0 : i32
    return %arg0, %c0_i32, %c0_i32_0 : i32, i32, i32
  }
}

</mosaic_0001>

<sc_bundles>
// kernel: scatter_offload_async_start.1
scs
__scs_entry_jumppad:
0x0: {  	(pc) =	sbr.rel $0x88, $3  }
0x1: {  	(tag) =	ssettag $0x0;
	lr =	simm.s32 $0x1  }
0x2: {  	[smem:$0x3F89] =	sst lr;
	_ =	strace $0xD0000000  }
0x3: {  	_ = 	snop  }
0x4: {  	_ = 	snop  }
0x5: {  	_ = 	snop  }
0x6: {  	_ = 	snop  }
0x7: {  	_ = 	snop  }
__scs_overlays_trampoline_lowered:
0x8: {  	[smem:$0x3F98] =	sst s0  }
0x9: {  	[smem:$0x3F99] =	sst s1  }
0xa: {  	[smem:$0x3F9A] =	sst s2  }
0xb: {  	[smem:$0x3F9B] =	sst s3  }
0xc: {  	[smem:$0x3F9C] =	sst s4  }
0xd: {  	[smem:$0x3F9D] =	sst s5  }
0xe: {  	[smem:$0x3F9E] =	sst s6  }
0xf: {  	[smem:$0x3F9F] =	sst s7  }
0x10: {  	[smem:$0x3FA0] =	sst s8  }
0x11: {  	[smem:$0x3FA1] =	sst s9;
	s0 =	simm.s32 @!p0 $0x0  }
0x12: {  	s1 =	sld [smem:$0x3F87];
	s0 =	simm.s32 @p0 $0x1  }
0x13: {  	[smem:$0x3FA2] =	sst s0;
	s0 =	simm.s32 @!p1 $0x0  }
0x14: {  	s2 =	sld [smem:$0x3F86];
	s0 =	simm.s32 @p1 $0x1  }
0x15: {  	[smem:$0x3FA3] =	sst s0;
	s0 =	simm.s32 @!p2 $0x0  }
0x16: {  	s3 =	sld [smem:$0x3FDB];
	s0 =	simm.s32 @p2 $0x1  }
0x17: {  	s4 =	simm.s32 $0x1BF5;
	[smem:$0x3FA5] =	sst s0  }
0x18: {  	s0 =	sld [smem:$0x3F88];
	_ =	swait.ge [sflag:s4], $0x0  }
0x19: {  	s7 =	sld [smem:$0x3F89]  }
0x1a: {  	s8 =	sadd.s32 $0xFFFFE003, lr  }
0x1b: {  	s9 =	sadd.s32 $0xFFFFFEF7, lr;
	s5 =	simm.s32 $0xFFFFFFFF;
	p2 =	slt.u32 s8, $0xFFFFF086  }
0x1c: {  	p1 =	slt.u32 s9, $0xF7A;
	s5 =	simm.s32 @!p2 $0x0  }
0x1d: {  	s5 =	simm.s32 @p1 $0x1;
	p0 =	seq.s32 s7, s2  }
0x1e: {  	s7 =	smul.u32 @!p0 $0xF7A, s2;
	p2 =	seq.s32 @!p0 s5, $0x0  }
0x1f: {  	s9 =	smul.u32 $0xF7A, s1;
	s8 =	simm.s32 @!p0 $0x1BF5;
	p2 =	por !p2, p0  }
0x20: {  	[sflag:s8] =	ssyncset.s32 @!p0 $0xFFFFF086;
	s6 =	sadd.s32 @!p0 s3, s7;
	s7 =	simm.s32 @!p0 $0x108  }
0x21: {  	s3 =	sadd.s32 s3, s9;
	s6 =	sadd.s32 @!p0 $0x88, s6;
	s7 =	simm.s32 @p2 $0x1082  }
0x22: {  	[simem:s7], [sflag:s8] =	dma.local @!p0 [hbm:s6], $0xF7A  }
0x23: {  	s9 =	sor.u32 $0xD0000000, s2;
	s6 =	simm.s32 $0x108;
	_ =	swait.ge @!p0 [sflag:s8], $0x0  }
0x24: {  	s3 =	sadd.s32 $0x88, s3;
	s6 =	simm.s32 @!p1 $0x1082;
	[sflag:s4] =	ssyncset.s32 $0xFFFFF086  }
0x25: {  	[simem:s6], [sflag:s4] =	dma.local [hbm:s3], $0xF7A  }
0x26: {  	[smem:$0x3F89] =	sst s1;
	(tag) =	ssettag s2;
	_ =	strace s9  }
0x27: {  	s1 =	sld [smem:$0x3F99]  }
0x28: {  	s2 =	sld [smem:$0x3F9A]  }
0x29: {  	s4 =	sld [smem:$0x3F9C]  }
0x2a: {  	p0 =	seq.s32 s5, $0x0;
	s5 =	sld [smem:$0x3F9D]  }
0x2b: {  	s6 =	sld [smem:$0x3F9E]  }
0x2c: {  	s7 =	sld [smem:$0x3F9F]  }
0x2d: {  	s3 =	simm.s32 $0x108;
	s8 =	sld [smem:$0x3FA0]  }
0x2e: {  	s3 =	simm.s32 @!p0 $0x1082;
	s9 =	sld [smem:$0x3FA1]  }
0x2f: {  	lr =	sadd.s32 s0, s3;
	s0 =	sld [smem:$0x3F98]  }
0x30: {  	s3 =	sld [smem:$0x3F9B]  }
0x31: {  	[smem:$0x3FA4] =	sst s10  }
0x32: {  	s10 =	sld [smem:$0x3FA2];
	_ =	sdelay $0x3  }
0x33: {  	p0 =	seq.s32 s10, $0x1;
	s10 =	sld [smem:$0x3FA4];
	_ =	sdelay $0x3  }
0x34: {  	[smem:$0x3FA4] =	sst s10  }
0x35: {  	s10 =	sld [smem:$0x3FA3];
	_ =	sdelay $0x3  }
0x36: {  	p1 =	seq.s32 s10, $0x1;
	s10 =	sld [smem:$0x3FA4];
	_ =	sdelay $0x3  }
0x37: {  	[smem:$0x3FA4] =	sst s10  }
0x38: {  	s10 =	sld [smem:$0x3FA5]  }
0x39: {  	_ = 	snop;
	(pc) =	sbr.ind lr, $3  }
0x3a: {  	_ = 	snop  }
0x3b: {  	_ = 	snop  }
0x3c: {  	p2 =	seq.s32 s10, $0x1;
	s10 =	sld [smem:$0x3FA4]  }
0x3d: {  	_ =	shalt  }
0x3e: {  	_ =	shalt  }
0x3f: {  	_ =	shalt  }
0x40: {  	_ =	shalt  }
0x41: {  	_ =	shalt  }
0x42: {  	_ =	shalt  }
0x43: {  	_ =	shalt  }
0x44: {  	_ =	shalt  }
0x45: {  	_ =	shalt  }
0x46: {  	_ =	shalt  }
0x47: {  	_ =	shalt  }
0x48: {  	_ =	shalt  }
0x49: {  	_ =	shalt  }
0x4a: {  	_ =	shalt  }
0x4b: {  	_ =	shalt  }
0x4c: {  	_ =	shalt  }
0x4d: {  	_ =	shalt  }
0x4e: {  	_ =	shalt  }
0x4f: {  	_ =	shalt  }
0x50: {  	_ =	shalt  }
0x51: {  	_ =	shalt  }
0x52: {  	_ =	shalt  }
0x53: {  	_ =	shalt  }
0x54: {  	_ =	shalt  }
0x55: {  	_ =	shalt  }
0x56: {  	_ =	shalt  }
0x57: {  	_ =	shalt  }
0x58: {  	_ =	shalt  }
0x59: {  	_ =	shalt  }
0x5a: {  	_ =	shalt  }
0x5b: {  	_ =	shalt  }
0x5c: {  	_ =	shalt  }
0x5d: {  	_ =	shalt  }
0x5e: {  	_ =	shalt  }
0x5f: {  	_ =	shalt  }
0x60: {  	_ =	shalt  }
0x61: {  	_ =	shalt  }
0x62: {  	_ =	shalt  }
0x63: {  	_ =	shalt  }
0x64: {  	_ =	shalt  }
0x65: {  	_ =	shalt  }
0x66: {  	_ =	shalt  }
0x67: {  	_ =	shalt  }
0x68: {  	_ =	shalt  }
0x69: {  	_ =	shalt  }
0x6a: {  	_ =	shalt  }
0x6b: {  	_ =	shalt  }
0x6c: {  	_ =	shalt  }
0x6d: {  	_ =	shalt  }
0x6e: {  	_ =	shalt  }
0x6f: {  	_ =	shalt  }
0x70: {  	_ =	shalt  }
0x71: {  	_ =	shalt  }
0x72: {  	_ =	shalt  }
0x73: {  	_ =	shalt  }
0x74: {  	_ =	shalt  }
0x75: {  	_ =	shalt  }
0x76: {  	_ =	shalt  }
0x77: {  	_ =	shalt  }
0x78: {  	_ =	shalt  }
0x79: {  	_ =	shalt  }
0x7a: {  	_ =	shalt  }
0x7b: {  	_ =	shalt  }
0x7c: {  	_ =	shalt  }
0x7d: {  	_ =	shalt  }
0x7e: {  	_ =	shalt  }
0x7f: {  	_ =	shalt  }
0x80: {  	_ =	shalt  }
0x81: {  	_ =	shalt  }
0x82: {  	_ =	shalt  }
0x83: {  	_ =	shalt  }
0x84: {  	_ =	shalt  }
0x85: {  	_ =	shalt  }
0x86: {  	_ =	shalt  }
0x87: {  	_ =	shalt  }
.Lfunc_end0:
.L_simem_size_0:
called_computation.1_lowered:
.L_overlay_start_0:
0x88: {  	s0 =	sld [smem:$0x3FD9]  }
0x89: {  	s1 =	sld [smem:$0x3FFE];
	_ =	sdelay $0x3  }
0x8a: {  	s0 =	sadd.s32 s1, s0  }
0x8b: {  	[smem:$0x3FB0] =	sst s0  }
0x8c: {  	_ = 	snop  }
0x8d: {  	(tm) =	ssettm $0x1  }
0x8e: {  	s15 =	sld [smem:$0x3FFB];
	_ =	sdelay $0x3  }
0x8f: {  	_ =	strace s15  }
0x90: {  	s0 =	sld [smem:$0x3FFC];
	_ =	sdelay $0x3  }
0x91: {  	_ =	strace s0  }
0x92: {  	s0 =	sld [smem:$0x3FFD];
	_ =	sdelay $0x3  }
0x93: {  	_ =	strace s0  }
0x94: {  	_ =	strace $0x8FFFFFFF  }
0x95: {  	s16 =	sld [smem:$0x3FDB];
	_ =	sdelay $0x1  }
0x96: {  	s17 =	simm.s32 $_scs_section_size  }
0x97: {  	s2 =	simm.s32 $_size__tile_overlayer_lowered;
	s3 =	simm.s32 $_tile_overlayer_lowered  }
0x98: {  	s20 =	simm.s32 $0x1BFF;
	s19 =	sshll.u32 s3, $0x1;
	s0 =	sadd.s32 s17, s16  }
0x99: {  	s4 =	simm.s32 $0x0;
	s18 =	sshll.u32 s2, $0x1;
	s2 =	sadd.s32 s19, s0  }
0x9a: {  	[timem:s4], [sflag:s20] =	dma.local [hbm:s2], s18  }
0x9b: {  	_ =	swait.ge [sflag:s20], s18  }
0x9c: {  	s1 =	ssub.s32 $0x0, s18;
	[sflag:s20] =	ssyncset.done $0x0  }
0x9d: {  	[sflag:s20] =	ssyncadd.s32 s1;
	_ =	sdelay $0x1  }
0x9e: {  	s21 =	simm.s32 $0x1B8B  }
0x9f: {  	_ =	swait.ge [sflag:s21], $0x1  }
0xa0: {  	[sflag:s21] =	ssyncset.done $0x0  }
0xa1: {  	s23 =	simm.s32 $0x1B8E;
	s22 =	sld [smem:$0x3FFE];
	[sflag:s21] =	ssyncadd.s32 $0xFFFFFFFF  }
0xa2: {  	s24 =	simm.s32 $execute0_lowered;
	[smem:$0x3FD2] =	sst s23  }
0xa3: {  	s2 =	sshll.u32 s24, $0x1;
	_ =	strace $0x80000049;
	[dreg:$0x1] =	wrdreg $0xFFFFFFFF  }
0xa4: {  	s25 =	simm.s32 $_size_execute0_lowered;
	s0 =	sadd.s32 s0, s2;
	[dreg:$0x0] =	wrdreg $0x0  }
0xa5: {  	s2 =	sshll.u32 s25, $0x1;
	[dreg:$0x2] =	wrdreg s0  }
0xa6: {  	[dreg:$0x3] =	wrdreg s2  }
0xa7: {  	[dreg:$0x4] =	wrdreg $0xC0  }
0xa8: {  	_ =	task [dreg:s4], $0x5FFFF  }
0xa9: {  	[dreg:$0x1] =	wrdreg $0xFFFFFFFF  }
0xaa: {  	[dreg:$0x0] =	wrdreg $0x60  }
0xab: {  	[dreg:$0x2] =	wrdreg s22  }
0xac: {  	[dreg:$0x3] =	wrdreg $0x9  }
0xad: {  	_ =	task.clear_ibuf [dreg:s4], $0x4FFFF;
	_ =	strace $0x90000049  }
0xae: {  	s26 =	simm.s32 $0x9;
	_ =	strace $0x8000004B  }
0xaf: {  	_ =	swait.ge [sflag:s26], $0x1  }
0xb0: {  	[sflag:s26] =	ssyncadd.s32 $0xFFFFFFFF  }
0xb1: {  	_ =	strace $0x9000004B  }
0xb2: {  	_ =	sfence  }
0xb3: {  	s28 =	sld [smem:$0x0];
	_ =	sdelay $0x1  }
0xb4: {  	s29 =	srdreg.scid  }
0xb5: {  	s30 =	sshll.u32 s29, $0xD;
	s31 =	sshrl.u32 s29, $0x2  }
0xb6: {  	s1 =	sand.u32 $0x1, s29;
	s2 =	sand.u32 $0x4000, s30;
	s0 =	sadd.s32 s31, s28  }
0xb7: {  	s1 =	sor.u32 s2, s1;
	s0 =	sshll.u32 s0, $0x11  }
0xb8: {  	s0 =	sor.u32 s0, s1  }
0xb9: {  	s0 =	sadd.s32 $0x8F2B, s0  }
0xba: {  	[sflag:s0] =	ssyncadd.remote.s32 $0x1  }
0xbb: {  	_ =	sfence.sel $0xFFFF  }
0xbc: {  	[dreg:$0x0] =	wrdreg $0xFFFFFFFF;
	(pc) =	sbr.abs _section_cstart, $3  }
0xbd: {  	[dreg:$0x1] =	wrdreg $0xFFFFFFFF  }
0xbe: {  	_ =	task.clear_ibuf [dreg:s4], $0x2FFFF;
	_ =	strace $0x9FFFFFFF  }
0xbf: {  	(tm) =	ssettm $0x7FFFFFFF  }
tec
execute0_lowered:
.L_overlay_start_1:
0x0: {  	(tag) =	ssettag $0x1  }
0x1: {  	s0 =	rddreg [dreg:$0x0];
	_ =	strace $0x8000004A;
	s3 =	simm.s32 $0x1  }
0x2: {  	v1 =	vimm.s32 $0xFFFFFFFF;
	[sflag:s3] =	ssyncpa.u1 $0x0  }
0x3: {  	[tilespmem:$0x10] =	vst v1  }
0x4: {  	v0 =	vimm.f32 $0.0e+00;
	[tilespmem:$0x20] =	vst v1  }
0x5: {  	[tilespmem:$0x30] =	vst v0  }
0x6: {  	s2 =	simm.s32 $0x2;
	s26 =	stileid.u32;
	s5 =	simm.s32 $0x7;
	[tilespmem:$0x40] =	vst v0  }
0x7: {  	s7 =	simm.s32 $0x8;
	s31 =	simm.s32 $0x9;
	s14 =	simm.s32 $0x0;
	[tilespmem:$0x50] =	vst v0  }
0x8: {  	s15 =	simm.s32 $0x100;
	s18 =	simm.s32 $0x10;
	s19 =	simm.s32 $0xD900;
	[tilespmem:$0x60] =	vst v1  }
0x9: {  	s20 =	simm.s32 $0xF;
	s21 =	simm.s32 $0x50;
	s22 =	simm.s32 $0x60FF;
	[tilespmem:$0x70] =	vst v1  }
0xa: {  	s23 =	simm.s32 $0x20;
	s24 =	simm.s32 $0x30;
	s25 =	simm.s32 $0xC0FF;
	[tilespmem:$0x80] =	vst v1  }
0xb: {  	s30 =	simm.s32 $0x0;
	s29 =	simm.s32 $0x0;
	s6 =	smul.u32 $0x1800, s26;
	v1 =	vimm.s32 $0x0;
	[tilespmem:$0xB0] =	vst v0  }
.Ltmp0:
0xc: {  	s1 =	sadd.s32 $0x1CBE00, s0;
	s4 =	sadd.s32 $0x42E00, s0;
	[tilespmem:$0x90] =	vst v1;
	(pc) =	sbr.rel .LBB2_1-.Ltmp0, $4  }
0xd: {  	s8 =	sadd.s32 $0x48E00, s0;
	s10 =	sshll.u32 s26, $0x1;
	[tilespmem:$0xA0] =	vst v1;
	[sflag:s2] =	ssyncpa.u1 $0x0  }
0xe: {  	s12 =	sshllo.u32 s26, $0x1;
	s26 =	simm.s32 $0x80;
	[sflag:s5] =	ssyncpa.u1 $0x0  }
0xf: {  	vm0 =	vmmov $0xffff;
	v2 =	vlaneseq.u32;
	s11 =	sor.u32 $0x81, s10;
	s13 =	sor.u32 $0x80, s10;
	[sflag:s7] =	ssyncpa.u1 $0x0  }
0x10: {  	vm1 =	vmxor vm1, vm1;
	vm2 =	vmmov $0x1;
	vm3 =	vcmask $0x3F3C;
	s9 =	sadd.s32 $0x1800, s6;
	s28 =	smov.u32 s6;
	[sflag:s31] =	ssyncpa.u1 $0x0  }
.LBB2_3:
0x11: {  	s0 =	sshrl.u32 s28, $0x3  }
0x12: {  	s2 =	sand.u32 $0x7, s28;
	s0 =	sadd.s32 s4, s0  }
0x13: {  	[tilespmem:s15], [sflag:$0x7] =	stream.linear.gather [hbm4b:s0+s2], $0x1800, $0x38;
	[tilespmem:$0xD920] =	vst v63  }
.LBB2_4:
0x14: {  	s0 =	sadd.s32 $0x1800, s28  }
0x15: {  	s2 =	smov.u32 s6;
	s29 =	sadd.s32 $0x1, s29;
	p0 =	slt.s32 s0, s9  }
0x16: {  	s2 =	smov.u32 @p0 s0;
	p0 =	sne.s32 s29, $0x4  }
.Ltmp1:
0x17: {  	_ = 	snop;
	(pc) =	sbr.rel @!p0 .LBB2_13-.Ltmp1, $2  }
0x18: {  	_ =	sdelay $0x2  }
0x19: {  	s30 =	smov.u32 s28;
	s28 =	smov.u32 s2  }
.LBB2_1:
0x1a: {  	p0 =	sgt.s32 s29, $0x1  }
.Ltmp2:
0x1b: {  	_ = 	snop;
	(pc) =	sbr.rel @p0 .LBB2_11-.Ltmp2, $1  }
0x1c: {  	_ =	sdelay $0x3  }
0x1d: {  	p0 =	seq.s32 s29, $0x0  }
.Ltmp3:
0x1e: {  	_ = 	snop;
	(pc) =	sbr.rel @p0 .LBB2_3-.Ltmp3, $1  }
0x1f: {  	_ =	sdelay $0x3  }
0x20: {  	_ =	swait.ge [sflag:s5], $0x1800  }
0x21: {  	[sflag:s5] =	ssyncset.done $0x0  }
0x22: {  	[sflag:s5] =	ssyncadd.s32 $0xFFFFE800;
	(ifvalue) =	ssetifvalue $0xFFFFFFFF;
	v3 =	vld.msk [tilespmem:s15+$0x0 ss:$0x1], $0xffff;
	_ =	sdelay $0x4  }
0x23: {  	v4 =	vperm.xlane v3, v1  }
0x24: {  	vm4 =	vlt.u32 v3, $0x4000  }
0x25: {  	v3 =	vnsel vm4, $0xFFFFFFFE, v3;
	vm4 =	vlt.u32 v4, $0x4000  }
0x26: {  	[tilespmem:$0x70] =	vst v3;
	v3 =	vnsel vm4, $0xFFFFFFFE, v4  }
0x27: {  	s17 =	simm.s32 $0x18F0;
	[tilespmem:$0x80] =	vst v3  }
0x28: {  	v3 =	vld.msk [tilespmem:s17+$0x0 ss:$0x1], $0xffff;
	_ =	sdelay $0x4  }
0x29: {  	(xrf1) =	vunique.msk.u32 $0xffff, v3;
	_ =	sdelay $0xd  }
0x2a: {  	v4 =	vimm.s32 $0xFFFFFFFF;
	v5, _, _ =	vpop (xrf1)  }
0x2b: {  	vm5 =	vne.s32 v3, v4;
	vm4 =	veq.s32 v5, v2  }
0x2c: {  	vm6 =	vlt.u32 v3, $0x4000;
	vm4 =	vmand vm5, vm4  }
0x2d: {  	vm4 =	vmand vm6, vm4  }
0x2e: {  	v4 =	vnsel vm4, $0xFFFFFFFF, v3;
	_ =	sdelay $0x3  }
0x2f: {  	s0 =	simm.s32 $0x60F0;
	(ifvalue) =	ssetifvalue $0xFFFFFFFF  }
0x30: {  	v3 =	vperm.xlane v3, v1;
	[tilespmem:s0], [sflag:$0x8] =	stream.indirect_vreg.gather [hbm4b:s1+s14], $0x1, v4, vm0, $0x4038;
	v4 =	vnsel vm6, $0xFFFFFFFE, v4;
	[tilespmem:$0xD920] =	vst v63  }
0x31: {  	s2 =	simm.s32 $0x0;
	s16 =	simm.s32 $0x18E0;
	[tilespmem:s17+$0x0] =	vst v4  }
.LBB2_6:
0x32: {  	v4 =	vld.msk [tilespmem:s16+$0x0 ss:$0x1], $0xffff;
	s2 =	sadd.s32 $0x10, s2;
	v5 =	vmov v3;
	s17 =	smov.u32 s16  }
0x33: {  	p0 =	slt.u32 s2, $0x17F0;
	_ =	sdelay $0x4  }
0x34: {  	v3 =	vperm.xlane v4, v1;
	(xrf1) =	vunique.msk.u32 $0xffff, v4;
	_ =	sdelay $0xd  }
0x35: {  	v6, _, _ =	vpop (xrf1)  }
0x36: {  	vm5 =	vne.s32 v4, v5;
	vm4 =	veq.s32 v6, v2  }
0x37: {  	vm6 =	vlt.u32 v4, $0x4000;
	vm4 =	vmand vm5, vm4  }
0x38: {  	vm4 =	vmand vm6, vm4  }
0x39: {  	v4 =	vnsel vm4, $0xFFFFFFFF, v4  }
.Ltmp4:
0x3a: {  	v5 =	vnsel vm6, $0xFFFFFFFE, v4;
	(pc) =	sbr.rel @p0 .LBB2_6-.Ltmp4, $3  }
0x3b: {  	_ =	sdelay $0x1  }
0x3c: {  	s16 =	sadd.s32 $0xFFFFFFF0, s16;
	s0 =	sadd.s32 $0xFFFFFFF0, s0;
	(ifvalue) =	ssetifvalue $0xFFFFFFFF  }
0x3d: {  	[tilespmem:s0], [sflag:$0x8] =	stream.indirect_vreg.gather [hbm4b:s1+s14], $0x1, v4, vm0, $0x4038;
	[tilespmem:s17+$0x0] =	vst v5  }
.Ltmp5:
0x3e: {  	(pc) =	sbr.rel .LBB2_4-.Ltmp5, $4  }
0x3f: {  	_ = 	snop  }
0x40: {  	s0 =	sshrl.u32 s30, $0x3  }
0x41: {  	s2 =	simm.s32 $0x7900;
	s0 =	sadd.s32 s8, s0  }
0x42: {  	[tilespmem:s2], [sflag:$0x8] =	stream.linear.gather [hbm:s0], $0x1800, $0x38;
	[tilespmem:$0xD920] =	vst v63  }
.LBB2_11:
0x43: {  	p0 =	seq.s32 s29, $0x2  }
.Ltmp6:
0x44: {  	_ = 	snop;
	(pc) =	sbr.rel @!p0 .LBB2_12-.Ltmp6, $1  }
0x45: {  	_ =	sdelay $0x3  }
0x46: {  	_ =	swait.ge [sflag:s7], $0x3000  }
0x47: {  	[sflag:s7] =	ssyncset.done $0x0  }
0x48: {  	s0 =	simm.s32 $0x18FF;
	[sflag:s7] =	ssyncadd.s32 $0xFFFFD000  }
0x49: {  	[spmem:s11] =	stream.linear.scatter [tilespmem:s0], [sflag:$0x1], $0x1, $0x38;
	[tilespmem:$0xD920] =	vst v63  }
0x4a: {  	_ =	swait.ge [sflag:s3], $0x1  }
0x4b: {  	[sflag:s3] =	ssyncset.done $0x0  }
0x4c: {  	[sflag:s3] =	ssyncadd.s32 $0xFFFFFFFF  }
0x4d: {  	v4 =	vld [tilespmem:$0x10]  }
0x4e: {  	v5 =	vld [tilespmem:$0x70]  }
0x4f: {  	v3 =	vld [tilespmem:$0x80];
	_ =	sdelay $0x2  }
0x50: {  	(v2sf) =	vpush v4, $0x0  }
0x51: {  	(v2sf) =	vpush v5, $0x0  }
0x52: {  	(v2sf) =	vpush v3, $0x0;
	_ =	sdelay $0xc  }
0x53: {  	s16 =	spop (v2sf)  }
0x54: {  	s2 =	spop (v2sf)  }
0x55: {  	s30 =	spop (v2sf)  }
0x56: {  	p0 =	seq.s32 s16, s2;
	p1 =	seq.s32 s30, s16  }
0x57: {  	p1 =	por p0, p1  }
0x58: {  	v4 =	vpsel p1, $0xFFFFFFFF, v4  }
0x59: {  	[tilespmem:s18+$0x0] =	vst.msk $0x1, v4  }
0x5a: {  	v4 =	vld [tilespmem:$0x30]  }
0x5b: {  	v5 =	vld [tilespmem:$0x7900]  }
0x5c: {  	v6 =	vld [tilespmem:$0x40];
	_ =	sdelay $0x3  }
0x5d: {  	vm4 =	vmmov vm1;
	v5 =	vadd.f32 v5, v4  }
0x5e: {  	vm5 =	vmmov vm2;
	s31 =	simm.s32 $0x7900;
	vm4 =	vmmov @p0 vm2;
	v4 =	vadd.f32 v6, v4  }
0x5f: {  	vm5 =	vmmov @p1 vm1;
	[tilespmem:s31+$0x0] =	vst.msk vm4, v5  }
0x60: {  	[tilespmem:s19+$0x0] =	vst.msk vm5, v4  }
0x61: {  	v4 =	vld [tilespmem:$0x60F0];
	_ =	sdelay $0x3  }
0x62: {  	v5 =	vimm.f32 $0.0e+00  }
0x63: {  	v4 =	vshift.insert v4, v5, s20;
	_ =	sdelay $0x1  }
0x64: {  	[tilespmem:s21+$0x0] =	vst.msk $0x1, v4  }
0x65: {  	[tilespmem:s22+$0x0] =	vst.msk $0x1, v5  }
0x66: {  	v4 =	vld [tilespmem:$0x18F0];
	_ =	sdelay $0x4  }
0x67: {  	v4 =	vshift.insert v4, v1, s20;
	_ =	sdelay $0x1  }
0x68: {  	[tilespmem:s23+$0x0] =	vst.msk $0x1, v4  }
0x69: {  	s17 =	simm.s32 $0x100;
	v6 =	vld [tilespmem:s31+$0x0]  }
0x6a: {  	v7 =	vld [tilespmem:s17+$0x0];
	_ =	sdelay $0x3  }
0x6b: {  	v5 =	vadd.f32 v6, v5  }
0x6c: {  	vm4 =	vne.s32 v7, $0xFFFFFFFF  }
0x6d: {  	(xrf2) =	vadd.seg.scan.f32 vm4, v5;
	_ =	sdelay $0x3  }
0x6e: {  	s0 =	simm.s32 $0x4900;
	v5 =	vperm.xlane v4, v1  }
0x6f: {  	v6 =	vld [tilespmem:s0+$0x0]  }
0x70: {  	vm5 =	veq.s32 v7, v3;
	vm6 =	veq.s32 v7, v5  }
0x71: {  	vm7 =	vgt.u32 v7, $0xFFFFFFFD;
	vm6 =	vmor vm6, vm5  }
0x72: {  	vm6 =	vmor vm6, vm7  }
0x73: {  	v9 =	vld [tilespmem:$0xA0];
	v7 =	vsel vm6, $0xFFFFFFFF, v7  }
0x74: {  	v10 =	vld [tilespmem:$0x90];
	v6 =	vsel vm5, $0x0, v6;
	v8, _, _ =	vpop (xrf2)  }
0x75: {  	v6 =	vadd.f32 v8, v6  }
0x76: {  	s2 =	simm.s32 $0xA900  }
0x77: {  	vm4 =	vmand vm4, vm3;
	[tilespmem:s2+$0x0] =	vst v6;
	(ifvalue) =	ssetifvalue $0xFFFFFFFF  }
0x78: {  	vm6 =	veq.s32 v9, $0x1;
	[hbm4b:s1+s14] =	stream.indirect_vreg.scatter [tilespmem:s2], [sflag:$0x2], $0x1, v7, vm0, $0x4038;
	v7 =	vsel vm4, $0x0, v8;
	[tilespmem:$0xD920] =	vst v63  }
0x79: {  	s16 =	simm.s32 $0x0;
	s17 =	simm.s32 $0x110;
	vm4 =	vmor vm6, vm5;
	v6 =	vsel vm5, v8, v10;
	v7 =	vshift.insert v7, v0, s20  }
.LBB2_9:
0x7a: {  	v8 =	vld [tilespmem:s17+$0x0];
	s31 =	sadd.s32 $0x10, s31  }
0x7b: {  	s0 =	sadd.s32 $0x10, s0;
	v9 =	vld [tilespmem:s31+$0x0]  }
0x7c: {  	s16 =	sadd.s32 $0x10, s16;
	v10 =	vld [tilespmem:s0+$0x0]  }
0x7d: {  	p0 =	slt.u32 s16, $0x17F0;
	_ =	sdelay $0x2  }
0x7e: {  	v7 =	vadd.f32 v9, v7  }
0x7f: {  	vm5 =	vne.s32 v8, $0xFFFFFFFF  }
0x80: {  	vm6 =	vmand vm5, vm3;
	(xrf2) =	vadd.seg.scan.f32 vm5, v7;
	_ =	sdelay $0x5  }
0x81: {  	vm7 =	veq.s32 v8, v5;
	vm5 =	veq.s32 v8, v3  }
0x82: {  	vm8 =	vgt.u32 v8, $0xFFFFFFFD;
	vm4 =	vmor vm4, vm5;
	vm7 =	vmor vm7, vm5  }
0x83: {  	vm7 =	vmor vm7, vm8  }
0x84: {  	v8 =	vsel vm7, $0xFFFFFFFF, v8  }
.Ltmp7:
0x85: {  	v7 =	vsel vm5, $0x0, v10;
	v9, _, _ =	vpop (xrf2);
	(pc) =	sbr.rel @p0 .LBB2_9-.Ltmp7, $4  }
0x86: {  	v6 =	vsel vm5, v9, v6;
	v10 =	vadd.f32 v9, v7;
	v7 =	vsel vm6, $0x0, v9  }
0x87: {  	s2 =	sadd.s32 $0x10, s2;
	v7 =	vshift.insert v7, v0, s20  }
0x88: {  	s17 =	sadd.s32 $0x10, s17;
	[tilespmem:s2+$0x0] =	vst v10;
	(ifvalue) =	ssetifvalue $0xFFFFFFFF  }
0x89: {  	[hbm4b:s1+s14] =	stream.indirect_vreg.scatter [tilespmem:s2], [sflag:$0x2], $0x1, v8, vm0, $0x4038;
	[tilespmem:$0xD920] =	vst v63  }
0x8a: {  	v3 =	vld [tilespmem:$0xC0F0];
	_ =	sdelay $0x4  }
0x8b: {  	v3 =	vshift.insert v3, v0, s20;
	_ =	sdelay $0x1  }
0x8c: {  	[tilespmem:s24+$0x0] =	vst.msk $0x1, v3  }
0x8d: {  	v3 =	vsel vm4, $0x1, v1;
	[tilespmem:$0x90] =	vst v6  }
0x8e: {  	[tilespmem:$0xA0] =	vst v3  }
0x8f: {  	[spmem:s12] =	stream.linear.scatter [tilespmem:s25], [sflag:$0x1], $0x1, $0x38;
	[tilespmem:$0xD920] =	vst v63  }
0x90: {  	v3 =	vmctz.xlane vm4;
	_ =	swait.ge [sflag:s3], $0x1  }
0x91: {  	(v2sf) =	vpush v4, $0x0  }
0x92: {  	(v2sf) =	vpush v3, $0x0;
	_ =	sdelay $0xd  }
0x93: {  	s0 =	spop (v2sf)  }
0x94: {  	s2 =	spop (v2sf)  }
0x95: {  	[sflag:s3] =	ssyncset.done $0x0;
	p0 =	sne.s32 s30, s0;
	p1 =	slt.s32 s2, $0xF  }
0x96: {  	[sflag:s3] =	ssyncadd.s32 $0xFFFFFFFF;
	v3 =	vimm.s32 @!p0 $0xFFFFFFFF;
	s2 =	simm.s32 @!p1 $0xF  }
0x97: {  	[tilespmem:$0x80] =	vst @!p0 v3;
	s31 =	sadd.s32 $0x90, s2  }
0x98: {  	[spmem:s10] =	stream.linear.scatter [tilespmem:s31], [sflag:$0x1], $0x1, $0x38;
	[tilespmem:$0xD920] =	vst v63  }
0x99: {  	_ =	swait.ge [sflag:s3], $0x1  }
0x9a: {  	[sflag:s3] =	ssyncset.done $0x0  }
0x9b: {  	[sflag:s3] =	ssyncadd.s32 $0xFFFFFFFF  }
0x9c: {  	[spmem:s13] =	stream.linear.scatter [tilespmem:s26], [sflag:$0x1], $0x1, $0x38;
	[tilespmem:$0xD920] =	vst v63  }
0x9d: {  	_ =	swait.ge [sflag:s3], $0x1  }
0x9e: {  	[sflag:s3] =	ssyncset.done $0x0  }
0x9f: {  	[sflag:s3] =	ssyncadd.s32 $0xFFFFFFFF;
	(ifvalue) =	ssetifvalue $0xFFFFFFFF;
	v3 =	vld [tilespmem:$0x10];
	_ =	sdelay $0x3  }
.Ltmp8:
0xa0: {  	_ = 	snop;
	(pc) =	sbr.rel .LBB2_4-.Ltmp8, $3  }
0xa1: {  	_ =	sdelay $0x1  }
0xa2: {  	(ifvalue) =	ssetifvalue $0xFFFFFFFF  }
0xa3: {  	[hbm4b:s1+s14] =	stream.indirect_vreg.scatter [tilespmem:s19], [sflag:$0x9], $0x1, v3, vm0, $0x4038;
	[tilespmem:$0xD920] =	vst v63  }
.LBB2_12:
0xa4: {  	s0 =	simm.s32 $0x2  }
0xa5: {  	_ =	swait.ge [sflag:s0], $0x1800  }
0xa6: {  	[sflag:s0] =	ssyncset.done $0x0  }
0xa7: {  	s31 =	simm.s32 $0x9;
	[sflag:s0] =	ssyncadd.s32 $0xFFFFE800  }
0xa8: {  	_ =	swait.ge [sflag:s31], $0x10  }
0xa9: {  	[sflag:s31] =	ssyncset.done $0x0  }
0xaa: {  	[sflag:s31] =	ssyncadd.s32 $0xFFFFFFF0  }
.LBB2_13:
0xab: {  	_ =	sfence.sel $0x180000  }
0xac: {  	s0 =	simm.s32 $0x7;
	[bflag:$0x0] =	sbarrier.arrive $0xFFFF  }
0xad: {  	s26 =	simm.s32 $0x8;
	[sflag:s0] =	ssyncpa.u1 $0x1  }
0xae: {  	s28 =	simm.s32 $0x9;
	[sflag:s26] =	ssyncpa.u1 $0x1  }
0xaf: {  	[sflag:s28] =	ssyncpa.u1 $0x1  }
0xb0: {  	_ =	sfence.stream.spmem  }
0xb1: {  	s29 =	simm.s32 $0x3;
	[bflag:$0x0] =	sbarrier.arrive $0xFFFF  }
0xb2: {  	s30 =	simm.s32 $0x4;
	[sflag:s29] =	ssyncpa.u1 $0x1  }
0xb3: {  	s31 =	simm.s32 $0x3C;
	s2 =	stileid.u32;
	[sflag:s30] =	ssyncpa.u1 $0x1  }
0xb4: {  	p0 =	sne.s32 s2, $0x0;
	[sflag:s31] =	ssyncpa.u1 $0x1  }
0xb5: {  	s0 =	simm.s32 @p0 $0x1;
	_ =	sfence @p0  }
0xb6: {  	[sflag:s0] =	ssyncpa.u1 @p0 $0x1;
	s0 =	simm.s32 @p0 $0x2  }
0xb7: {  	[sflag:s0] =	ssyncpa.u1 @p0 $0x1  }
0xb8: {  	_ =	strace @p0 $0x9000004A  }
0xb9: {  	[bflag:$0x2] =	sbarrier.arrive @p0 $0xFFFF  }
0xba: {  	_ =	shalt @p0  }
.LBB2_14:
0xbb: {  	_ =	sfence.stream.spmem;
	s0 =	simm.s32 $0x5  }
0xbc: {  	s2 =	simm.s32 $0x80;
	s3 =	simm.s32 $0xC0;
	[sflag:s0] =	ssyncpa.u1 $0x0  }
0xbd: {  	[tilespmem:s3], [sflag:$0x5] =	stream.linear.gather [spmem:s2], $0x20, $0x38;
	[tilespmem:$0xD920] =	vst v63  }
0xbe: {  	s2 =	simm.s32 $0x0;
	s3 =	simm.s32 $0xE0  }
0xbf: {  	[tilespmem:s3], [sflag:$0x5] =	stream.linear.gather [spmem:s2], $0x20, $0x38;
	[tilespmem:$0xD920] =	vst v63  }
.Ltmp9:
0xc0: {  	_ = 	snop;
	(pc) =	sbr.rel .LBB2_15-.Ltmp9, $4  }
0xc1: {  	_ =	swait.ge [sflag:s0], $0x40  }
0xc2: {  	[sflag:s0] =	ssyncset.done $0x0  }
0xc3: {  	s31 =	simm.s32 $0x6;
	[sflag:s0] =	ssyncadd.s32 $0xFFFFFFC0  }
0xc4: {  	s4 =	simm.s32 $0x0;
	[sflag:s31] =	ssyncpa.u1 $0x0  }
.LBB2_20:
0xc5: {  	p0 =	sgt.u32 s0, $0x3FFF  }
0xc6: {  	s5 =	sshrl.u32 @!p0 s0, $0x3  }
0xc7: {  	s0 =	sand.u32 @!p0 $0x7, s0;
	s6 =	simm.s32 @!p0 $0xB0;
	s5 =	sadd.s32 @!p0 s1, s5  }
0xc8: {  	[tilespmem:s6], [sflag:$0x6] =	stream.linear.gather @!p0 [hbm4b:s5+s0], $0x1, $0x38;
	[tilespmem:$0xD920] =	vst v63  }
0xc9: {  	s0 =	simm.s32 @!p0 $0x6  }
0xca: {  	_ =	swait.ge @!p0 [sflag:s0], $0x1  }
0xcb: {  	[sflag:s0] =	ssyncset.done @!p0 $0x0  }
0xcc: {  	[sflag:s0] =	ssyncadd.s32 @!p0 $0xFFFFFFFF  }
0xcd: {  	v2 =	vmov @!p0 s4;
	v1 =	vld.msk @!p0 [tilespmem:$0xB0], $0x1;
	_ =	sdelay $0x3  }
0xce: {  	s0 =	simm.s32 @!p0 $0xE0  }
0xcf: {  	[tilespmem:v2+s0+$0x0], v1 =	vst.idx.ret.add.f32.msk @!p0 $0x1, v1  }
0xd0: {  	[tilespmem:s2+$0xC0] =	vst.msk $0x1, v0  }
0xd1: {  	v0 =	vld.msk [tilespmem:s4+$0xE0], $0x1;
	_ =	sdelay $0x4  }
0xd2: {  	[tilespmem:s2+$0xE0] =	vst.msk $0x1, v0;
	s2 =	sadd.s32 $0x1, s2  }
.LBB2_22:
0xd3: {  	s4 =	sadd.s32 $0x1, s4  }
0xd4: {  	p0 =	sne.s32 s4, $0x20  }
.Ltmp10:
0xd5: {  	_ = 	snop;
	(pc) =	sbr.rel @!p0 .LBB2_23-.Ltmp10, $1  }
0xd6: {  	_ =	sdelay $0x3  }
.LBB2_15:
0xd7: {  	v0 =	vld.msk [tilespmem:s4+$0xC0], $0x1;
	_ =	sdelay $0x4  }
0xd8: {  	(v2sf) =	vpush v0, $0x0;
	_ =	sdelay $0xe  }
0xd9: {  	s0 =	spop (v2sf)  }
0xda: {  	p0 =	seq.s32 s0, $0xFFFFFFFF  }
.Ltmp11:
0xdb: {  	_ = 	snop;
	(pc) =	sbr.rel @p0 .LBB2_22-.Ltmp11, $1  }
0xdc: {  	_ =	sdelay $0x3  }
0xdd: {  	p0 =	slt.s32 s2, $0x1  }
.Ltmp12:
0xde: {  	_ = 	snop;
	(pc) =	sbr.rel @p0 .LBB2_20-.Ltmp12, $1  }
0xdf: {  	_ =	sdelay $0x3  }
0xe0: {  	s5 =	simm.s32 $0xC0;
	p0 =	por $0x0, $0x0  }
0xe1: {  	v1 =	vld.msk @!p0 [tilespmem:s5+$0x0], $0x1;
	_ =	sdelay $0x4  }
0xe2: {  	(v2sf) =	vpush @!p0 v1, $0x0;
	_ =	sdelay $0xd  }
0xe3: {  	p2 =	sne.s32 s2, $0x1  }
.Ltmp13:
0xe4: {  	s6 =	spop @!p0 (v2sf);
	(pc) =	sbr.rel @!p2 .LBB2_19-.Ltmp13, $4  }
0xe5: {  	p1 =	seq.s32 @!p0 s0, s6  }
0xe6: {  	s6 =	simm.s32 $0x0;
	p1 =	por !p1, p0  }
0xe7: {  	s8 =	simm.s32 $0xFFFFFFFF;
	s6 =	simm.s32 @p1 $0xFFFFFFFF  }
0xe8: {  	s7 =	simm.s32 $0x1;
	s6 =	smov.u32 @p0 s8  }
.LBB2_18:
0xe9: {  	s8 =	smov.u32 s6;
	p0 =	sne.s32 s6, $0xFFFFFFFF  }
0xea: {  	s5 =	sadd.s32 $0x1, s5;
	s6 =	smov.u32 s7;
	s7 =	sadd.s32 $0x1, s7  }
0xeb: {  	p1 =	sne.s32 s2, s7;
	v1 =	vld.msk @!p0 [tilespmem:s5+$0x0], $0x1;
	_ =	sdelay $0x4  }
0xec: {  	(v2sf) =	vpush @!p0 v1, $0x0;
	_ =	sdelay $0xe  }
.Ltmp14:
0xed: {  	s9 =	spop @!p0 (v2sf);
	(pc) =	sbr.rel @p1 .LBB2_18-.Ltmp14, $4  }
0xee: {  	p2 =	seq.s32 @!p0 s0, s9  }
0xef: {  	p2 =	por !p2, p0  }
0xf0: {  	s6 =	simm.s32 @p2 $0xFFFFFFFF  }
0xf1: {  	s6 =	smov.u32 @p0 s8  }
.LBB2_19:
0xf2: {  	p0 =	sne.s32 s6, $0xFFFFFFFF  }
.Ltmp15:
0xf3: {  	_ = 	snop;
	(pc) =	sbr.rel @!p0 .LBB2_20-.Ltmp15, $1  }
0xf4: {  	_ =	sdelay $0x3  }
0xf5: {  	v0 =	vld.msk [tilespmem:s4+$0xE0], $0x1;
	v1 =	vmov s6  }
.Ltmp16:
0xf6: {  	_ = 	snop;
	(pc) =	sbr.rel .LBB2_22-.Ltmp16, $2  }
0xf7: {  	_ =	sdelay $0x2  }
0xf8: {  	[tilespmem:v1+s3+$0x0], v0 =	vst.idx.ret.add.f32.msk $0x1, v0  }
.LBB2_23:
0xf9: {  	p0 =	slt.s32 s2, $0x1  }
.Ltmp17:
0xfa: {  	_ = 	snop;
	(pc) =	sbr.rel @p0 .LBB2_27-.Ltmp17, $3  }
0xfb: {  	_ =	sdelay $0x1  }
0xfc: {  	s0 =	simm.s32 $0x6  }
0xfd: {  	[sflag:s0] =	ssyncpa.u1 $0x1;
	s0 =	simm.s32 $0x0  }
0xfe: {  	s3 =	simm.s32 $0xC0  }
0xff: {  	v0 =	vld.msk [tilespmem:s3+$0x0], $0x1;
	_ =	sdelay $0x4  }
0x100: {  	(v2sf) =	vpush v0, $0x0;
	_ =	sdelay $0xe  }
0x101: {  	s2 =	sadd.s32 $0xFFFFFFFF, s2;
	s4 =	spop (v2sf)  }
0x102: {  	p1 =	sne.s32 s2, $0x0;
	p0 =	sgt.u32 s4, $0x3FFF  }
.Ltmp18:
0x103: {  	s5 =	sshrl.u32 @!p0 s4, $0x3;
	(pc) =	sbr.rel @!p1 .LBB2_26-.Ltmp18, $4  }
0x104: {  	s3 =	simm.s32 $0xE0;
	s4 =	sand.u32 @!p0 $0x7, s4;
	s5 =	sadd.s32 @!p0 s1, s5  }
0x105: {  	[hbm4b:s5+s4] =	stream.linear.scatter @!p0 [tilespmem:s3], [sflag:$0x5], $0x1, $0x38;
	[tilespmem:$0xD920] =	vst v63  }
0x106: {  	s5 =	simm.s32 $0x0  }
0x107: {  	s4 =	simm.s32 $0xC1;
	s5 =	simm.s32 @!p0 $0x4  }
.LBB2_25:
0x108: {  	v0 =	vld.msk [tilespmem:s4+$0x0], $0x1;
	s2 =	sadd.s32 $0xFFFFFFFF, s2;
	s0 =	sadd.s32 s0, s5  }
0x109: {  	p0 =	sne.s32 s2, $0x0;
	_ =	sdelay $0x3  }
0x10a: {  	(v2sf) =	vpush v0, $0x0;
	_ =	sdelay $0xe  }
.Ltmp19:
0x10b: {  	s6 =	spop (v2sf);
	(pc) =	sbr.rel @p0 .LBB2_25-.Ltmp19, $4  }
0x10c: {  	s5 =	simm.s32 $0x0;
	p1 =	sgt.u32 s6, $0x3FFF  }
0x10d: {  	s3 =	sadd.s32 $0x1, s3;
	s5 =	simm.s32 @!p1 $0x4;
	s7 =	sshrl.u32 @!p1 s6, $0x3  }
0x10e: {  	s4 =	sadd.s32 $0x1, s4;
	s6 =	sand.u32 @!p1 $0x7, s6;
	s7 =	sadd.s32 @!p1 s1, s7  }
0x10f: {  	[hbm4b:s7+s6] =	stream.linear.scatter @!p1 [tilespmem:s3], [sflag:$0x5], $0x1, $0x38;
	[tilespmem:$0xD920] =	vst v63  }
.LBB2_26:
0x110: {  	s0 =	sadd.s32 s0, s5  }
0x111: {  	s0 =	sshrl.u32 s0, $0x2  }
.LBB2_27:
0x112: {  	s1 =	simm.s32 $0x5  }
0x113: {  	_ =	swait.ge [sflag:s1], s0  }
0x114: {  	s28 =	ssub.s32 $0x0, s0;
	[sflag:s1] =	ssyncset.done $0x0  }
0x115: {  	[sflag:s1] =	ssyncadd.s32 s28  }
0x116: {  	[sflag:s1] =	ssyncpa.u1 $0x1  }
0x117: {  	s29 =	simm.s32 $0x1;
	_ =	sfence  }
0x118: {  	s30 =	simm.s32 $0x2;
	[sflag:s29] =	ssyncpa.u1 $0x1  }
0x119: {  	[sflag:s30] =	ssyncpa.u1 $0x1  }
0x11a: {  	_ =	strace $0x9000004A  }
0x11b: {  	[bflag:$0x2] =	sbarrier.arrive $0xFFFF  }
0x11c: {  	s31 =	rddreg [dreg:$0x1]  }
0x11d: {  	s0 =	sadd.s32 $0x100000, s31  }
0x11e: {  	[sflag:s0] =	ssyncadd.tile.s32 $0x1;
	_ =	shalt  }
.Lfunc_end2:
_tile_overlayer_lowered:
.L_overlay_start_2:
0x11f: {  	(tag) =	ssettag $0x2  }
0x120: {  	s0 =	rddreg [dreg:$0x0];
	s2 =	stileid.u32  }
0x121: {  	s1 =	rddreg [dreg:$0x1];
	p0 =	sne.s32 s2, $0x0  }
0x122: {  	s3 =	rddreg [dreg:$0x2];
	[bflag:$0x3] =	sbarrier.arrive $0xFFFF;
	s2 =	simm.s32 @!p0 $0x1C01  }
0x123: {  	[timem:s3], [sflag:s2] =	dma.local @!p0 [hbm:s0], s1  }
0x124: {  	s0 =	simm.s32 @!p0 $0x1  }
0x125: {  	_ =	swait.ge @!p0 [sflag:s0], s1  }
0x126: {  	s1 =	ssub.s32 @!p0 $0x0, s1;
	[sflag:s0] =	ssyncset.done @!p0 $0x0  }
0x127: {  	[sflag:s0] =	ssyncadd.s32 @!p0 s1  }
0x128: {  	[bflag:$0x3] =	sbarrier.arrive $0xFFFF  }
0x129: {  	_ =	shalt  }

// kernel: scatter_offload_async_start.2
scs
__scs_entry_jumppad:
0x0: {  	(pc) =	sbr.rel $0x88, $3  }
0x1: {  	(tag) =	ssettag $0x0;
	lr =	simm.s32 $0x1  }
0x2: {  	[smem:$0x3F89] =	sst lr;
	_ =	strace $0xD0000000  }
0x3: {  	_ = 	snop  }
0x4: {  	_ = 	snop  }
0x5: {  	_ = 	snop  }
0x6: {  	_ = 	snop  }
0x7: {  	_ = 	snop  }
__scs_overlays_trampoline_lowered:
0x8: {  	[smem:$0x3F98] =	sst s0  }
0x9: {  	[smem:$0x3F99] =	sst s1  }
0xa: {  	[smem:$0x3F9A] =	sst s2  }
0xb: {  	[smem:$0x3F9B] =	sst s3  }
0xc: {  	[smem:$0x3F9C] =	sst s4  }
0xd: {  	[smem:$0x3F9D] =	sst s5  }
0xe: {  	[smem:$0x3F9E] =	sst s6  }
0xf: {  	[smem:$0x3F9F] =	sst s7  }
0x10: {  	[smem:$0x3FA0] =	sst s8  }
0x11: {  	[smem:$0x3FA1] =	sst s9;
	s0 =	simm.s32 @!p0 $0x0  }
0x12: {  	s1 =	sld [smem:$0x3F87];
	s0 =	simm.s32 @p0 $0x1  }
0x13: {  	[smem:$0x3FA2] =	sst s0;
	s0 =	simm.s32 @!p1 $0x0  }
0x14: {  	s2 =	sld [smem:$0x3F86];
	s0 =	simm.s32 @p1 $0x1  }
0x15: {  	[smem:$0x3FA3] =	sst s0;
	s0 =	simm.s32 @!p2 $0x0  }
0x16: {  	s3 =	sld [smem:$0x3FDB];
	s0 =	simm.s32 @p2 $0x1  }
0x17: {  	s4 =	simm.s32 $0x1BF5;
	[smem:$0x3FA5] =	sst s0  }
0x18: {  	s0 =	sld [smem:$0x3F88];
	_ =	swait.ge [sflag:s4], $0x0  }
0x19: {  	s7 =	sld [smem:$0x3F89]  }
0x1a: {  	s8 =	sadd.s32 $0xFFFFE003, lr  }
0x1b: {  	s9 =	sadd.s32 $0xFFFFFEF7, lr;
	s5 =	simm.s32 $0xFFFFFFFF;
	p2 =	slt.u32 s8, $0xFFFFF086  }
0x1c: {  	p1 =	slt.u32 s9, $0xF7A;
	s5 =	simm.s32 @!p2 $0x0  }
0x1d: {  	s5 =	simm.s32 @p1 $0x1;
	p0 =	seq.s32 s7, s2  }
0x1e: {  	s7 =	smul.u32 @!p0 $0xF7A, s2;
	p2 =	seq.s32 @!p0 s5, $0x0  }
0x1f: {  	s9 =	smul.u32 $0xF7A, s1;
	s8 =	simm.s32 @!p0 $0x1BF5;
	p2 =	por !p2, p0  }
0x20: {  	[sflag:s8] =	ssyncset.s32 @!p0 $0xFFFFF086;
	s6 =	sadd.s32 @!p0 s3, s7;
	s7 =	simm.s32 @!p0 $0x108  }
0x21: {  	s3 =	sadd.s32 s3, s9;
	s6 =	sadd.s32 @!p0 $0x88, s6;
	s7 =	simm.s32 @p2 $0x1082  }
0x22: {  	[simem:s7], [sflag:s8] =	dma.local @!p0 [hbm:s6], $0xF7A  }
0x23: {  	s9 =	sor.u32 $0xD0000000, s2;
	s6 =	simm.s32 $0x108;
	_ =	swait.ge @!p0 [sflag:s8], $0x0  }
0x24: {  	s3 =	sadd.s32 $0x88, s3;
	s6 =	simm.s32 @!p1 $0x1082;
	[sflag:s4] =	ssyncset.s32 $0xFFFFF086  }
0x25: {  	[simem:s6], [sflag:s4] =	dma.local [hbm:s3], $0xF7A  }
0x26: {  	[smem:$0x3F89] =	sst s1;
	(tag) =	ssettag s2;
	_ =	strace s9  }
0x27: {  	s1 =	sld [smem:$0x3F99]  }
0x28: {  	s2 =	sld [smem:$0x3F9A]  }
0x29: {  	s4 =	sld [smem:$0x3F9C]  }
0x2a: {  	p0 =	seq.s32 s5, $0x0;
	s5 =	sld [smem:$0x3F9D]  }
0x2b: {  	s6 =	sld [smem:$0x3F9E]  }
0x2c: {  	s7 =	sld [smem:$0x3F9F]  }
0x2d: {  	s3 =	simm.s32 $0x108;
	s8 =	sld [smem:$0x3FA0]  }
0x2e: {  	s3 =	simm.s32 @!p0 $0x1082;
	s9 =	sld [smem:$0x3FA1]  }
0x2f: {  	lr =	sadd.s32 s0, s3;
	s0 =	sld [smem:$0x3F98]  }
0x30: {  	s3 =	sld [smem:$0x3F9B]  }
0x31: {  	[smem:$0x3FA4] =	sst s10  }
0x32: {  	s10 =	sld [smem:$0x3FA2];
	_ =	sdelay $0x3  }
0x33: {  	p0 =	seq.s32 s10, $0x1;
	s10 =	sld [smem:$0x3FA4];
	_ =	sdelay $0x3  }
0x34: {  	[smem:$0x3FA4] =	sst s10  }
0x35: {  	s10 =	sld [smem:$0x3FA3];
	_ =	sdelay $0x3  }
0x36: {  	p1 =	seq.s32 s10, $0x1;
	s10 =	sld [smem:$0x3FA4];
	_ =	sdelay $0x3  }
0x37: {  	[smem:$0x3FA4] =	sst s10  }
0x38: {  	s10 =	sld [smem:$0x3FA5]  }
0x39: {  	_ = 	snop;
	(pc) =	sbr.ind lr, $3  }
0x3a: {  	_ = 	snop  }
0x3b: {  	_ = 	snop  }
0x3c: {  	p2 =	seq.s32 s10, $0x1;
	s10 =	sld [smem:$0x3FA4]  }
0x3d: {  	_ =	shalt  }
0x3e: {  	_ =	shalt  }
0x3f: {  	_ =	shalt  }
0x40: {  	_ =	shalt  }
0x41: {  	_ =	shalt  }
0x42: {  	_ =	shalt  }
0x43: {  	_ =	shalt  }
0x44: {  	_ =	shalt  }
0x45: {  	_ =	shalt  }
0x46: {  	_ =	shalt  }
0x47: {  	_ =	shalt  }
0x48: {  	_ =	shalt  }
0x49: {  	_ =	shalt  }
0x4a: {  	_ =	shalt  }
0x4b: {  	_ =	shalt  }
0x4c: {  	_ =	shalt  }
0x4d: {  	_ =	shalt  }
0x4e: {  	_ =	shalt  }
0x4f: {  	_ =	shalt  }
0x50: {  	_ =	shalt  }
0x51: {  	_ =	shalt  }
0x52: {  	_ =	shalt  }
0x53: {  	_ =	shalt  }
0x54: {  	_ =	shalt  }
0x55: {  	_ =	shalt  }
0x56: {  	_ =	shalt  }
0x57: {  	_ =	shalt  }
0x58: {  	_ =	shalt  }
0x59: {  	_ =	shalt  }
0x5a: {  	_ =	shalt  }
0x5b: {  	_ =	shalt  }
0x5c: {  	_ =	shalt  }
0x5d: {  	_ =	shalt  }
0x5e: {  	_ =	shalt  }
0x5f: {  	_ =	shalt  }
0x60: {  	_ =	shalt  }
0x61: {  	_ =	shalt  }
0x62: {  	_ =	shalt  }
0x63: {  	_ =	shalt  }
0x64: {  	_ =	shalt  }
0x65: {  	_ =	shalt  }
0x66: {  	_ =	shalt  }
0x67: {  	_ =	shalt  }
0x68: {  	_ =	shalt  }
0x69: {  	_ =	shalt  }
0x6a: {  	_ =	shalt  }
0x6b: {  	_ =	shalt  }
0x6c: {  	_ =	shalt  }
0x6d: {  	_ =	shalt  }
0x6e: {  	_ =	shalt  }
0x6f: {  	_ =	shalt  }
0x70: {  	_ =	shalt  }
0x71: {  	_ =	shalt  }
0x72: {  	_ =	shalt  }
0x73: {  	_ =	shalt  }
0x74: {  	_ =	shalt  }
0x75: {  	_ =	shalt  }
0x76: {  	_ =	shalt  }
0x77: {  	_ =	shalt  }
0x78: {  	_ =	shalt  }
0x79: {  	_ =	shalt  }
0x7a: {  	_ =	shalt  }
0x7b: {  	_ =	shalt  }
0x7c: {  	_ =	shalt  }
0x7d: {  	_ =	shalt  }
0x7e: {  	_ =	shalt  }
0x7f: {  	_ =	shalt  }
0x80: {  	_ =	shalt  }
0x81: {  	_ =	shalt  }
0x82: {  	_ =	shalt  }
0x83: {  	_ =	shalt  }
0x84: {  	_ =	shalt  }
0x85: {  	_ =	shalt  }
0x86: {  	_ =	shalt  }
0x87: {  	_ =	shalt  }
.Lfunc_end0:
.L_simem_size_0:
called_computation.2_lowered:
.L_overlay_start_0:
0x88: {  	s2 =	sld [smem:$0x3FD9]  }
0x89: {  	s3 =	sld [smem:$0x3FFE];
	_ =	sdelay $0x1  }
0x8a: {  	s1 =	srdreg.scid  }
0x8b: {  	s0 =	sand.u32 $0x1, s1  }
0x8c: {  	s16 =	sshll.u32 s0, $0xA;
	s2 =	sadd.s32 s3, s2  }
0x8d: {  	s2 =	sadd.s32 s2, s16  }
0x8e: {  	[smem:$0x3FB0] =	sst s2  }
0x8f: {  	_ = 	snop  }
0x90: {  	s2 =	sld [smem:$0x3FD0];
	(tm) =	ssettm $0x1  }
0x91: {  	s17 =	sld [smem:$0x3FFB];
	_ =	sdelay $0x3  }
0x92: {  	_ =	strace s17  }
0x93: {  	s3 =	sld [smem:$0x3FFC];
	_ =	sdelay $0x3  }
0x94: {  	_ =	strace s3  }
0x95: {  	s3 =	sld [smem:$0x3FFD];
	_ =	sdelay $0x3  }
0x96: {  	_ =	strace s3  }
0x97: {  	_ =	strace $0x8FFFFFFF  }
0x98: {  	s18 =	sld [smem:$0x3FDB];
	_ =	sdelay $0x1  }
0x99: {  	s4 =	simm.s32 $_scs_section_size  }
0x9a: {  	s5 =	simm.s32 $_size__tile_overlayer_lowered;
	s6 =	simm.s32 $_tile_overlayer_lowered  }
0x9b: {  	s21 =	simm.s32 $0x1BFF;
	s20 =	sshll.u32 s6, $0x1;
	s3 =	sadd.s32 s4, s18  }
0x9c: {  	s7 =	simm.s32 $0x0;
	s19 =	sshll.u32 s5, $0x1;
	s5 =	sadd.s32 s20, s3  }
0x9d: {  	[timem:s7], [sflag:s21] =	dma.local [hbm:s5], s19  }
0x9e: {  	_ =	swait.ge [sflag:s21], s19  }
0x9f: {  	s4 =	ssub.s32 $0x0, s19;
	[sflag:s21] =	ssyncset.done $0x0  }
0xa0: {  	[sflag:s21] =	ssyncadd.s32 s4;
	_ =	sdelay $0x1  }
0xa1: {  	s22 =	simm.s32 $0x1B8B  }
0xa2: {  	_ =	swait.ge [sflag:s22], $0x1  }
0xa3: {  	[sflag:s22] =	ssyncset.done $0x0  }
0xa4: {  	s23 =	sld [smem:$0x3FFE];
	[sflag:s22] =	ssyncadd.s32 $0xFFFFFFFF  }
0xa5: {  	s25 =	simm.s32 $0x1B8E;
	s24 =	sld [smem:$0x0]  }
0xa6: {  	s26 =	simm.s32 $execute0_lowered;
	[smem:$0x3FD2] =	sst s25  }
0xa7: {  	s6 =	sshll.u32 s26, $0x1;
	_ =	strace $0x8000004C;
	[dreg:$0x1] =	wrdreg $0xFFFFFFFF  }
0xa8: {  	s28 =	simm.s32 $_size_execute0_lowered;
	s3 =	sadd.s32 s3, s6;
	[dreg:$0x0] =	wrdreg $0x0  }
0xa9: {  	s6 =	sshll.u32 s28, $0x1;
	[dreg:$0x2] =	wrdreg s3  }
0xaa: {  	[dreg:$0x3] =	wrdreg s6  }
0xab: {  	[dreg:$0x4] =	wrdreg $0xC0  }
0xac: {  	_ =	task [dreg:s7], $0x5FFFF  }
0xad: {  	[dreg:$0x1] =	wrdreg $0xFFFFFFFF  }
0xae: {  	[dreg:$0x0] =	wrdreg $0x60  }
0xaf: {  	[dreg:$0x2] =	wrdreg s2  }
0xb0: {  	[dreg:$0x3] =	wrdreg s23  }
0xb1: {  	[dreg:$0x4] =	wrdreg s1  }
0xb2: {  	[dreg:$0x5] =	wrdreg s24  }
0xb3: {  	[dreg:$0x6] =	wrdreg $0x9  }
0xb4: {  	_ =	task.clear_ibuf [dreg:s7], $0x7FFFF;
	_ =	strace $0x9000004C  }
0xb5: {  	s29 =	simm.s32 $0x9;
	_ =	strace $0x8000004E  }
0xb6: {  	_ =	swait.ge [sflag:s29], $0x1  }
0xb7: {  	[sflag:s29] =	ssyncadd.s32 $0xFFFFFFFF  }
0xb8: {  	_ =	strace $0x9000004E  }
0xb9: {  	_ =	sfence  }
0xba: {  	s30 =	sld [smem:$0x0];
	_ =	sdelay $0x2  }
0xbb: {  	s31 =	sshll.u32 s1, $0xD;
	s1 =	sshrl.u32 s1, $0x2  }
0xbc: {  	s3 =	sand.u32 $0x4000, s31;
	s1 =	sadd.s32 s1, s30  }
0xbd: {  	s0 =	sor.u32 s3, s0;
	s1 =	sshll.u32 s1, $0x11  }
0xbe: {  	s0 =	sor.u32 s1, s0  }
0xbf: {  	s0 =	sadd.s32 $0x8F2B, s0  }
0xc0: {  	[sflag:s0] =	ssyncadd.remote.s32 $0x1  }
0xc1: {  	_ =	sfence.sel $0xFFFF  }
0xc2: {  	[dreg:$0x0] =	wrdreg $0xFFFFFFFF;
	(pc) =	sbr.abs _section_cstart, $3  }
0xc3: {  	[dreg:$0x1] =	wrdreg $0xFFFFFFFF  }
0xc4: {  	_ =	task.clear_ibuf [dreg:s7], $0x2FFFF;
	_ =	strace $0x9FFFFFFF  }
0xc5: {  	(tm) =	ssettm $0x7FFFFFFF  }
tec
execute0_lowered:
.L_overlay_start_1:
0x0: {  	(tag) =	ssettag $0x1  }
0x1: {  	s1 =	rddreg [dreg:$0x0]  }
0x2: {  	s2 =	rddreg [dreg:$0x1]  }
0x3: {  	s3 =	rddreg [dreg:$0x2];
	_ =	strace $0x8000004D;
	s0 =	simm.s32 $0x1  }
0x4: {  	v0 =	vimm.s32 $0x0;
	[sflag:s0] =	ssyncpa.u1 $0x0;
	s0 =	simm.s32 $0x108  }
0x5: {  	[tilespmem:s0+$0x70] =	vst v0  }
0x6: {  	[tilespmem:s0+$0x60] =	vst v0  }
0x7: {  	[tilespmem:s0+$0x50] =	vst v0  }
0x8: {  	[tilespmem:s0+$0x40] =	vst v0  }
0x9: {  	[tilespmem:s0+$0x30] =	vst v0  }
0xa: {  	s15 =	sadd.s32 $0x1CF600, s2;
	s6 =	sadd.s32 $0x4BE00, s2;
	[tilespmem:s0+$0x20] =	vst v0  }
0xb: {  	s14 =	sadd.s32 $0x1D2600, s2;
	s5 =	sand.u32 $0x1, s3;
	s3 =	simm.s32 $0x40;
	[tilespmem:s0+$0x10] =	vst v0  }
.LBB2_1:
0xc: {  	s3 =	sadd.s32 $0x40, s3;
	[tilespmem:s0+$0x0] =	vst v0;
	s0 =	sadd.s32 $0x80, s0  }
0xd: {  	p0 =	slt.u32 s3, $0x3C40;
	[tilespmem:s0+$0x70] =	vst v0  }
0xe: {  	[tilespmem:s0+$0x60] =	vst v0  }
.Ltmp0:
0xf: {  	[tilespmem:s0+$0x50] =	vst v0;
	(pc) =	sbr.rel @p0 .LBB2_1-.Ltmp0, $4  }
0x10: {  	[tilespmem:s0+$0x40] =	vst v0  }
0x11: {  	[tilespmem:s0+$0x30] =	vst v0  }
0x12: {  	[tilespmem:s0+$0x20] =	vst v0  }
0x13: {  	[tilespmem:s0+$0x10] =	vst v0  }
0x14: {  	s9 =	stileid.u32  }
0x15: {  	s2 =	smul.u32 $0xC, s9  }
0x16: {  	s3 =	smin.u32 s9, $0xD  }
0x17: {  	s2 =	sadd.s32 s3, s2  }
0x18: {  	p0 =	slt.u32 s9, $0xD;
	s7 =	smul.u32 $0xF0, s2;
	s2 =	simm.s32 $0xC30  }
0x19: {  	s2 =	simm.s32 @!p0 $0xB40  }
0x1a: {  	s2 =	sadd.s32 s2, s7  }
0x1b: {  	s8 =	smin.u32 s2, $0xC000  }
0x1c: {  	s2 =	ssub.s32 s8, s7  }
0x1d: {  	p0 =	sgt.s32 s2, $0x0  }
0x1e: {  	s29 =	simm.s32 $0x2;
	s10 =	simm.s32 $0x9;
	s2 =	simm.s32 @!p0 $0x0  }
0x1f: {  	s4 =	simm.s32 $0xA;
	s11 =	simm.s32 $0xB;
	s28 =	smul.u32 $0x8889, s2  }
0x20: {  	[dreg:$0x5] =	wrdreg s5;
	s31 =	smul.u32 $0x1800, s5;
	s12 =	simm.s32 $0x1  }
0x21: {  	s22 =	simm.s32 $0x0;
	s18 =	simm.s32 $0xC;
	s30 =	sshrl.u32 s28, $0x17  }
0x22: {  	s20 =	simm.s32 $0x0;
	s21 =	simm.s32 $0x0;
	s3 =	smul.u32 $0xF0, s30  }
.Ltmp1:
0x23: {  	[tilespmem:s0+$0x0] =	vst v0;
	v0 =	vimm.s32 $0xFFFFFFFF;
	[sflag:s29] =	ssyncpa.u1 $0x0;
	s16 =	sshll.u32 s9, $0x8;
	(pc) =	sbr.rel .LBB2_3-.Ltmp1, $4  }
0x24: {  	[tilespmem:$0xF208] =	vst v0;
	[sflag:s10] =	ssyncpa.u1 $0x0;
	p0 =	sne.s32 s2, s3;
	s2 =	simm.s32 $0x1  }
0x25: {  	s14 =	sadd.s32 s31, s14;
	[sflag:s4] =	ssyncpa.u1 $0x0;
	s2 =	simm.s32 @!p0 $0x0  }
0x26: {  	s15 =	sadd.s32 s31, s15;
	[sflag:s11] =	ssyncpa.u1 $0x0;
	s13 =	sadd.s32 s30, s2  }
0x27: {  	v0 =	vlaneseq.u32;
	s19 =	smov.u32 s7;
	p0 =	por $0x0, $0x0;
	s17 =	sadd.s32 $0x1, s13  }
.LBB2_18:
0x28: {  	s0 =	sshrl.u32 s31, $0x2  }
.LBB2_20:
0x29: {  	_ =	swait.ge [sflag:s18], s0  }
0x2a: {  	s31 =	ssub.s32 $0x0, s0;
	v1 =	vmov s24;
	vm0 =	veq.s32 v0, $0x0;
	[sflag:s18] =	ssyncset.done $0x0  }
0x2b: {  	vm15 =	veq.s32 v0, $0x2;
	v1 =	vsel vm0, s30, v1;
	[sflag:s18] =	ssyncadd.s32 s31  }
0x2c: {  	v1 =	vsel vm15, s22, v1;
	[sflag:s18] =	ssyncpa.u1 $0x1  }
0x2d: {  	[tilespmem:$0xF208] =	vst v1  }
.LBB2_21:
0x2e: {  	s0 =	sadd.s32 $0xF0, s19  }
0x2f: {  	s2 =	smov.u32 s7;
	p1 =	slt.s32 s0, s8  }
0x30: {  	s2 =	smov.u32 @p1 s0;
	p1 =	sne.s32 s21, s17  }
.Ltmp2:
0x31: {  	_ = 	snop;
	(pc) =	sbr.rel @!p1 .LBB2_22-.Ltmp2, $3  }
0x32: {  	_ =	sdelay $0x1  }
0x33: {  	s22 =	smov.u32 s20;
	s31 =	sadd.s32 $0x1, s21;
	s20 =	smov.u32 s19  }
0x34: {  	p0 =	por !p0, !p0;
	s21 =	smov.u32 s31;
	s19 =	smov.u32 s2  }
.LBB2_3:
0x35: {  	p1 =	sge.u32 s21, s13  }
0x36: {  	s0 =	smulhi.u32 @!p1 $0xAAAAAAAB, s21  }
0x37: {  	s2 =	smov.u32 s19;
	p2 =	sgt.s32 @!p1 s19, $0xBF10  }
0x38: {  	s3 =	sshra.s32 @!p1 s19, $0x1F;
	p2 =	por !p2, p1;
	s0 =	sshrl.u32 @!p1 s0, $0x1  }
0x39: {  	s3 =	sand.u32 @!p1 s3, s19;
	s2 =	simm.s32 @p2 $0xBF10;
	s0 =	smul.u32 @!p1 $0x3, s0  }
0x3a: {  	s2 =	ssub.s32 @!p1 s2, s3  }
0x3b: {  	s2 =	sadd.s32 @!p1 $0xFFFF40F0, s2;
	s0 =	ssub.s32 @!p1 s21, s0  }
0x3c: {  	s3 =	sshll.u32 @!p1 s2, $0x2;
	p2 =	sgt.s32 @!p1 s2, $0xEF;
	s0 =	smul.u32 @!p1 $0x3C0, s0  }
0x3d: {  	s4 =	sand.u32 @!p1 $0x7, s19;
	s2 =	ssub.s32 @!p1 $0x3C0, s3;
	p2 =	por !p2, p1  }
0x3e: {  	s3 =	sshrl.u32 @!p1 s19, $0x3;
	s2 =	sshrl.u32 @!p1 s2, $0x2;
	s0 =	sshrl.u32 @!p1 s0, $0x2  }
0x3f: {  	s3 =	sadd.s32 @!p1 s3, s14;
	s2 =	simm.s32 @!p2 $0x0;
	s0 =	sadd.s32 @!p1 $0x10248, s0  }
0x40: {  	[tilespmem:s0], [sflag:$0xA] =	stream.linear.gather @!p1 [hbm4b:s3+s4], s2, $0x38;
	[tilespmem:$0x1F6F8] =	vst v63  }
0x41: {  	s0 =	sadd.s32 $0xFFFFFFFF, s21  }
0x42: {  	p1 =	sge.u32 s0, s13  }
0x43: {  	p2 =	sgt.s32 @!p1 s20, $0xBF10  }
0x44: {  	s2 =	smov.u32 s20;
	s3 =	sshra.s32 @!p1 s20, $0x1F;
	p2 =	por !p2, p1  }
0x45: {  	s3 =	sand.u32 @!p1 s3, s20;
	s2 =	simm.s32 @p2 $0xBF10  }
0x46: {  	s2 =	ssub.s32 @!p1 s2, s3  }
0x47: {  	s2 =	sadd.s32 @!p1 $0xFFFF40F0, s2  }
0x48: {  	s4 =	sand.u32 @!p1 $0x1, s0;
	s3 =	sshll.u32 @!p1 s2, $0x2  }
0x49: {  	p2 =	sgt.s32 @!p1 s2, $0xEF;
	s2 =	ssub.s32 @!p1 $0x3C0, s3;
	s3 =	smulhi.u32 @!p1 $0xAAAAAAAB, s0  }
0x4a: {  	s23 =	smul.u32 @!p1 $0x3C0, s4;
	p2 =	por !p2, p1;
	s2 =	sshrl.u32 @!p1 s2, $0x2  }
0x4b: {  	s5 =	simm.s32 @!p1 $0xA;
	s2 =	simm.s32 @!p2 $0x0;
	s3 =	sshrl.u32 @!p1 s3, $0x1  }
0x4c: {  	s23 =	sshrl.u32 @!p1 s23, $0x2;
	_ =	swait.ge @!p1 [sflag:s5], s2;
	s3 =	smul.u32 @!p1 $0x3, s3  }
0x4d: {  	s23 =	sadd.s32 @!p1 $0x10518, s23;
	s24 =	ssub.s32 @!p1 $0x0, s2;
	[sflag:s5] =	ssyncset.done @!p1 $0x0  }
0x4e: {  	[sflag:s5] =	ssyncadd.s32 @!p1 s24;
	s5 =	sshrl.u32 @!p1 s20, $0x3;
	s0 =	ssub.s32 @!p1 s0, s3  }
0x4f: {  	s24 =	sand.u32 @!p1 $0x7, s20;
	s5 =	sadd.s32 @!p1 s5, s15;
	s0 =	smul.u32 @!p1 $0x3C0, s0  }
0x50: {  	[tilespmem:s23], [sflag:$0xB] =	stream.linear.gather @!p1 [hbm4b:s5+s24], s2, $0x38;
	[tilespmem:$0x1F6F8] =	vst v63  }
0x51: {  	s3 =	ssub.s32 @!p1 $0xC000, s20;
	s2 =	smul.u32 @!p1 $0x1E000, s4  }
0x52: {  	p2 =	slt.s32 @!p1 s3, $0xF0  }
0x53: {  	p2 =	por !p2, p1;
	s0 =	sshrl.u32 @!p1 s0, $0x2;
	s2 =	sshrl.u32 @!p1 s2, $0x2  }
0x54: {  	s3 =	simm.s32 @p2 $0xF0;
	s0 =	sadd.s32 @!p1 $0x10248, s0;
	s2 =	sor.u32 @!p1 $0x106F8, s2  }
0x55: {  	[tilespmem:s2], [sflag:$0x9] =	stream.indirect.gather @!p1 [hbm4b:s6+s3], $0x80, s0, s3, $0xb8;
	[tilespmem:$0x1F6F8] =	vst v63  }
0x56: {  	p1 =	slt.u32 s21, $0x2  }
.Ltmp3:
0x57: {  	_ = 	snop;
	(pc) =	sbr.rel @p1 .LBB2_21-.Ltmp3, $1  }
0x58: {  	_ =	sdelay $0x3  }
0x59: {  	p1 =	sgt.s32 s22, $0xBF10  }
0x5a: {  	s0 =	smov.u32 s22;
	s2 =	sshra.s32 s22, $0x1F;
	s3 =	ssub.s32 $0xC000, s22  }
0x5b: {  	s0 =	simm.s32 @!p1 $0xBF10;
	s2 =	sand.u32 s2, s22;
	p1 =	slt.s32 s3, $0xF0  }
0x5c: {  	s0 =	ssub.s32 s0, s2;
	s3 =	simm.s32 @!p1 $0xF0  }
0x5d: {  	s0 =	sadd.s32 $0xFFFF40F0, s0;
	s25 =	sshll.u32 s3, $0x7  }
0x5e: {  	s26 =	sshll.u32 s0, $0x2;
	s2 =	sand.u32 $0x3FFFFF80, s25  }
0x5f: {  	p1 =	sgt.s32 s0, $0xEF;
	s29 =	ssub.s32 $0x3C0, s26;
	_ =	swait.ge [sflag:s10], s2  }
0x60: {  	s2 =	ssub.s32 $0x0, s2;
	[sflag:s10] =	ssyncset.done $0x0;
	s0 =	sshrl.u32 s29, $0x2  }
0x61: {  	[sflag:s10] =	ssyncadd.s32 s2;
	s0 =	simm.s32 @p1 $0x0  }
0x62: {  	_ =	swait.ge [sflag:s11], s0  }
0x63: {  	s0 =	ssub.s32 $0x0, s0;
	[sflag:s11] =	ssyncset.done $0x0  }
0x64: {  	[sflag:s11] =	ssyncadd.s32 s0  }
0x65: {  	v1 =	vld [tilespmem:$0xF208];
	_ =	sdelay $0x4  }
0x66: {  	(v2sf) =	vpush v1, $0x0  }
0x67: {  	(v2sf) =	vpush v1, $0x1  }
0x68: {  	(v2sf) =	vpush v1, $0x2;
	_ =	sdelay $0x3  }
0x69: {  	s0 =	sadd.s32 $0xF0, s22  }
0x6a: {  	s2 =	ssub.s32 $0x18000, s22;
	p1 =	slt.s32 s8, s0  }
0x6b: {  	s0 =	smov.u32 @p1 s8;
	p1 =	sgt.s32 s2, $0x0  }
0x6c: {  	s26 =	ssub.s32 s0, s22;
	s2 =	simm.s32 @!p1 $0x0  }
0x6d: {  	p1 =	slt.s32 s2, s26  }
0x6e: {  	s26 =	smov.u32 @p1 s2  }
0x6f: {  	s25 =	simm.s32 $0x1;
	p1 =	slt.s32 s26, $0x1  }
.Ltmp4:
0x70: {  	s25 =	simm.s32 @!p0 $0x0;
	(pc) =	sbr.rel @p1 .LBB2_8-.Ltmp4, $4  }
0x71: {  	s31 =	smul.u32 $0x3C0, s25  }
0x72: {  	s28 =	spop (v2sf)  }
0x73: {  	s0 =	sshrl.u32 s31, $0x2;
	s30 =	spop (v2sf)  }
0x74: {  	s23 =	sadd.s32 $0x10518, s0;
	s22 =	spop (v2sf)  }
0x75: {  	s0 =	smin.u32 s26, $0x10  }
0x76: {  	v1 =	vmov s0  }
0x77: {  	p2 =	sgt.s32 s26, $0x10;
	vm1 =	vgt.u32 v1, v0  }
.Ltmp5:
0x78: {  	_ = 	snop;
	(pc) =	sbr.rel @!p2 .LBB2_7-.Ltmp5, $2  }
0x79: {  	_ =	sdelay $0x2  }
0x7a: {  	s4 =	simm.s32 $0x10;
	s24 =	sadd.s32 $0xFFFFFFF0, s26;
	s0 =	smov.u32 s23;
	vm0 =	vmmov vm1  }
.LBB2_6:
0x7b: {  	s2 =	smin.u32 s24, $0x10;
	s4 =	sadd.s32 $0x10, s4;
	v1 =	vld.msk [tilespmem:s0+$0x0 ss:$0x1], vm1  }
0x7c: {  	v2 =	vmov s2;
	p2 =	slt.s32 s4, s26  }
0x7d: {  	vm1 =	vgt.u32 v2, v0  }
.Ltmp6:
0x7e: {  	(pc) =	sbr.rel @p2 .LBB2_6-.Ltmp6, $3  }
0x7f: {  	_ =	sdelay $0x1  }
0x80: {  	v1 =	vshll.u32 v1, $0x4  }
0x81: {  	s24 =	sadd.s32 $0xFFFFFFF0, s24;
	[tilespmem:s0+$0x0] =	vst.msk vm0, v1;
	s0 =	sadd.s32 $0x10, s0;
	vm0 =	vmmov vm1  }
.LBB2_7:
0x82: {  	_ =	sdelay $0x4  }
0x83: {  	v1 =	vld.msk [tilespmem:s0+$0x0 ss:$0x1], vm1;
	_ =	sdelay $0x4  }
0x84: {  	v1 =	vshll.u32 v1, $0x4  }
0x85: {  	[tilespmem:s0+$0x0] =	vst.msk vm0, v1  }
.LBB2_8:
0x86: {  	s0 =	sand.u32 $0x1, s21  }
0x87: {  	s0 =	smul.u32 $0xF0, s0  }
0x88: {  	p2 =	sne.s32 s30, $0xFFFFFFFF  }
0x89: {  	v1 =	vld.msk @!p2 [tilespmem:s0+$0x10518], $0x1;
	_ =	sdelay $0x4  }
0x8a: {  	(v2sf) =	vpush @!p2 v1, $0x0;
	_ =	sdelay $0xc  }
.Ltmp7:
0x8b: {  	_ = 	snop;
	(pc) =	sbr.rel @p1 .LBB2_19-.Ltmp7, $4  }
0x8c: {  	_ = 	snop  }
0x8d: {  	s29 =	spop @!p2 (v2sf)  }
0x8e: {  	s22 =	simm.s32 @!p2 $0x0;
	s24 =	smov.u32 s29  }
0x8f: {  	[sflag:s18] =	ssyncpa.u1 $0x0;
	s29 =	smov.u32 @p2 s28;
	s24 =	smov.u32 @p2 s30  }
0x90: {  	v1 =	vld.msk [tilespmem:s23+$0x0], $0x1;
	_ =	sdelay $0x4  }
0x91: {  	(v2sf) =	vpush v1, $0x0;
	_ =	sdelay $0xe  }
0x92: {  	s2 =	smul.u32 $0x1E000, s25;
	s0 =	spop (v2sf)  }
0x93: {  	s26 =	ssub.s32 $0x0, s26;
	p1 =	seq.s32 s29, s0  }
0x94: {  	s30 =	sadd.s32 $0x1, s26;
	s2 =	sshrl.u32 s2, $0x2;
	p2 =	sgt.s32 @!p1 s29, $0x0  }
0x95: {  	s25 =	sor.u32 $0x10738, s2;
	s2 =	smov.u32 s29;
	p2 =	por !p2, p1  }
0x96: {  	s2 =	simm.s32 @p2 $0x0;
	p2 =	seq.s32 s30, $0x0  }
.Ltmp8:
0x97: {  	_ = 	snop;
	(pc) =	sbr.rel @p2 .LBB2_11-.Ltmp8, $4  }
0x98: {  	_ = 	snop  }
0x99: {  	s28 =	simm.s32 $0x0;
	s31 =	sadd.s32 $0x1, s23;
	s2 =	smin.u32 @!p1 s2, $0x3FFF0  }
0x9a: {  	s4 =	simm.s32 @!p1 $0x1;
	s5 =	simm.s32 @!p1 $0x7988;
	s3 =	sand.u32 @!p1 $0x3FFF8, s2  }
0x9b: {  	s4 =	smov.u32 @p1 s28;
	s2 =	sand.u32 @!p1 $0x7, s2;
	s3 =	sadd.s32 @!p1 s1, s3  }
.LBB2_10:
0x9c: {  	s9 =	smov.u32 s4  }
0x9d: {  	[tilespmem:s5], [sflag:$0x2] =	stream.linear.gather @!p1 [hbm4b:s3+s2], $0x80, $0x38;
	[tilespmem:$0x1F6F8] =	vst v63  }
0x9e: {  	s30 =	sadd.s32 $0x1, s30;
	s2 =	smov.u32 s0;
	v1 =	vld.msk [tilespmem:s31+$0x0], $0x1  }
0x9f: {  	p2 =	seq.s32 s30, $0x0;
	_ =	sdelay $0x3  }
0xa0: {  	(v2sf) =	vpush v1, $0x0;
	_ =	sdelay $0xe  }
0xa1: {  	s0 =	spop (v2sf)  }
0xa2: {  	p1 =	seq.s32 s2, s0  }
0xa3: {  	p3 =	sgt.s32 @!p1 s2, $0x0;
	s3 =	sshll.u32 @!p1 s4, $0x9;
	s4 =	sadd.s32 @!p1 $0x1, s4  }
.Ltmp9:
0xa4: {  	p3 =	por !p3, p1;
	s3 =	sshra.s32 @!p1 s3, $0x2;
	(pc) =	sbr.rel @!p2 .LBB2_10-.Ltmp9, $4  }
0xa5: {  	s4 =	smov.u32 @p1 s9;
	s2 =	simm.s32 @p3 $0x0;
	s5 =	sadd.s32 @!p1 $0x7988, s3  }
0xa6: {  	s2 =	smin.u32 @!p1 s2, $0x3FFF0  }
0xa7: {  	s3 =	sand.u32 @!p1 $0x3FFF8, s2;
	s2 =	sand.u32 @!p1 $0x7, s2  }
0xa8: {  	s31 =	sadd.s32 $0x1, s31;
	s3 =	sadd.s32 @!p1 s1, s3  }
.LBB2_11:
0xa9: {  	[tilespmem:s5], [sflag:$0x2] =	stream.linear.gather @!p1 [hbm4b:s3+s2], $0x80, $0x38;
	[tilespmem:$0x1F6F8] =	vst v63  }
.Ltmp10:
0xaa: {  	s0 =	sshll.u32 s4, $0x7;
	(pc) =	sbr.rel .LBB2_12-.Ltmp10, $4  }
0xab: {  	s30 =	simm.s32 $0x2;
	s0 =	sand.u32 $0x3FFFFF80, s0  }
0xac: {  	_ =	swait.ge [sflag:s30], s0  }
0xad: {  	s0 =	ssub.s32 $0x0, s0;
	[sflag:s30] =	ssyncset.done $0x0  }
0xae: {  	s31 =	simm.s32 $0x0;
	[sflag:s30] =	ssyncadd.s32 s0  }
.LBB2_13:
0xaf: {  	v1 =	vld [tilespmem:s25+$0xFFFFFFC0];
	_ =	sdelay $0x3  }
0xb0: {  	s0 =	sshra.s32 s0, $0x2  }
0xb1: {  	[tilespmem:s0+$0x108] =	vst.add.f32.msk $0xffff, v1  }
0xb2: {  	v1 =	vld [tilespmem:s25+$0xFFFFFFD0];
	_ =	sdelay $0x4  }
0xb3: {  	[tilespmem:s0+$0x118] =	vst.add.f32.msk $0xffff, v1  }
0xb4: {  	v1 =	vld [tilespmem:s25+$0xFFFFFFE0];
	_ =	sdelay $0x4  }
0xb5: {  	[tilespmem:s0+$0x128] =	vst.add.f32.msk $0xffff, v1  }
0xb6: {  	v1 =	vld [tilespmem:s25+$0xFFFFFFF0];
	_ =	sdelay $0x4  }
0xb7: {  	[tilespmem:s0+$0x138] =	vst.add.f32.msk $0xffff, v1  }
0xb8: {  	v1 =	vld [tilespmem:s25+$0x0];
	_ =	sdelay $0x4  }
0xb9: {  	[tilespmem:s0+$0x148] =	vst.add.f32.msk $0xffff, v1  }
0xba: {  	v1 =	vld [tilespmem:s25+$0x10];
	_ =	sdelay $0x4  }
0xbb: {  	[tilespmem:s0+$0x158] =	vst.add.f32.msk $0xffff, v1  }
0xbc: {  	v1 =	vld [tilespmem:s25+$0x20];
	_ =	sdelay $0x4  }
0xbd: {  	[tilespmem:s0+$0x168] =	vst.add.f32.msk $0xffff, v1  }
0xbe: {  	v1 =	vld [tilespmem:s25+$0x30];
	_ =	sdelay $0x4  }
0xbf: {  	[tilespmem:s0+$0x178] =	vst.add.f32.msk $0xffff, v1  }
.LBB2_17:
0xc0: {  	s26 =	sadd.s32 $0x1, s26  }
0xc1: {  	p1 =	seq.s32 s26, $0x0  }
.Ltmp11:
0xc2: {  	_ = 	snop;
	(pc) =	sbr.rel @p1 .LBB2_18-.Ltmp11, $2  }
0xc3: {  	_ =	sdelay $0x2  }
0xc4: {  	s23 =	sadd.s32 $0x1, s23;
	s25 =	sadd.s32 $0x80, s25;
	s29 =	smov.u32 s30  }
.LBB2_12:
0xc5: {  	v1 =	vld.msk [tilespmem:s23+$0x0], $0x1;
	_ =	sdelay $0x4  }
0xc6: {  	(v2sf) =	vpush v1, $0x0;
	_ =	sdelay $0xe  }
0xc7: {  	s30 =	spop (v2sf)  }
0xc8: {  	p1 =	sne.s32 s29, s30  }
.Ltmp12:
0xc9: {  	_ = 	snop;
	(pc) =	sbr.rel @!p1 .LBB2_13-.Ltmp12, $2  }
0xca: {  	_ =	sdelay $0x2  }
0xcb: {  	s0 =	sshll.u32 s22, $0x9  }
0xcc: {  	p1 =	seq.s32 s29, s24  }
.Ltmp13:
0xcd: {  	_ = 	snop;
	(pc) =	sbr.rel @!p1 .LBB2_15-.Ltmp13, $1  }
0xce: {  	_ =	sdelay $0x3  }
0xcf: {  	s0 =	sshra.s32 s0, $0x2  }
.Ltmp14:
0xd0: {  	s0 =	sadd.s32 $0x108, s0;
	(pc) =	sbr.rel .LBB2_16-.Ltmp14, $4  }
0xd1: {  	[spmem:s16] =	stream.linear.scatter [tilespmem:s0], [sflag:$0x1], $0x80, $0x38;
	[tilespmem:$0x1F6F8] =	vst v63  }
0xd2: {  	_ =	swait.ge [sflag:s12], $0x80  }
0xd3: {  	[sflag:s12] =	ssyncset.done $0x0  }
0xd4: {  	[sflag:s12] =	ssyncadd.s32 $0xFFFFFF80  }
.LBB2_15:
0xd5: {  	s2 =	sshll.u32 s28, $0x9  }
0xd6: {  	s2 =	sshra.s32 s2, $0x2  }
0xd7: {  	v1 =	vld [tilespmem:s2+$0x7988];
	_ =	sdelay $0x3  }
0xd8: {  	s0 =	sshra.s32 s0, $0x2  }
0xd9: {  	[tilespmem:s0+$0x108] =	vst.add.f32.msk $0xffff, v1  }
0xda: {  	v1 =	vld [tilespmem:s2+$0x7998];
	_ =	sdelay $0x4  }
0xdb: {  	[tilespmem:s0+$0x118] =	vst.add.f32.msk $0xffff, v1  }
0xdc: {  	v1 =	vld [tilespmem:s2+$0x79A8];
	_ =	sdelay $0x4  }
0xdd: {  	[tilespmem:s0+$0x128] =	vst.add.f32.msk $0xffff, v1  }
0xde: {  	v1 =	vld [tilespmem:s2+$0x79B8];
	_ =	sdelay $0x4  }
0xdf: {  	[tilespmem:s0+$0x138] =	vst.add.f32.msk $0xffff, v1  }
0xe0: {  	v1 =	vld [tilespmem:s2+$0x79C8];
	_ =	sdelay $0x4  }
0xe1: {  	[tilespmem:s0+$0x148] =	vst.add.f32.msk $0xffff, v1  }
0xe2: {  	v1 =	vld [tilespmem:s2+$0x79D8];
	_ =	sdelay $0x4  }
0xe3: {  	[tilespmem:s0+$0x158] =	vst.add.f32.msk $0xffff, v1  }
0xe4: {  	v1 =	vld [tilespmem:s2+$0x79E8];
	_ =	sdelay $0x4  }
0xe5: {  	[tilespmem:s0+$0x168] =	vst.add.f32.msk $0xffff, v1  }
0xe6: {  	v1 =	vld [tilespmem:s2+$0x79F8];
	_ =	sdelay $0x2  }
0xe7: {  	p1 =	sgt.u32 s29, $0x3FFF0  }
0xe8: {  	s2 =	sand.u32 @!p1 $0x3FFF8, s29  }
0xe9: {  	s3 =	sadd.s32 $0x108, s0;
	[tilespmem:s0+$0x178] =	vst.add.f32.msk $0xffff, v1;
	s0 =	sadd.s32 @!p1 s1, s2;
	s2 =	sand.u32 @!p1 $0x7, s29  }
0xea: {  	[hbm4b:s0+s2] =	stream.linear.scatter @!p1 [tilespmem:s3], [sflag:$0xC], $0x80, $0x38;
	[tilespmem:$0x1F6F8] =	vst v63  }
0xeb: {  	s0 =	simm.s32 $0x0  }
0xec: {  	s0 =	simm.s32 @!p1 $0x200  }
0xed: {  	s31 =	sadd.s32 s0, s31  }
.LBB2_16:
0xee: {  	s0 =	sadd.s32 $0x1, s22  }
0xef: {  	s2 =	smulhi.u32 $0x88888889, s0;
	_ =	sdelay $0x1  }
0xf0: {  	v1 =	vld [tilespmem:s25+$0xFFFFFFC0];
	s2 =	sshrl.u32 s2, $0x7  }
0xf1: {  	s2 =	smul.u32 $0xF0, s2;
	_ =	sdelay $0x1  }
0xf2: {  	s22 =	ssub.s32 s0, s2  }
0xf3: {  	s0 =	sshll.u32 s22, $0x7  }
0xf4: {  	[tilespmem:s0+$0x108] =	vst v1  }
0xf5: {  	v1 =	vld [tilespmem:s25+$0xFFFFFFD0];
	_ =	sdelay $0x4  }
0xf6: {  	[tilespmem:s0+$0x118] =	vst v1  }
0xf7: {  	v1 =	vld [tilespmem:s25+$0xFFFFFFE0];
	_ =	sdelay $0x4  }
0xf8: {  	[tilespmem:s0+$0x128] =	vst v1  }
0xf9: {  	v1 =	vld [tilespmem:s25+$0xFFFFFFF0];
	_ =	sdelay $0x4  }
0xfa: {  	[tilespmem:s0+$0x138] =	vst v1  }
0xfb: {  	v1 =	vld [tilespmem:s25+$0x0];
	_ =	sdelay $0x4  }
0xfc: {  	[tilespmem:s0+$0x148] =	vst v1  }
0xfd: {  	v1 =	vld [tilespmem:s25+$0x10];
	_ =	sdelay $0x4  }
0xfe: {  	[tilespmem:s0+$0x158] =	vst v1  }
0xff: {  	v1 =	vld [tilespmem:s25+$0x20];
	_ =	sdelay $0x4  }
0x100: {  	[tilespmem:s0+$0x168] =	vst v1  }
0x101: {  	v1 =	vld [tilespmem:s25+$0x30]  }
.Ltmp15:
0x102: {  	_ = 	snop;
	(pc) =	sbr.rel .LBB2_17-.Ltmp15, $2  }
0x103: {  	_ =	sdelay $0x2  }
0x104: {  	s28 =	sadd.s32 $0x1, s28;
	[tilespmem:s0+$0x178] =	vst v1  }
.LBB2_19:
.Ltmp16:
0x105: {  	(pc) =	sbr.rel .LBB2_20-.Ltmp16, $4  }
0x106: {  	_ = 	snop  }
0x107: {  	s0 =	simm.s32 $0x2  }
0x108: {  	_ =	swait.ge [sflag:s0], $0x0  }
0x109: {  	s30 =	smov.u32 s29;
	[sflag:s0] =	ssyncset.done $0x0;
	s0 =	simm.s32 $0x0  }
.LBB2_22:
0x10a: {  	_ =	sfence.sel $0x180000  }
0x10b: {  	s0 =	simm.s32 $0x9;
	[bflag:$0x0] =	sbarrier.arrive $0xFFFF  }
0x10c: {  	s24 =	simm.s32 $0xA;
	[sflag:s0] =	ssyncpa.u1 $0x1  }
0x10d: {  	s25 =	simm.s32 $0xB;
	[sflag:s24] =	ssyncpa.u1 $0x1  }
0x10e: {  	s26 =	simm.s32 $0x2;
	[sflag:s25] =	ssyncpa.u1 $0x1  }
0x10f: {  	[sflag:s26] =	ssyncpa.u1 $0x1  }
0x110: {  	v0 =	vld [tilespmem:$0xF208];
	_ =	sdelay $0x4  }
0x111: {  	(v2sf) =	vpush v0, $0x0  }
0x112: {  	(v2sf) =	vpush v0, $0x1;
	_ =	sdelay $0x1  }
0x113: {  	(v2sf) =	vpush v0, $0x2;
	_ =	sdelay $0xb  }
0x114: {  	s0 =	spop (v2sf)  }
0x115: {  	s2 =	spop (v2sf)  }
0x116: {  	s3 =	smov.u32 s0;
	p0 =	sne.s32 s0, s2  }
0x117: {  	s4 =	spop (v2sf);
	s3 =	simm.s32 @!p0 $0xFFFFFFFF  }
0x118: {  	v2 =	vimm.s32 $0x1;
	v3 =	vlaneseq.u32;
	p0 =	seq.s32 s4, $0xFFFFFFFF;
	v1 =	vmov s3  }
0x119: {  	s16 =	stileid.u32;
	v0 =	vperm.xlane v0, v2;
	p1 =	sne.s32 @!p0 s0, s2;
	v1 =	vperm.xlane v1, v3  }
0x11a: {  	vm0 =	vcmask $0x3F04;
	s6 =	simm.s32 $0xF208;
	s0 =	simm.s32 @!p0 $0x1;
	p1 =	por !p1, p0  }
0x11b: {  	s3 =	sshll.u32 s16, $0x1;
	s2 =	sshll.u32 @!p0 s4, $0x9;
	s0 =	simm.s32 @p1 $0x0;
	v0 =	vsel vm0, v1, v0  }
0x11c: {  	s5 =	sor.u32 $0x1000, s3;
	s2 =	sshra.s32 @!p0 s2, $0x2;
	s0 =	sor.u32 @!p0 s0, s3;
	[tilespmem:$0xF208] =	vst v0  }
0x11d: {  	[spmem:s5] =	stream.linear.scatter [tilespmem:s6], [sflag:$0x1], $0x2, $0x38;
	[tilespmem:$0x1F6F8] =	vst v63  }
0x11e: {  	s2 =	sadd.s32 @!p0 $0x108, s2;
	s0 =	sshll.u32 @!p0 s0, $0x7  }
0x11f: {  	[spmem:s0] =	stream.linear.scatter @!p0 [tilespmem:s2], [sflag:$0x1], $0x80, $0x38;
	[tilespmem:$0x1F6F8] =	vst v63  }
0x120: {  	s0 =	simm.s32 @!p0 $0x82  }
0x121: {  	s28 =	simm.s32 $0x1;
	s0 =	simm.s32 @p0 $0x2  }
0x122: {  	_ =	swait.ge [sflag:s28], s0  }
0x123: {  	s0 =	ssub.s32 $0x0, s0;
	[sflag:s28] =	ssyncset.done $0x0  }
0x124: {  	p0 =	sne.s32 s16, $0x0;
	[sflag:s28] =	ssyncadd.s32 s0  }
.Ltmp17:
0x125: {  	_ =	sfence.stream.spmem;
	(pc) =	sbr.rel @p0 .LBB2_39-.Ltmp17, $4  }
0x126: {  	s29 =	simm.s32 $0x3;
	[bflag:$0x0] =	sbarrier.arrive $0xFFFF  }
0x127: {  	s30 =	simm.s32 $0x4;
	[sflag:s29] =	ssyncpa.u1 $0x1  }
0x128: {  	s31 =	simm.s32 $0x3C;
	[sflag:s30] =	ssyncpa.u1 $0x1  }
0x129: {  	s15 =	rddreg [dreg:$0x5];
	[sflag:s31] =	ssyncpa.u1 $0x1  }
0x12a: {  	_ =	sfence.stream.spmem;
	s0 =	simm.s32 $0x5  }
0x12b: {  	s2 =	simm.s32 $0x1000;
	s3 =	simm.s32 $0xF218;
	[sflag:s0] =	ssyncpa.u1 $0x0  }
0x12c: {  	[tilespmem:s3], [sflag:$0x5] =	stream.linear.gather [spmem:s2], $0x20, $0x38;
	[tilespmem:$0x1F6F8] =	vst v63  }
0x12d: {  	s26 =	simm.s32 $0x0;
	s28 =	simm.s32 $0xF238  }
0x12e: {  	[tilespmem:s28], [sflag:$0x5] =	stream.linear.gather [spmem:s26], $0x1000, $0x38;
	[tilespmem:$0x1F6F8] =	vst v63  }
0x12f: {  	_ =	swait.ge [sflag:s0], $0x1020  }
0x130: {  	[sflag:s0] =	ssyncset.done $0x0  }
0x131: {  	s29 =	simm.s32 $0x0;
	[sflag:s0] =	ssyncadd.s32 $0xFFFFEFE0  }
0x132: {  	v0 =	vld.msk [tilespmem:s29+$0xF218], $0x1;
	_ =	sdelay $0x1  }
0x133: {  	s30 =	simm.s32 $0x1  }
0x134: {  	v1 =	vld.msk [tilespmem:s30+$0xF218], $0x1;
	_ =	sdelay $0x1  }
0x135: {  	(v2sf) =	vpush v0, $0x0;
	_ =	sdelay $0x2  }
0x136: {  	(v2sf) =	vpush v1, $0x0;
	_ =	sdelay $0x2  }
0x137: {  	s31 =	simm.s32 $0x2  }
0x138: {  	v0 =	vld.msk [tilespmem:s31+$0xF218], $0x1;
	_ =	sdelay $0x2  }
0x139: {  	s4 =	simm.s32 $0xFFFFFFFF;
	s5 =	simm.s32 $0xFFFFFFFF;
	s0 =	simm.s32 $0xC  }
.LBB2_24:
0x13a: {  	s2 =	smov.u32 s5;
	s3 =	smov.u32 s4  }
0x13b: {  	s4 =	sshra.s32 s0, $0x2;
	p1 =	sne.s32 s0, $0x7C;
	s0 =	sadd.s32 $0x4, s0;
	(v2sf) =	vpush v0, $0x0  }
0x13c: {  	v0 =	vld.msk [tilespmem:s4+$0xF218], $0x1  }
.Ltmp18:
0x13d: {  	(pc) =	sbr.rel @p1 .LBB2_24-.Ltmp18, $4  }
0x13e: {  	s5 =	spop (v2sf)  }
0x13f: {  	p2 =	sne.s32 s3, $0xFFFFFFFF;
	s4 =	smov.u32 s5  }
0x140: {  	p3 =	seq.s32 s5, $0xFFFFFFFF;
	s4 =	smov.u32 @p2 s3  }
0x141: {  	s5 =	smov.u32 @p3 s2;
	s4 =	smov.u32 @p3 s3  }
0x142: {  	(v2sf) =	vpush v0, $0x0;
	_ =	sdelay $0x8  }
0x143: {  	s0 =	spop (v2sf)  }
0x144: {  	p1 =	sne.s32 s4, $0xFFFFFFFF;
	s2 =	smov.u32 s0  }
0x145: {  	s9 =	simm.s32 $0x6;
	p2 =	seq.s32 s0, $0xFFFFFFFF;
	s2 =	smov.u32 @p1 s4  }
0x146: {  	s6 =	simm.s32 $0x0;
	s2 =	smov.u32 @p2 s4;
	s3 =	spop (v2sf)  }
0x147: {  	s0 =	smov.u32 @p2 s5;
	p1 =	sne.s32 s2, $0xFFFFFFFF;
	s4 =	smov.u32 s3  }
.Ltmp19:
0x148: {  	p2 =	seq.s32 s3, $0xFFFFFFFF;
	s4 =	smov.u32 @p1 s2;
	(pc) =	sbr.rel .LBB2_26-.Ltmp19, $4  }
0x149: {  	s10 =	simm.s32 $0xF188;
	s4 =	smov.u32 @p2 s2;
	s7 =	spop (v2sf)  }
0x14a: {  	s11 =	simm.s32 $0x0;
	p1 =	sne.s32 s4, $0xFFFFFFFF;
	s8 =	smov.u32 s7  }
0x14b: {  	s3 =	smov.u32 @p2 s0;
	p2 =	seq.s32 s7, $0xFFFFFFFF;
	s8 =	smov.u32 @p1 s4  }
0x14c: {  	[sflag:s9] =	ssyncpa.u1 $0x0;
	s7 =	smov.u32 @p2 s3;
	s8 =	smov.u32 @p2 s4  }
.LBB2_32:
0x14d: {  	p1 =	sgt.u32 s12, $0x3FFF0  }
0x14e: {  	p2 =	seq.s32 @!p1 s12, s8  }
0x14f: {  	p1 =	por p1, p2  }
0x150: {  	p2 =	sne.s32 @!p1 s12, s7  }
0x151: {  	p1 =	por p1, !p2  }
0x152: {  	s0 =	sshll.u32 @p1 s11, $0x9  }
0x153: {  	s0 =	sand.u32 @!p1 $0x3FFF8, s12  }
0x154: {  	s2 =	sand.u32 @!p1 $0x7, s12;
	s0 =	sadd.s32 @!p1 s1, s0  }
0x155: {  	[tilespmem:s10], [sflag:$0x6] =	stream.linear.gather @!p1 [hbm4b:s0+s2], $0x80, $0x38;
	[tilespmem:$0x1F6F8] =	vst v63  }
0x156: {  	_ =	swait.ge @!p1 [sflag:s9], $0x80  }
0x157: {  	[sflag:s9] =	ssyncset.done @!p1 $0x0  }
0x158: {  	[sflag:s9] =	ssyncadd.s32 @!p1 $0xFFFFFF80  }
0x159: {  	v1 =	vld @!p1 [tilespmem:$0xF188];
	_ =	sdelay $0x2  }
0x15a: {  	s0 =	sshll.u32 @!p1 s11, $0x9  }
0x15b: {  	s2 =	sshrl.u32 @!p1 s0, $0x2  }
0x15c: {  	[tilespmem:s2+$0xF238] =	vst.add.f32.msk @!p1 $0xffff, v1  }
0x15d: {  	v1 =	vld @!p1 [tilespmem:$0xF198];
	_ =	sdelay $0x4  }
0x15e: {  	[tilespmem:s2+$0xF248] =	vst.add.f32.msk @!p1 $0xffff, v1  }
0x15f: {  	v1 =	vld @!p1 [tilespmem:$0xF1A8];
	_ =	sdelay $0x4  }
0x160: {  	[tilespmem:s2+$0xF258] =	vst.add.f32.msk @!p1 $0xffff, v1  }
0x161: {  	v1 =	vld @!p1 [tilespmem:$0xF1B8];
	_ =	sdelay $0x4  }
0x162: {  	[tilespmem:s2+$0xF268] =	vst.add.f32.msk @!p1 $0xffff, v1  }
0x163: {  	v1 =	vld @!p1 [tilespmem:$0xF1C8];
	_ =	sdelay $0x4  }
0x164: {  	[tilespmem:s2+$0xF278] =	vst.add.f32.msk @!p1 $0xffff, v1  }
0x165: {  	v1 =	vld @!p1 [tilespmem:$0xF1D8];
	_ =	sdelay $0x4  }
0x166: {  	[tilespmem:s2+$0xF288] =	vst.add.f32.msk @!p1 $0xffff, v1  }
0x167: {  	v1 =	vld @!p1 [tilespmem:$0xF1E8];
	_ =	sdelay $0x4  }
0x168: {  	[tilespmem:s2+$0xF298] =	vst.add.f32.msk @!p1 $0xffff, v1  }
0x169: {  	v1 =	vld @!p1 [tilespmem:$0xF1F8];
	_ =	sdelay $0x4  }
0x16a: {  	[tilespmem:s2+$0xF2A8] =	vst.add.f32.msk @!p1 $0xffff, v1  }
0x16b: {  	s0 =	sshrl.u32 s0, $0x2;
	[tilespmem:s6+$0xF218] =	vst.msk $0x1, v0  }
0x16c: {  	v0 =	vld [tilespmem:s0+$0xF238];
	_ =	sdelay $0x2  }
0x16d: {  	s31 =	sshll.u32 s6, $0x9  }
0x16e: {  	s2 =	sshra.s32 s31, $0x2  }
0x16f: {  	[tilespmem:s2+$0xF238] =	vst v0  }
0x170: {  	v0 =	vld [tilespmem:s0+$0xF248];
	_ =	sdelay $0x4  }
0x171: {  	[tilespmem:s2+$0xF248] =	vst v0  }
0x172: {  	v0 =	vld [tilespmem:s0+$0xF258];
	_ =	sdelay $0x4  }
0x173: {  	[tilespmem:s2+$0xF258] =	vst v0  }
0x174: {  	v0 =	vld [tilespmem:s0+$0xF268];
	_ =	sdelay $0x4  }
0x175: {  	[tilespmem:s2+$0xF268] =	vst v0  }
0x176: {  	v0 =	vld [tilespmem:s0+$0xF278];
	_ =	sdelay $0x4  }
0x177: {  	[tilespmem:s2+$0xF278] =	vst v0  }
0x178: {  	v0 =	vld [tilespmem:s0+$0xF288];
	_ =	sdelay $0x4  }
0x179: {  	[tilespmem:s2+$0xF288] =	vst v0  }
0x17a: {  	v0 =	vld [tilespmem:s0+$0xF298];
	_ =	sdelay $0x4  }
0x17b: {  	[tilespmem:s2+$0xF298] =	vst v0  }
0x17c: {  	v0 =	vld [tilespmem:s0+$0xF2A8];
	_ =	sdelay $0x4  }
0x17d: {  	s6 =	sadd.s32 $0x1, s6;
	[tilespmem:s2+$0xF2A8] =	vst v0  }
.LBB2_33:
0x17e: {  	s11 =	sadd.s32 $0x1, s11  }
0x17f: {  	p1 =	sne.s32 s11, $0x20  }
.Ltmp20:
0x180: {  	_ = 	snop;
	(pc) =	sbr.rel @!p1 .LBB2_34-.Ltmp20, $1  }
0x181: {  	_ =	sdelay $0x3  }
.LBB2_26:
0x182: {  	v0 =	vld.msk [tilespmem:s11+$0xF218], $0x1;
	_ =	sdelay $0x4  }
0x183: {  	(v2sf) =	vpush v0, $0x0;
	_ =	sdelay $0xe  }
0x184: {  	s12 =	spop (v2sf)  }
0x185: {  	p1 =	seq.s32 s12, $0xFFFFFFFF  }
.Ltmp21:
0x186: {  	_ = 	snop;
	(pc) =	sbr.rel @p1 .LBB2_33-.Ltmp21, $1  }
0x187: {  	_ =	sdelay $0x3  }
0x188: {  	p1 =	slt.s32 s6, $0x1  }
.Ltmp22:
0x189: {  	_ = 	snop;
	(pc) =	sbr.rel @p1 .LBB2_32-.Ltmp22, $1  }
0x18a: {  	_ =	sdelay $0x3  }
0x18b: {  	s13 =	simm.s32 $0xF218;
	p1 =	por $0x0, $0x0  }
0x18c: {  	v1 =	vld.msk @!p1 [tilespmem:s13+$0x0], $0x1;
	_ =	sdelay $0x4  }
0x18d: {  	(v2sf) =	vpush @!p1 v1, $0x0;
	_ =	sdelay $0xd  }
0x18e: {  	p3 =	sne.s32 s6, $0x1  }
.Ltmp23:
0x18f: {  	s0 =	spop @!p1 (v2sf);
	(pc) =	sbr.rel @!p3 .LBB2_30-.Ltmp23, $4  }
0x190: {  	p2 =	seq.s32 @!p1 s12, s0  }
0x191: {  	s14 =	simm.s32 $0x0;
	p2 =	por !p2, p1  }
0x192: {  	s2 =	simm.s32 $0xFFFFFFFF;
	s14 =	simm.s32 @p2 $0xFFFFFFFF  }
0x193: {  	s0 =	simm.s32 $0x1;
	s14 =	smov.u32 @p1 s2  }
.LBB2_29:
0x194: {  	s2 =	smov.u32 s14;
	p1 =	sne.s32 s14, $0xFFFFFFFF  }
0x195: {  	s13 =	sadd.s32 $0x1, s13;
	s14 =	smov.u32 s0;
	s0 =	sadd.s32 $0x1, s0  }
0x196: {  	p2 =	sne.s32 s6, s0;
	v1 =	vld.msk @!p1 [tilespmem:s13+$0x0], $0x1;
	_ =	sdelay $0x4  }
0x197: {  	(v2sf) =	vpush @!p1 v1, $0x0;
	_ =	sdelay $0xe  }
.Ltmp24:
0x198: {  	s3 =	spop @!p1 (v2sf);
	(pc) =	sbr.rel @p2 .LBB2_29-.Ltmp24, $4  }
0x199: {  	p3 =	seq.s32 @!p1 s12, s3  }
0x19a: {  	p3 =	por !p3, p1  }
0x19b: {  	s14 =	simm.s32 @p3 $0xFFFFFFFF  }
0x19c: {  	s14 =	smov.u32 @p1 s2  }
.LBB2_30:
0x19d: {  	p1 =	seq.s32 s14, $0xFFFFFFFF  }
.Ltmp25:
0x19e: {  	_ = 	snop;
	(pc) =	sbr.rel @p1 .LBB2_32-.Ltmp25, $1  }
0x19f: {  	_ =	sdelay $0x3  }
0x1a0: {  	s0 =	sshll.u32 s11, $0x7  }
0x1a1: {  	s0 =	sand.u32 $0x3FFFFF80, s0  }
0x1a2: {  	v0 =	vld [tilespmem:s0+$0xF238];
	_ =	sdelay $0x2  }
0x1a3: {  	s2 =	sshll.u32 s14, $0x9  }
0x1a4: {  	s2 =	sshra.s32 s2, $0x2  }
0x1a5: {  	[tilespmem:s2+$0xF238] =	vst.add.f32.msk $0xffff, v0  }
0x1a6: {  	v0 =	vld [tilespmem:s0+$0xF248];
	_ =	sdelay $0x4  }
0x1a7: {  	[tilespmem:s2+$0xF248] =	vst.add.f32.msk $0xffff, v0  }
0x1a8: {  	v0 =	vld [tilespmem:s0+$0xF258];
	_ =	sdelay $0x4  }
0x1a9: {  	[tilespmem:s2+$0xF258] =	vst.add.f32.msk $0xffff, v0  }
0x1aa: {  	v0 =	vld [tilespmem:s0+$0xF268];
	_ =	sdelay $0x4  }
0x1ab: {  	[tilespmem:s2+$0xF268] =	vst.add.f32.msk $0xffff, v0  }
0x1ac: {  	v0 =	vld [tilespmem:s0+$0xF278];
	_ =	sdelay $0x4  }
0x1ad: {  	[tilespmem:s2+$0xF278] =	vst.add.f32.msk $0xffff, v0  }
0x1ae: {  	v0 =	vld [tilespmem:s0+$0xF288];
	_ =	sdelay $0x4  }
0x1af: {  	[tilespmem:s2+$0xF288] =	vst.add.f32.msk $0xffff, v0  }
0x1b0: {  	v0 =	vld [tilespmem:s0+$0xF298];
	_ =	sdelay $0x4  }
0x1b1: {  	[tilespmem:s2+$0xF298] =	vst.add.f32.msk $0xffff, v0  }
0x1b2: {  	v0 =	vld [tilespmem:s0+$0xF2A8]  }
.Ltmp26:
0x1b3: {  	_ = 	snop;
	(pc) =	sbr.rel .LBB2_33-.Ltmp26, $2  }
0x1b4: {  	_ =	sdelay $0x2  }
0x1b5: {  	[tilespmem:s2+$0xF2A8] =	vst.add.f32.msk $0xffff, v0  }
.LBB2_34:
0x1b6: {  	s0 =	simm.s32 $0x6;
	p1 =	seq.s32 s6, $0x0  }
0x1b7: {  	[sflag:s0] =	ssyncpa.u1 $0x1;
	v0 =	vimm.s32 @p1 $0xFFFFFFFF  }
0x1b8: {  	s9 =	sadd.s32 $0xFFFFFFFF, s6;
	[tilespmem:$0x10238] =	vst @p1 v0  }
0x1b9: {  	v0 =	vld.msk @!p1 [tilespmem:s9+$0xF218], $0x1;
	_ =	sdelay $0x1  }
0x1ba: {  	v1 =	vld.msk @!p1 [tilespmem:$0xF218], $0x1;
	_ =	sdelay $0x2  }
0x1bb: {  	p2 =	seq.s32 @!p1 s9, $0x0;
	v0 =	vbroadcast @!p1 v0, $0x0  }
0x1bc: {  	vm0 =	vmmov @!p1 $0x1;
	p2 =	por !p2, p1  }
0x1bd: {  	v1 =	vnsel @!p1 vm0, $0xFFFFFFFF, v1;
	vm0 =	vcmask @!p1 $0x308;
	v0 =	vpsel !p2, $0xFFFFFFFF, v0  }
0x1be: {  	p2 =	sne.s32 @!p1 s8, s7;
	v0 =	vsel @!p1 vm0, v1, v0  }
0x1bf: {  	s0 =	simm.s32 @!p1 $0xF238;
	s2 =	simm.s32 @!p1 $0x0;
	p3 =	por !p2, p1;
	[tilespmem:$0x10238] =	vst @!p1 v0  }
0x1c0: {  	[spmem:s2] =	stream.linear.scatter @!p1 [tilespmem:s0], [sflag:$0x1], $0x80, $0x38;
	[tilespmem:$0x1F6F8] =	vst v63  }
0x1c1: {  	s0 =	sshll.u32 @!p3 s9, $0x9  }
0x1c2: {  	s0 =	sshra.s32 @!p3 s0, $0x2  }
0x1c3: {  	s2 =	simm.s32 @!p3 $0x80;
	s0 =	sadd.s32 @!p3 $0xF238, s0  }
0x1c4: {  	[spmem:s2] =	stream.linear.scatter @!p3 [tilespmem:s0], [sflag:$0x1], $0x80, $0x38;
	[tilespmem:$0x1F6F8] =	vst v63  }
0x1c5: {  	s0 =	simm.s32 @!p3 $0x1  }
0x1c6: {  	_ =	swait.ge @!p3 [sflag:s0], $0x100  }
0x1c7: {  	p1 =	por p2, p1;
	[sflag:s0] =	ssyncset.done @!p3 $0x0  }
0x1c8: {  	[sflag:s0] =	ssyncadd.s32 @!p3 $0xFFFFFF00;
	s0 =	simm.s32 @!p1 $0x1  }
0x1c9: {  	_ =	swait.ge @!p1 [sflag:s0], $0x80  }
0x1ca: {  	s29 =	simm.s32 $0x10238;
	[sflag:s0] =	ssyncset.done @!p1 $0x0  }
0x1cb: {  	s30 =	simm.s32 $0x1000;
	s31 =	simm.s32 $0x1;
	[sflag:s0] =	ssyncadd.s32 @!p1 $0xFFFFFF80  }
0x1cc: {  	[spmem:s30] =	stream.linear.scatter [tilespmem:s29], [sflag:$0x1], $0x10, $0x38;
	[tilespmem:$0x1F6F8] =	vst v63  }
0x1cd: {  	_ =	swait.ge [sflag:s31], $0x10  }
0x1ce: {  	[sflag:s31] =	ssyncset.done $0x0  }
0x1cf: {  	p1 =	seq.s32 s15, $0x0;
	s8 =	rddreg [dreg:$0x2];
	[sflag:s31] =	ssyncadd.s32 $0xFFFFFFF0  }
0x1d0: {  	s2 =	sshll.u32 @p1 s8, $0xE;
	s7 =	rddreg [dreg:$0x3]  }
0x1d1: {  	s0 =	sadd.s32 @p1 $0x15C3C, s2;
	s2 =	sshll.u32 @p1 s7, $0x11  }
0x1d2: {  	_ =	sfence.stream.spmem;
	s0 =	sor.u32 @p1 s2, s0  }
0x1d3: {  	[sflag:s0] =	ssyncadd.remote.s32 @p1 $0x1;
	s0 =	simm.s32 @p1 $0x4  }
0x1d4: {  	s3 =	simm.s32 @!p1 $0x3C;
	s2 =	sand.u32 $0xFFFFFFFE, s8;
	_ =	swait.ge @p1 [sflag:s0], $0x22  }
0x1d5: {  	s4 =	simm.s32 @!p1 $0x0;
	s2 =	sadd.s32 @!p1 $0x4, s2;
	[sflag:s0] =	ssyncset.done @p1 $0x0  }
0x1d6: {  	s5 =	simm.s32 @!p1 $0x100;
	[sflag:s0] =	ssyncadd.s32 @p1 $0xFFFFFFDE;
	s0 =	sshll.u32 @!p1 s2, $0x1A  }
0x1d7: {  	s2 =	sshll.u32 @!p1 s2, $0xD;
	s0 =	sor.u32 @!p1 s0, s7;
	_ =	swait.eq @!p1 [sflag:s3], $0x1  }
0x1d8: {  	s2 =	sor.u32 @!p1 $0x1C04, s2;
	s3 =	simm.s32 @!p1 $0x1C03;
	s0 =	sor.u32 @!p1 $0x80004000, s0  }
0x1d9: {  	[spmem:s5], [sflag:s2] =	dma.general @!p1 [spmem:s4], [sflag:s3], length:$0x20, [dreg:$0x0], stride_count:$0x0, ici_dest:s0, dma_misc:DstOpCode:WRITE  }
0x1da: {  	p2 =	slt.s32 s9, $0x2;
	s4 =	simm.s32 @!p1 $0x200;
	s5 =	simm.s32 @!p1 $0x202  }
0x1db: {  	[spmem:s5], [sflag:s2] =	dma.general @!p1 [spmem:s4], [sflag:s3], length:$0x2, [dreg:$0x0], stride_count:$0x0, ici_dest:s0, dma_misc:DstOpCode:WRITE  }
.Ltmp27:
0x1dc: {  	s0 =	simm.s32 @!p1 $0x3;
	(pc) =	sbr.rel @p2 .LBB2_38-.Ltmp27, $4  }
0x1dd: {  	s2 =	sshll.u32 @!p1 s8, $0xE;
	_ =	swait.ge @!p1 [sflag:s0], $0x22  }
0x1de: {  	s3 =	sshll.u32 @!p1 s7, $0x11;
	s2 =	sadd.s32 @!p1 $0x11C3C, s2;
	[sflag:s0] =	ssyncset.done @!p1 $0x0  }
0x1df: {  	[sflag:s0] =	ssyncadd.s32 @!p1 $0xFFFFFFDE;
	s0 =	sor.u32 @!p1 s3, s2  }
0x1e0: {  	[sflag:s0] =	ssyncadd.remote.s32 @!p1 $0xFFFFFFFF;
	s0 =	simm.s32 $0x0  }
0x1e1: {  	s0 =	simm.s32 $0xF219  }
0x1e2: {  	v0 =	vld.msk [tilespmem:s0+$0x0], $0x1;
	_ =	sdelay $0x4  }
0x1e3: {  	(v2sf) =	vpush v0, $0x0;
	_ =	sdelay $0xb  }
0x1e4: {  	s31 =	sadd.s32 $0xFFFFFFFE, s6  }
0x1e5: {  	s0 =	sadd.s32 $0xFFFFFFFF, s31  }
0x1e6: {  	p2 =	sne.s32 s0, $0x0  }
.Ltmp28:
0x1e7: {  	s2 =	spop (v2sf);
	(pc) =	sbr.rel @!p2 .LBB2_37-.Ltmp28, $4  }
0x1e8: {  	s4 =	simm.s32 $0xF2B8;
	s7 =	simm.s32 $0x0;
	p1 =	sgt.u32 s2, $0x3FFF0  }
0x1e9: {  	s5 =	simm.s32 $0x0;
	s6 =	simm.s32 $0xF21A;
	s3 =	sand.u32 @!p1 $0x3FFF8, s2  }
0x1ea: {  	s2 =	sand.u32 @!p1 $0x7, s2;
	s7 =	simm.s32 @!p1 $0x200;
	s3 =	sadd.s32 @!p1 s1, s3  }
0x1eb: {  	[hbm4b:s3+s2] =	stream.linear.scatter @!p1 [tilespmem:s4], [sflag:$0x5], $0x80, $0x38;
	[tilespmem:$0x1F6F8] =	vst v63  }
.LBB2_36:
0x1ec: {  	v0 =	vld.msk [tilespmem:s6+$0x0], $0x1;
	s0 =	sadd.s32 $0xFFFFFFFF, s0;
	s5 =	sadd.s32 s5, s7  }
0x1ed: {  	p1 =	sne.s32 s0, $0x0;
	_ =	sdelay $0x3  }
0x1ee: {  	(v2sf) =	vpush v0, $0x0;
	_ =	sdelay $0xe  }
.Ltmp29:
0x1ef: {  	s2 =	spop (v2sf);
	(pc) =	sbr.rel @p1 .LBB2_36-.Ltmp29, $4  }
0x1f0: {  	s7 =	simm.s32 $0x0;
	p2 =	sgt.u32 s2, $0x3FFF0  }
0x1f1: {  	s4 =	sadd.s32 $0x80, s4;
	s7 =	simm.s32 @!p2 $0x200;
	s3 =	sand.u32 @!p2 $0x3FFF8, s2  }
0x1f2: {  	s6 =	sadd.s32 $0x1, s6;
	s2 =	sand.u32 @!p2 $0x7, s2;
	s3 =	sadd.s32 @!p2 s1, s3  }
0x1f3: {  	[hbm4b:s3+s2] =	stream.linear.scatter @!p2 [tilespmem:s4], [sflag:$0x5], $0x80, $0x38;
	[tilespmem:$0x1F6F8] =	vst v63  }
.LBB2_37:
0x1f4: {  	s0 =	sadd.s32 s5, s7  }
0x1f5: {  	s0 =	sshrl.u32 s0, $0x2  }
.LBB2_38:
0x1f6: {  	s2 =	simm.s32 $0x5  }
0x1f7: {  	_ =	swait.ge [sflag:s2], s0  }
0x1f8: {  	s31 =	ssub.s32 $0x0, s0;
	[sflag:s2] =	ssyncset.done $0x0  }
0x1f9: {  	[sflag:s2] =	ssyncadd.s32 s31  }
0x1fa: {  	[sflag:s2] =	ssyncpa.u1 $0x1  }
.LBB2_39:
0x1fb: {  	s0 =	sor.u32 s15, s16  }
0x1fc: {  	p1 =	sne.s32 s0, $0x0  }
.Ltmp30:
0x1fd: {  	_ = 	snop;
	(pc) =	sbr.rel @p1 .LBB2_54-.Ltmp30, $3  }
0x1fe: {  	_ =	sdelay $0x1  }
0x1ff: {  	[bflag:$0x0] =	sbarrier.arrive $0xFFFF  }
0x200: {  	_ =	sfence  }
0x201: {  	s0 =	simm.s32 $0x7  }
0x202: {  	s2 =	simm.s32 $0x1000;
	s3 =	simm.s32 $0xF218;
	[sflag:s0] =	ssyncpa.u1 $0x0  }
0x203: {  	[tilespmem:s3], [sflag:$0x7] =	stream.linear.gather [spmem:s2], $0x20, $0x38;
	[tilespmem:$0x1F6F8] =	vst v63  }
0x204: {  	s30 =	simm.s32 $0xF238;
	s2 =	simm.s32 $0x0  }
0x205: {  	[tilespmem:s30], [sflag:$0x7] =	stream.linear.gather [spmem:s2], $0x1000, $0x38;
	[tilespmem:$0x1F6F8] =	vst v63  }
.Ltmp31:
0x206: {  	_ = 	snop;
	(pc) =	sbr.rel .LBB2_41-.Ltmp31, $4  }
0x207: {  	_ =	swait.ge [sflag:s0], $0x1020  }
0x208: {  	[sflag:s0] =	ssyncset.done $0x0  }
0x209: {  	s31 =	simm.s32 $0x8;
	[sflag:s0] =	ssyncadd.s32 $0xFFFFEFE0  }
0x20a: {  	s3 =	simm.s32 $0x0;
	[sflag:s31] =	ssyncpa.u1 $0x0  }
.LBB2_47:
0x20b: {  	p1 =	slt.u32 s4, $0x3FFF1  }
0x20c: {  	s0 =	sand.u32 @p1 $0x3FFF8, s4  }
0x20d: {  	s4 =	sand.u32 @p1 $0x7, s4;
	s5 =	simm.s32 @p1 $0xF188;
	s0 =	sadd.s32 @p1 s1, s0  }
0x20e: {  	[tilespmem:s5], [sflag:$0x8] =	stream.linear.gather @p1 [hbm4b:s0+s4], $0x80, $0x38;
	[tilespmem:$0x1F6F8] =	vst v63  }
0x20f: {  	s0 =	simm.s32 @p1 $0x8  }
0x210: {  	_ =	swait.ge @p1 [sflag:s0], $0x80  }
0x211: {  	[sflag:s0] =	ssyncset.done @p1 $0x0  }
0x212: {  	[sflag:s0] =	ssyncadd.s32 @p1 $0xFFFFFF80  }
0x213: {  	v1 =	vld @p1 [tilespmem:$0xF188];
	_ =	sdelay $0x2  }
0x214: {  	s0 =	sshll.u32 @p1 s3, $0x9  }
0x215: {  	s4 =	sshrl.u32 @p1 s0, $0x2  }
0x216: {  	[tilespmem:s4+$0xF238] =	vst.add.f32.msk @p1 $0xffff, v1  }
0x217: {  	v1 =	vld @p1 [tilespmem:$0xF198];
	_ =	sdelay $0x4  }
0x218: {  	[tilespmem:s4+$0xF248] =	vst.add.f32.msk @p1 $0xffff, v1  }
0x219: {  	v1 =	vld @p1 [tilespmem:$0xF1A8];
	_ =	sdelay $0x4  }
0x21a: {  	[tilespmem:s4+$0xF258] =	vst.add.f32.msk @p1 $0xffff, v1  }
0x21b: {  	v1 =	vld @p1 [tilespmem:$0xF1B8];
	_ =	sdelay $0x4  }
0x21c: {  	[tilespmem:s4+$0xF268] =	vst.add.f32.msk @p1 $0xffff, v1  }
0x21d: {  	v1 =	vld @p1 [tilespmem:$0xF1C8];
	_ =	sdelay $0x4  }
0x21e: {  	[tilespmem:s4+$0xF278] =	vst.add.f32.msk @p1 $0xffff, v1  }
0x21f: {  	v1 =	vld @p1 [tilespmem:$0xF1D8];
	_ =	sdelay $0x4  }
0x220: {  	[tilespmem:s4+$0xF288] =	vst.add.f32.msk @p1 $0xffff, v1  }
0x221: {  	v1 =	vld @p1 [tilespmem:$0xF1E8];
	_ =	sdelay $0x4  }
0x222: {  	[tilespmem:s4+$0xF298] =	vst.add.f32.msk @p1 $0xffff, v1  }
0x223: {  	v1 =	vld @p1 [tilespmem:$0xF1F8];
	_ =	sdelay $0x3  }
0x224: {  	s5 =	sshll.u32 @!p1 s3, $0x9  }
0x225: {  	s5 =	smov.u32 @p1 s0;
	[tilespmem:s4+$0xF2A8] =	vst.add.f32.msk @p1 $0xffff, v1  }
0x226: {  	s0 =	sshrl.u32 s5, $0x2;
	[tilespmem:s2+$0xF218] =	vst.msk $0x1, v0  }
0x227: {  	v0 =	vld [tilespmem:s0+$0xF238];
	_ =	sdelay $0x2  }
0x228: {  	s31 =	sshll.u32 s2, $0x9  }
0x229: {  	s4 =	sshra.s32 s31, $0x2  }
0x22a: {  	[tilespmem:s4+$0xF238] =	vst v0  }
0x22b: {  	v0 =	vld [tilespmem:s0+$0xF248];
	_ =	sdelay $0x4  }
0x22c: {  	[tilespmem:s4+$0xF248] =	vst v0  }
0x22d: {  	v0 =	vld [tilespmem:s0+$0xF258];
	_ =	sdelay $0x4  }
0x22e: {  	[tilespmem:s4+$0xF258] =	vst v0  }
0x22f: {  	v0 =	vld [tilespmem:s0+$0xF268];
	_ =	sdelay $0x4  }
0x230: {  	[tilespmem:s4+$0xF268] =	vst v0  }
0x231: {  	v0 =	vld [tilespmem:s0+$0xF278];
	_ =	sdelay $0x4  }
0x232: {  	[tilespmem:s4+$0xF278] =	vst v0  }
0x233: {  	v0 =	vld [tilespmem:s0+$0xF288];
	_ =	sdelay $0x4  }
0x234: {  	[tilespmem:s4+$0xF288] =	vst v0  }
0x235: {  	v0 =	vld [tilespmem:s0+$0xF298];
	_ =	sdelay $0x4  }
0x236: {  	[tilespmem:s4+$0xF298] =	vst v0  }
0x237: {  	v0 =	vld [tilespmem:s0+$0xF2A8];
	_ =	sdelay $0x4  }
0x238: {  	s2 =	sadd.s32 $0x1, s2;
	[tilespmem:s4+$0xF2A8] =	vst v0  }
.LBB2_48:
0x239: {  	s3 =	sadd.s32 $0x1, s3  }
0x23a: {  	p1 =	sne.s32 s3, $0x20  }
.Ltmp32:
0x23b: {  	_ = 	snop;
	(pc) =	sbr.rel @!p1 .LBB2_49-.Ltmp32, $1  }
0x23c: {  	_ =	sdelay $0x3  }
.LBB2_41:
0x23d: {  	v0 =	vld.msk [tilespmem:s3+$0xF218], $0x1;
	_ =	sdelay $0x4  }
0x23e: {  	(v2sf) =	vpush v0, $0x0;
	_ =	sdelay $0xe  }
0x23f: {  	s4 =	spop (v2sf)  }
0x240: {  	p1 =	seq.s32 s4, $0xFFFFFFFF  }
.Ltmp33:
0x241: {  	_ = 	snop;
	(pc) =	sbr.rel @p1 .LBB2_48-.Ltmp33, $1  }
0x242: {  	_ =	sdelay $0x3  }
0x243: {  	p1 =	slt.s32 s2, $0x1  }
.Ltmp34:
0x244: {  	_ = 	snop;
	(pc) =	sbr.rel @p1 .LBB2_47-.Ltmp34, $1  }
0x245: {  	_ =	sdelay $0x3  }
0x246: {  	s5 =	simm.s32 $0xF218;
	p1 =	por $0x0, $0x0  }
0x247: {  	v1 =	vld.msk @!p1 [tilespmem:s5+$0x0], $0x1;
	_ =	sdelay $0x4  }
0x248: {  	(v2sf) =	vpush @!p1 v1, $0x0;
	_ =	sdelay $0xd  }
0x249: {  	p3 =	sne.s32 s2, $0x1  }
.Ltmp35:
0x24a: {  	s0 =	spop @!p1 (v2sf);
	(pc) =	sbr.rel @!p3 .LBB2_45-.Ltmp35, $4  }
0x24b: {  	p2 =	seq.s32 @!p1 s4, s0  }
0x24c: {  	s6 =	simm.s32 $0x0;
	p2 =	por !p2, p1  }
0x24d: {  	s7 =	simm.s32 $0xFFFFFFFF;
	s6 =	simm.s32 @p2 $0xFFFFFFFF  }
0x24e: {  	s0 =	simm.s32 $0x1;
	s6 =	smov.u32 @p1 s7  }
.LBB2_44:
0x24f: {  	s7 =	smov.u32 s6;
	p1 =	sne.s32 s6, $0xFFFFFFFF  }
0x250: {  	s5 =	sadd.s32 $0x1, s5;
	s6 =	smov.u32 s0;
	s0 =	sadd.s32 $0x1, s0  }
0x251: {  	p2 =	sne.s32 s2, s0;
	v1 =	vld.msk @!p1 [tilespmem:s5+$0x0], $0x1;
	_ =	sdelay $0x4  }
0x252: {  	(v2sf) =	vpush @!p1 v1, $0x0;
	_ =	sdelay $0xe  }
.Ltmp36:
0x253: {  	s8 =	spop @!p1 (v2sf);
	(pc) =	sbr.rel @p2 .LBB2_44-.Ltmp36, $4  }
0x254: {  	p3 =	seq.s32 @!p1 s4, s8  }
0x255: {  	p3 =	por !p3, p1  }
0x256: {  	s6 =	simm.s32 @p3 $0xFFFFFFFF  }
0x257: {  	s6 =	smov.u32 @p1 s7  }
.LBB2_45:
0x258: {  	p1 =	seq.s32 s6, $0xFFFFFFFF  }
.Ltmp37:
0x259: {  	_ = 	snop;
	(pc) =	sbr.rel @p1 .LBB2_47-.Ltmp37, $1  }
0x25a: {  	_ =	sdelay $0x3  }
0x25b: {  	s0 =	sshll.u32 s3, $0x7  }
0x25c: {  	s0 =	sand.u32 $0x3FFFFF80, s0  }
0x25d: {  	v0 =	vld [tilespmem:s0+$0xF238];
	_ =	sdelay $0x2  }
0x25e: {  	s4 =	sshll.u32 s6, $0x9  }
0x25f: {  	s4 =	sshra.s32 s4, $0x2  }
0x260: {  	[tilespmem:s4+$0xF238] =	vst.add.f32.msk $0xffff, v0  }
0x261: {  	v0 =	vld [tilespmem:s0+$0xF248];
	_ =	sdelay $0x4  }
0x262: {  	[tilespmem:s4+$0xF248] =	vst.add.f32.msk $0xffff, v0  }
0x263: {  	v0 =	vld [tilespmem:s0+$0xF258];
	_ =	sdelay $0x4  }
0x264: {  	[tilespmem:s4+$0xF258] =	vst.add.f32.msk $0xffff, v0  }
0x265: {  	v0 =	vld [tilespmem:s0+$0xF268];
	_ =	sdelay $0x4  }
0x266: {  	[tilespmem:s4+$0xF268] =	vst.add.f32.msk $0xffff, v0  }
0x267: {  	v0 =	vld [tilespmem:s0+$0xF278];
	_ =	sdelay $0x4  }
0x268: {  	[tilespmem:s4+$0xF278] =	vst.add.f32.msk $0xffff, v0  }
0x269: {  	v0 =	vld [tilespmem:s0+$0xF288];
	_ =	sdelay $0x4  }
0x26a: {  	[tilespmem:s4+$0xF288] =	vst.add.f32.msk $0xffff, v0  }
0x26b: {  	v0 =	vld [tilespmem:s0+$0xF298];
	_ =	sdelay $0x4  }
0x26c: {  	[tilespmem:s4+$0xF298] =	vst.add.f32.msk $0xffff, v0  }
0x26d: {  	v0 =	vld [tilespmem:s0+$0xF2A8]  }
.Ltmp38:
0x26e: {  	_ = 	snop;
	(pc) =	sbr.rel .LBB2_48-.Ltmp38, $2  }
0x26f: {  	_ =	sdelay $0x2  }
0x270: {  	[tilespmem:s4+$0xF2A8] =	vst.add.f32.msk $0xffff, v0  }
.LBB2_49:
0x271: {  	p1 =	slt.s32 s2, $0x1  }
.Ltmp39:
0x272: {  	_ = 	snop;
	(pc) =	sbr.rel @p1 .LBB2_53-.Ltmp39, $3  }
0x273: {  	_ =	sdelay $0x1  }
0x274: {  	s0 =	simm.s32 $0x8  }
0x275: {  	s3 =	simm.s32 $0x0;
	[sflag:s0] =	ssyncpa.u1 $0x1  }
0x276: {  	s0 =	simm.s32 $0xF218  }
0x277: {  	v0 =	vld.msk [tilespmem:s0+$0x0], $0x1;
	_ =	sdelay $0x4  }
0x278: {  	(v2sf) =	vpush v0, $0x0;
	_ =	sdelay $0xe  }
0x279: {  	s0 =	sadd.s32 $0xFFFFFFFF, s2;
	s5 =	spop (v2sf)  }
0x27a: {  	p2 =	sne.s32 s0, $0x0;
	p1 =	sgt.u32 s5, $0x3FFF0  }
.Ltmp40:
0x27b: {  	s6 =	sand.u32 @!p1 $0x3FFF8, s5;
	(pc) =	sbr.rel @!p2 .LBB2_52-.Ltmp40, $4  }
0x27c: {  	s4 =	simm.s32 $0xF238;
	s5 =	sand.u32 @!p1 $0x7, s5;
	s2 =	sadd.s32 @!p1 s1, s6  }
0x27d: {  	[hbm4b:s2+s5] =	stream.linear.scatter @!p1 [tilespmem:s4], [sflag:$0x7], $0x80, $0x38;
	[tilespmem:$0x1F6F8] =	vst v63  }
0x27e: {  	s5 =	simm.s32 $0x0  }
0x27f: {  	s2 =	simm.s32 $0xF219;
	s5 =	simm.s32 @!p1 $0x200  }
.LBB2_51:
0x280: {  	v0 =	vld.msk [tilespmem:s2+$0x0], $0x1;
	s0 =	sadd.s32 $0xFFFFFFFF, s0;
	s3 =	sadd.s32 s3, s5  }
0x281: {  	p1 =	sne.s32 s0, $0x0;
	_ =	sdelay $0x3  }
0x282: {  	(v2sf) =	vpush v0, $0x0;
	_ =	sdelay $0xe  }
.Ltmp41:
0x283: {  	s6 =	spop (v2sf);
	(pc) =	sbr.rel @p1 .LBB2_51-.Ltmp41, $4  }
0x284: {  	s5 =	simm.s32 $0x0;
	p2 =	sgt.u32 s6, $0x3FFF0  }
0x285: {  	s4 =	sadd.s32 $0x80, s4;
	s5 =	simm.s32 @!p2 $0x200;
	s7 =	sand.u32 @!p2 $0x3FFF8, s6  }
0x286: {  	s2 =	sadd.s32 $0x1, s2;
	s6 =	sand.u32 @!p2 $0x7, s6;
	s7 =	sadd.s32 @!p2 s1, s7  }
0x287: {  	[hbm4b:s7+s6] =	stream.linear.scatter @!p2 [tilespmem:s4], [sflag:$0x7], $0x80, $0x38;
	[tilespmem:$0x1F6F8] =	vst v63  }
.LBB2_52:
0x288: {  	s0 =	sadd.s32 s3, s5  }
0x289: {  	s3 =	sshrl.u32 s0, $0x2  }
.LBB2_53:
0x28a: {  	s0 =	simm.s32 $0x7  }
0x28b: {  	_ =	swait.ge [sflag:s0], s3  }
0x28c: {  	s1 =	ssub.s32 $0x0, s3;
	[sflag:s0] =	ssyncset.done $0x0  }
0x28d: {  	[sflag:s0] =	ssyncadd.s32 s1  }
0x28e: {  	[sflag:s0] =	ssyncpa.u1 $0x1  }
.LBB2_54:
0x28f: {  	_ =	sfence;
	s0 =	simm.s32 $0x1  }
0x290: {  	[sflag:s0] =	ssyncpa.u1 $0x1  }
0x291: {  	_ =	strace $0x9000004D  }
0x292: {  	[bflag:$0x2] =	sbarrier.arrive $0xFFFF  }
0x293: {  	s0 =	rddreg [dreg:$0x4]  }
0x294: {  	s0 =	sadd.s32 @!p0 $0x100000, s0  }
0x295: {  	[sflag:s0] =	ssyncadd.tile.s32 @!p0 $0x1;
	_ =	shalt  }
.Lfunc_end2:
_tile_overlayer_lowered:
.L_overlay_start_2:
0x296: {  	(tag) =	ssettag $0x2  }
0x297: {  	s0 =	rddreg [dreg:$0x0];
	s2 =	stileid.u32  }
0x298: {  	s1 =	rddreg [dreg:$0x1];
	p0 =	sne.s32 s2, $0x0  }
0x299: {  	s3 =	rddreg [dreg:$0x2];
	[bflag:$0x3] =	sbarrier.arrive $0xFFFF;
	s2 =	simm.s32 @!p0 $0x1C01  }
0x29a: {  	[timem:s3], [sflag:s2] =	dma.local @!p0 [hbm:s0], s1  }
0x29b: {  	s0 =	simm.s32 @!p0 $0x1  }
0x29c: {  	_ =	swait.ge @!p0 [sflag:s0], s1  }
0x29d: {  	s1 =	ssub.s32 @!p0 $0x0, s1;
	[sflag:s0] =	ssyncset.done @!p0 $0x0  }
0x29e: {  	[sflag:s0] =	ssyncadd.s32 @!p0 s1  }
0x29f: {  	[bflag:$0x3] =	sbarrier.arrive $0xFFFF  }
0x2a0: {  	_ =	shalt  }

// kernel: scatter_offload_async_start
scs
__scs_entry_jumppad:
0x0: {  	(pc) =	sbr.rel $0x88, $3  }
0x1: {  	(tag) =	ssettag $0x0;
	lr =	simm.s32 $0x1  }
0x2: {  	[smem:$0x3F89] =	sst lr;
	_ =	strace $0xD0000000  }
0x3: {  	_ = 	snop  }
0x4: {  	_ = 	snop  }
0x5: {  	_ = 	snop  }
0x6: {  	_ = 	snop  }
0x7: {  	_ = 	snop  }
__scs_overlays_trampoline_lowered:
0x8: {  	[smem:$0x3F98] =	sst s0  }
0x9: {  	[smem:$0x3F99] =	sst s1  }
0xa: {  	[smem:$0x3F9A] =	sst s2  }
0xb: {  	[smem:$0x3F9B] =	sst s3  }
0xc: {  	[smem:$0x3F9C] =	sst s4  }
0xd: {  	[smem:$0x3F9D] =	sst s5  }
0xe: {  	[smem:$0x3F9E] =	sst s6  }
0xf: {  	[smem:$0x3F9F] =	sst s7  }
0x10: {  	[smem:$0x3FA0] =	sst s8  }
0x11: {  	[smem:$0x3FA1] =	sst s9;
	s0 =	simm.s32 @!p0 $0x0  }
0x12: {  	s1 =	sld [smem:$0x3F87];
	s0 =	simm.s32 @p0 $0x1  }
0x13: {  	[smem:$0x3FA2] =	sst s0;
	s0 =	simm.s32 @!p1 $0x0  }
0x14: {  	s2 =	sld [smem:$0x3F86];
	s0 =	simm.s32 @p1 $0x1  }
0x15: {  	[smem:$0x3FA3] =	sst s0;
	s0 =	simm.s32 @!p2 $0x0  }
0x16: {  	s3 =	sld [smem:$0x3FDB];
	s0 =	simm.s32 @p2 $0x1  }
0x17: {  	s4 =	simm.s32 $0x1BF5;
	[smem:$0x3FA5] =	sst s0  }
0x18: {  	s0 =	sld [smem:$0x3F88];
	_ =	swait.ge [sflag:s4], $0x0  }
0x19: {  	s7 =	sld [smem:$0x3F89]  }
0x1a: {  	s8 =	sadd.s32 $0xFFFFE003, lr  }
0x1b: {  	s9 =	sadd.s32 $0xFFFFFEF7, lr;
	s5 =	simm.s32 $0xFFFFFFFF;
	p2 =	slt.u32 s8, $0xFFFFF086  }
0x1c: {  	p1 =	slt.u32 s9, $0xF7A;
	s5 =	simm.s32 @!p2 $0x0  }
0x1d: {  	s5 =	simm.s32 @p1 $0x1;
	p0 =	seq.s32 s7, s2  }
0x1e: {  	s7 =	smul.u32 @!p0 $0xF7A, s2;
	p2 =	seq.s32 @!p0 s5, $0x0  }
0x1f: {  	s9 =	smul.u32 $0xF7A, s1;
	s8 =	simm.s32 @!p0 $0x1BF5;
	p2 =	por !p2, p0  }
0x20: {  	[sflag:s8] =	ssyncset.s32 @!p0 $0xFFFFF086;
	s6 =	sadd.s32 @!p0 s3, s7;
	s7 =	simm.s32 @!p0 $0x108  }
0x21: {  	s3 =	sadd.s32 s3, s9;
	s6 =	sadd.s32 @!p0 $0x88, s6;
	s7 =	simm.s32 @p2 $0x1082  }
0x22: {  	[simem:s7], [sflag:s8] =	dma.local @!p0 [hbm:s6], $0xF7A  }
0x23: {  	s9 =	sor.u32 $0xD0000000, s2;
	s6 =	simm.s32 $0x108;
	_ =	swait.ge @!p0 [sflag:s8], $0x0  }
0x24: {  	s3 =	sadd.s32 $0x88, s3;
	s6 =	simm.s32 @!p1 $0x1082;
	[sflag:s4] =	ssyncset.s32 $0xFFFFF086  }
0x25: {  	[simem:s6], [sflag:s4] =	dma.local [hbm:s3], $0xF7A  }
0x26: {  	[smem:$0x3F89] =	sst s1;
	(tag) =	ssettag s2;
	_ =	strace s9  }
0x27: {  	s1 =	sld [smem:$0x3F99]  }
0x28: {  	s2 =	sld [smem:$0x3F9A]  }
0x29: {  	s4 =	sld [smem:$0x3F9C]  }
0x2a: {  	p0 =	seq.s32 s5, $0x0;
	s5 =	sld [smem:$0x3F9D]  }
0x2b: {  	s6 =	sld [smem:$0x3F9E]  }
0x2c: {  	s7 =	sld [smem:$0x3F9F]  }
0x2d: {  	s3 =	simm.s32 $0x108;
	s8 =	sld [smem:$0x3FA0]  }
0x2e: {  	s3 =	simm.s32 @!p0 $0x1082;
	s9 =	sld [smem:$0x3FA1]  }
0x2f: {  	lr =	sadd.s32 s0, s3;
	s0 =	sld [smem:$0x3F98]  }
0x30: {  	s3 =	sld [smem:$0x3F9B]  }
0x31: {  	[smem:$0x3FA4] =	sst s10  }
0x32: {  	s10 =	sld [smem:$0x3FA2];
	_ =	sdelay $0x3  }
0x33: {  	p0 =	seq.s32 s10, $0x1;
	s10 =	sld [smem:$0x3FA4];
	_ =	sdelay $0x3  }
0x34: {  	[smem:$0x3FA4] =	sst s10  }
0x35: {  	s10 =	sld [smem:$0x3FA3];
	_ =	sdelay $0x3  }
0x36: {  	p1 =	seq.s32 s10, $0x1;
	s10 =	sld [smem:$0x3FA4];
	_ =	sdelay $0x3  }
0x37: {  	[smem:$0x3FA4] =	sst s10  }
0x38: {  	s10 =	sld [smem:$0x3FA5]  }
0x39: {  	_ = 	snop;
	(pc) =	sbr.ind lr, $3  }
0x3a: {  	_ = 	snop  }
0x3b: {  	_ = 	snop  }
0x3c: {  	p2 =	seq.s32 s10, $0x1;
	s10 =	sld [smem:$0x3FA4]  }
0x3d: {  	_ =	shalt  }
0x3e: {  	_ =	shalt  }
0x3f: {  	_ =	shalt  }
0x40: {  	_ =	shalt  }
0x41: {  	_ =	shalt  }
0x42: {  	_ =	shalt  }
0x43: {  	_ =	shalt  }
0x44: {  	_ =	shalt  }
0x45: {  	_ =	shalt  }
0x46: {  	_ =	shalt  }
0x47: {  	_ =	shalt  }
0x48: {  	_ =	shalt  }
0x49: {  	_ =	shalt  }
0x4a: {  	_ =	shalt  }
0x4b: {  	_ =	shalt  }
0x4c: {  	_ =	shalt  }
0x4d: {  	_ =	shalt  }
0x4e: {  	_ =	shalt  }
0x4f: {  	_ =	shalt  }
0x50: {  	_ =	shalt  }
0x51: {  	_ =	shalt  }
0x52: {  	_ =	shalt  }
0x53: {  	_ =	shalt  }
0x54: {  	_ =	shalt  }
0x55: {  	_ =	shalt  }
0x56: {  	_ =	shalt  }
0x57: {  	_ =	shalt  }
0x58: {  	_ =	shalt  }
0x59: {  	_ =	shalt  }
0x5a: {  	_ =	shalt  }
0x5b: {  	_ =	shalt  }
0x5c: {  	_ =	shalt  }
0x5d: {  	_ =	shalt  }
0x5e: {  	_ =	shalt  }
0x5f: {  	_ =	shalt  }
0x60: {  	_ =	shalt  }
0x61: {  	_ =	shalt  }
0x62: {  	_ =	shalt  }
0x63: {  	_ =	shalt  }
0x64: {  	_ =	shalt  }
0x65: {  	_ =	shalt  }
0x66: {  	_ =	shalt  }
0x67: {  	_ =	shalt  }
0x68: {  	_ =	shalt  }
0x69: {  	_ =	shalt  }
0x6a: {  	_ =	shalt  }
0x6b: {  	_ =	shalt  }
0x6c: {  	_ =	shalt  }
0x6d: {  	_ =	shalt  }
0x6e: {  	_ =	shalt  }
0x6f: {  	_ =	shalt  }
0x70: {  	_ =	shalt  }
0x71: {  	_ =	shalt  }
0x72: {  	_ =	shalt  }
0x73: {  	_ =	shalt  }
0x74: {  	_ =	shalt  }
0x75: {  	_ =	shalt  }
0x76: {  	_ =	shalt  }
0x77: {  	_ =	shalt  }
0x78: {  	_ =	shalt  }
0x79: {  	_ =	shalt  }
0x7a: {  	_ =	shalt  }
0x7b: {  	_ =	shalt  }
0x7c: {  	_ =	shalt  }
0x7d: {  	_ =	shalt  }
0x7e: {  	_ =	shalt  }
0x7f: {  	_ =	shalt  }
0x80: {  	_ =	shalt  }
0x81: {  	_ =	shalt  }
0x82: {  	_ =	shalt  }
0x83: {  	_ =	shalt  }
0x84: {  	_ =	shalt  }
0x85: {  	_ =	shalt  }
0x86: {  	_ =	shalt  }
0x87: {  	_ =	shalt  }
.Lfunc_end0:
.L_simem_size_0:
called_computation_lowered:
.L_overlay_start_0:
0x88: {  	s0 =	sld [smem:$0x3FD9]  }
0x89: {  	s1 =	sld [smem:$0x3FFE];
	_ =	sdelay $0x3  }
0x8a: {  	s0 =	sadd.s32 s1, s0  }
0x8b: {  	[smem:$0x3FB0] =	sst s0  }
0x8c: {  	_ = 	snop  }
0x8d: {  	(tm) =	ssettm $0x1  }
0x8e: {  	s15 =	sld [smem:$0x3FFB];
	_ =	sdelay $0x3  }
0x8f: {  	_ =	strace s15  }
0x90: {  	s0 =	sld [smem:$0x3FFC];
	_ =	sdelay $0x3  }
0x91: {  	_ =	strace s0  }
0x92: {  	s0 =	sld [smem:$0x3FFD];
	_ =	sdelay $0x3  }
0x93: {  	_ =	strace s0  }
0x94: {  	_ =	strace $0x8FFFFFFF  }
0x95: {  	s16 =	sld [smem:$0x3FDB];
	_ =	sdelay $0x1  }
0x96: {  	s17 =	simm.s32 $_scs_section_size  }
0x97: {  	s2 =	simm.s32 $_size__tile_overlayer_lowered;
	s3 =	simm.s32 $_tile_overlayer_lowered  }
0x98: {  	s20 =	simm.s32 $0x1BFF;
	s19 =	sshll.u32 s3, $0x1;
	s0 =	sadd.s32 s17, s16  }
0x99: {  	s4 =	simm.s32 $0x0;
	s18 =	sshll.u32 s2, $0x1;
	s2 =	sadd.s32 s19, s0  }
0x9a: {  	[timem:s4], [sflag:s20] =	dma.local [hbm:s2], s18  }
0x9b: {  	_ =	swait.ge [sflag:s20], s18  }
0x9c: {  	s1 =	ssub.s32 $0x0, s18;
	[sflag:s20] =	ssyncset.done $0x0  }
0x9d: {  	[sflag:s20] =	ssyncadd.s32 s1;
	_ =	sdelay $0x1  }
0x9e: {  	s21 =	simm.s32 $0x1B8B  }
0x9f: {  	_ =	swait.ge [sflag:s21], $0x1  }
0xa0: {  	[sflag:s21] =	ssyncset.done $0x0  }
0xa1: {  	s23 =	simm.s32 $0x1B8E;
	s22 =	sld [smem:$0x3FFE];
	[sflag:s21] =	ssyncadd.s32 $0xFFFFFFFF  }
0xa2: {  	s24 =	simm.s32 $execute0_lowered;
	[smem:$0x3FD2] =	sst s23  }
0xa3: {  	s2 =	sshll.u32 s24, $0x1;
	_ =	strace $0x80000046;
	[dreg:$0x1] =	wrdreg $0xFFFFFFFF  }
0xa4: {  	s25 =	simm.s32 $_size_execute0_lowered;
	s0 =	sadd.s32 s0, s2;
	[dreg:$0x0] =	wrdreg $0x0  }
0xa5: {  	s2 =	sshll.u32 s25, $0x1;
	[dreg:$0x2] =	wrdreg s0  }
0xa6: {  	[dreg:$0x3] =	wrdreg s2  }
0xa7: {  	[dreg:$0x4] =	wrdreg $0xC0  }
0xa8: {  	_ =	task [dreg:s4], $0x5FFFF  }
0xa9: {  	[dreg:$0x1] =	wrdreg $0xFFFFFFFF  }
0xaa: {  	[dreg:$0x0] =	wrdreg $0x60  }
0xab: {  	[dreg:$0x2] =	wrdreg s22  }
0xac: {  	[dreg:$0x3] =	wrdreg $0x9  }
0xad: {  	_ =	task.clear_ibuf [dreg:s4], $0x4FFFF;
	_ =	strace $0x90000046  }
0xae: {  	s26 =	simm.s32 $0x9;
	_ =	strace $0x80000048  }
0xaf: {  	_ =	swait.ge [sflag:s26], $0x1  }
0xb0: {  	[sflag:s26] =	ssyncadd.s32 $0xFFFFFFFF  }
0xb1: {  	_ =	strace $0x90000048  }
0xb2: {  	_ =	sfence  }
0xb3: {  	s28 =	sld [smem:$0x0];
	_ =	sdelay $0x1  }
0xb4: {  	s29 =	srdreg.scid  }
0xb5: {  	s30 =	sshll.u32 s29, $0xD;
	s31 =	sshrl.u32 s29, $0x2  }
0xb6: {  	s1 =	sand.u32 $0x1, s29;
	s2 =	sand.u32 $0x4000, s30;
	s0 =	sadd.s32 s31, s28  }
0xb7: {  	s1 =	sor.u32 s2, s1;
	s0 =	sshll.u32 s0, $0x11  }
0xb8: {  	s0 =	sor.u32 s0, s1  }
0xb9: {  	s0 =	sadd.s32 $0x8F2B, s0  }
0xba: {  	[sflag:s0] =	ssyncadd.remote.s32 $0x1  }
0xbb: {  	_ =	sfence.sel $0xFFFF  }
0xbc: {  	[dreg:$0x0] =	wrdreg $0xFFFFFFFF;
	(pc) =	sbr.abs _section_cstart, $3  }
0xbd: {  	[dreg:$0x1] =	wrdreg $0xFFFFFFFF  }
0xbe: {  	_ =	task.clear_ibuf [dreg:s4], $0x2FFFF;
	_ =	strace $0x9FFFFFFF  }
0xbf: {  	(tm) =	ssettm $0x7FFFFFFF  }
tec
execute0_lowered:
.L_overlay_start_1:
0x0: {  	(tag) =	ssettag $0x1  }
0x1: {  	s0 =	rddreg [dreg:$0x0];
	_ =	strace $0x80000047;
	s3 =	simm.s32 $0x1  }
0x2: {  	v1 =	vimm.s32 $0xFFFFFFFF;
	[sflag:s3] =	ssyncpa.u1 $0x0  }
0x3: {  	[tilespmem:$0x10] =	vst v1  }
0x4: {  	v0 =	vimm.f32 $-Inf;
	[tilespmem:$0x20] =	vst v1  }
0x5: {  	[tilespmem:$0x30] =	vst v0  }
0x6: {  	s2 =	simm.s32 $0x2;
	s26 =	stileid.u32;
	[tilespmem:$0x40] =	vst v0  }
0x7: {  	s5 =	simm.s32 $0x7;
	s7 =	simm.s32 $0x8;
	s31 =	simm.s32 $0x9;
	[tilespmem:$0x50] =	vst v0  }
0x8: {  	s14 =	simm.s32 $0x0;
	s15 =	simm.s32 $0x100;
	s19 =	simm.s32 $0xD900;
	[tilespmem:$0x60] =	vst v1  }
0x9: {  	s20 =	simm.s32 $0xF;
	s21 =	simm.s32 $0x50;
	s22 =	simm.s32 $0x60FF;
	[tilespmem:$0x70] =	vst v1  }
0xa: {  	s23 =	simm.s32 $0x20;
	s24 =	simm.s32 $0x30;
	s25 =	simm.s32 $0xC0FF;
	[tilespmem:$0x80] =	vst v1  }
0xb: {  	s30 =	simm.s32 $0x0;
	s29 =	simm.s32 $0x0;
	s6 =	smul.u32 $0x1800, s26;
	v1 =	vimm.s32 $0x0;
	[tilespmem:$0xB0] =	vst v0  }
.Ltmp0:
0xc: {  	s1 =	sadd.s32 $0x1CEE00, s0;
	s4 =	sadd.s32 $0x42E00, s0;
	[tilespmem:$0x90] =	vst v1;
	(pc) =	sbr.rel .LBB2_1-.Ltmp0, $4  }
0xd: {  	s8 =	sadd.s32 $0x1CBE00, s0;
	s10 =	sshll.u32 s26, $0x1;
	[tilespmem:$0xA0] =	vst v1;
	[sflag:s2] =	ssyncpa.u1 $0x0  }
0xe: {  	s12 =	sshllo.u32 s26, $0x1;
	s26 =	simm.s32 $0x80;
	[sflag:s5] =	ssyncpa.u1 $0x0  }
0xf: {  	vm0 =	vmmov $0xffff;
	v2 =	vlaneseq.u32;
	vm1 =	vmxor vm1, vm1;
	s11 =	sor.u32 $0x81, s10;
	s13 =	sor.u32 $0x80, s10;
	[sflag:s7] =	ssyncpa.u1 $0x0  }
0x10: {  	vm2 =	vmmov $0x1;
	v3 =	vimm.f32 $0.0e+00;
	vm3 =	vcmask $0x3F3C;
	s9 =	sadd.s32 $0x1800, s6;
	s28 =	smov.u32 s6;
	[sflag:s31] =	ssyncpa.u1 $0x0  }
.LBB2_3:
0x11: {  	s0 =	sshrl.u32 s28, $0x3  }
0x12: {  	s2 =	sand.u32 $0x7, s28;
	s0 =	sadd.s32 s4, s0  }
0x13: {  	[tilespmem:s15], [sflag:$0x7] =	stream.linear.gather [hbm4b:s0+s2], $0x1800, $0x38;
	[tilespmem:$0xD920] =	vst v63  }
.LBB2_4:
0x14: {  	s0 =	sadd.s32 $0x1800, s28  }
0x15: {  	s2 =	smov.u32 s6;
	s29 =	sadd.s32 $0x1, s29;
	p0 =	slt.s32 s0, s9  }
0x16: {  	s2 =	smov.u32 @p0 s0;
	p0 =	sne.s32 s29, $0x4  }
.Ltmp1:
0x17: {  	_ = 	snop;
	(pc) =	sbr.rel @!p0 .LBB2_13-.Ltmp1, $2  }
0x18: {  	_ =	sdelay $0x2  }
0x19: {  	s30 =	smov.u32 s28;
	s28 =	smov.u32 s2  }
.LBB2_1:
0x1a: {  	p0 =	sgt.s32 s29, $0x1  }
.Ltmp2:
0x1b: {  	_ = 	snop;
	(pc) =	sbr.rel @p0 .LBB2_11-.Ltmp2, $1  }
0x1c: {  	_ =	sdelay $0x3  }
0x1d: {  	p0 =	seq.s32 s29, $0x0  }
.Ltmp3:
0x1e: {  	_ = 	snop;
	(pc) =	sbr.rel @p0 .LBB2_3-.Ltmp3, $1  }
0x1f: {  	_ =	sdelay $0x3  }
0x20: {  	_ =	swait.ge [sflag:s5], $0x1800  }
0x21: {  	[sflag:s5] =	ssyncset.done $0x0  }
0x22: {  	[sflag:s5] =	ssyncadd.s32 $0xFFFFE800;
	(ifvalue) =	ssetifvalue $0xFFFFFFFF;
	v4 =	vld.msk [tilespmem:s15+$0x0 ss:$0x1], $0xffff;
	_ =	sdelay $0x4  }
0x23: {  	v5 =	vperm.xlane v4, v1  }
0x24: {  	vm4 =	vlt.u32 v4, $0x4000  }
0x25: {  	v4 =	vnsel vm4, $0xFFFFFFFE, v4;
	vm4 =	vlt.u32 v5, $0x4000  }
0x26: {  	[tilespmem:$0x70] =	vst v4;
	v4 =	vnsel vm4, $0xFFFFFFFE, v5  }
0x27: {  	s17 =	simm.s32 $0x18F0;
	[tilespmem:$0x80] =	vst v4  }
0x28: {  	v4 =	vld.msk [tilespmem:s17+$0x0 ss:$0x1], $0xffff;
	_ =	sdelay $0x4  }
0x29: {  	(xrf1) =	vunique.msk.u32 $0xffff, v4;
	_ =	sdelay $0xd  }
0x2a: {  	v5 =	vimm.s32 $0xFFFFFFFF;
	v6, _, _ =	vpop (xrf1)  }
0x2b: {  	vm5 =	vne.s32 v4, v5;
	vm4 =	veq.s32 v6, v2  }
0x2c: {  	vm6 =	vlt.u32 v4, $0x4000;
	vm4 =	vmand vm5, vm4  }
0x2d: {  	vm4 =	vmand vm6, vm4  }
0x2e: {  	v5 =	vnsel vm4, $0xFFFFFFFF, v4;
	_ =	sdelay $0x3  }
0x2f: {  	s0 =	simm.s32 $0x60F0;
	(ifvalue) =	ssetifvalue $0xFFFFFFFF  }
0x30: {  	v4 =	vperm.xlane v4, v1;
	[tilespmem:s0], [sflag:$0x8] =	stream.indirect_vreg.gather [hbm4b:s1+s14], $0x1, v5, vm0, $0x4038;
	v5 =	vnsel vm6, $0xFFFFFFFE, v5;
	[tilespmem:$0xD920] =	vst v63  }
0x31: {  	s2 =	simm.s32 $0x0;
	s16 =	simm.s32 $0x18E0;
	[tilespmem:s17+$0x0] =	vst v5  }
.LBB2_6:
0x32: {  	v5 =	vld.msk [tilespmem:s16+$0x0 ss:$0x1], $0xffff;
	s2 =	sadd.s32 $0x10, s2;
	v6 =	vmov v4;
	s17 =	smov.u32 s16  }
0x33: {  	p0 =	slt.u32 s2, $0x17F0;
	_ =	sdelay $0x4  }
0x34: {  	v4 =	vperm.xlane v5, v1;
	(xrf1) =	vunique.msk.u32 $0xffff, v5;
	_ =	sdelay $0xd  }
0x35: {  	v7, _, _ =	vpop (xrf1)  }
0x36: {  	vm5 =	vne.s32 v5, v6;
	vm4 =	veq.s32 v7, v2  }
0x37: {  	vm6 =	vlt.u32 v5, $0x4000;
	vm4 =	vmand vm5, vm4  }
0x38: {  	vm4 =	vmand vm6, vm4  }
0x39: {  	v5 =	vnsel vm4, $0xFFFFFFFF, v5  }
.Ltmp4:
0x3a: {  	v6 =	vnsel vm6, $0xFFFFFFFE, v5;
	(pc) =	sbr.rel @p0 .LBB2_6-.Ltmp4, $3  }
0x3b: {  	_ =	sdelay $0x1  }
0x3c: {  	s16 =	sadd.s32 $0xFFFFFFF0, s16;
	s0 =	sadd.s32 $0xFFFFFFF0, s0;
	(ifvalue) =	ssetifvalue $0xFFFFFFFF  }
0x3d: {  	[tilespmem:s0], [sflag:$0x8] =	stream.indirect_vreg.gather [hbm4b:s1+s14], $0x1, v5, vm0, $0x4038;
	[tilespmem:s17+$0x0] =	vst v6  }
.Ltmp5:
0x3e: {  	(pc) =	sbr.rel .LBB2_4-.Ltmp5, $4  }
0x3f: {  	_ = 	snop  }
0x40: {  	s0 =	sshrl.u32 s30, $0x3  }
0x41: {  	s2 =	simm.s32 $0x7900;
	s0 =	sadd.s32 s8, s0  }
0x42: {  	[tilespmem:s2], [sflag:$0x8] =	stream.linear.gather [hbm:s0], $0x1800, $0x38;
	[tilespmem:$0xD920] =	vst v63  }
.LBB2_11:
0x43: {  	p0 =	seq.s32 s29, $0x2  }
.Ltmp6:
0x44: {  	_ = 	snop;
	(pc) =	sbr.rel @!p0 .LBB2_12-.Ltmp6, $1  }
0x45: {  	_ =	sdelay $0x3  }
0x46: {  	_ =	swait.ge [sflag:s7], $0x3000  }
0x47: {  	[sflag:s7] =	ssyncset.done $0x0  }
0x48: {  	s0 =	simm.s32 $0x18FF;
	[sflag:s7] =	ssyncadd.s32 $0xFFFFD000  }
0x49: {  	[spmem:s11] =	stream.linear.scatter [tilespmem:s0], [sflag:$0x1], $0x1, $0x38;
	[tilespmem:$0xD920] =	vst v63  }
0x4a: {  	_ =	swait.ge [sflag:s3], $0x1  }
0x4b: {  	[sflag:s3] =	ssyncset.done $0x0  }
0x4c: {  	[sflag:s3] =	ssyncadd.s32 $0xFFFFFFFF  }
0x4d: {  	v5 =	vld [tilespmem:$0x10]  }
0x4e: {  	v6 =	vld [tilespmem:$0x70]  }
0x4f: {  	v4 =	vld [tilespmem:$0x80];
	_ =	sdelay $0x2  }
0x50: {  	(v2sf) =	vpush v5, $0x0  }
0x51: {  	(v2sf) =	vpush v6, $0x0  }
0x52: {  	(v2sf) =	vpush v4, $0x0;
	_ =	sdelay $0xc  }
0x53: {  	s18 =	spop (v2sf)  }
0x54: {  	s2 =	spop (v2sf)  }
0x55: {  	s30 =	spop (v2sf)  }
0x56: {  	p0 =	seq.s32 s18, s2;
	p1 =	seq.s32 s30, s18  }
0x57: {  	p1 =	por p0, p1  }
0x58: {  	s2 =	simm.s32 $0x10;
	v5 =	vpsel p1, $0xFFFFFFFF, v5  }
0x59: {  	[tilespmem:s2+$0x0] =	vst.msk $0x1, v5  }
0x5a: {  	v5 =	vld [tilespmem:$0x30]  }
0x5b: {  	v6 =	vld [tilespmem:$0x7900]  }
0x5c: {  	v7 =	vld [tilespmem:$0x40];
	_ =	sdelay $0x2  }
0x5d: {  	vm4 =	vmmov vm1  }
0x5e: {  	vm5 =	vmmov vm2;
	s16 =	simm.s32 $0x7900;
	vm4 =	vmmov @p0 vm2;
	v6 =	vmax.f32 v5, v6  }
0x5f: {  	vm5 =	vmmov @p1 vm1;
	v5 =	vmax.f32 v5, v7;
	[tilespmem:s16+$0x0] =	vst.msk vm4, v6  }
0x60: {  	[tilespmem:s19+$0x0] =	vst.msk vm5, v5  }
0x61: {  	v5 =	vld [tilespmem:$0x60F0];
	_ =	sdelay $0x4  }
0x62: {  	v5 =	vshift.insert v5, v3, s20;
	_ =	sdelay $0x1  }
0x63: {  	v6 =	vimm.f32 $-Inf;
	[tilespmem:s21+$0x0] =	vst.msk $0x1, v5  }
0x64: {  	[tilespmem:s22+$0x0] =	vst.msk $0x1, v6  }
0x65: {  	v5 =	vld [tilespmem:$0x18F0];
	_ =	sdelay $0x4  }
0x66: {  	v5 =	vshift.insert v5, v1, s20;
	_ =	sdelay $0x1  }
0x67: {  	s17 =	simm.s32 $0x100;
	[tilespmem:s23+$0x0] =	vst.msk $0x1, v5  }
0x68: {  	v7 =	vld [tilespmem:s17+$0x0]  }
0x69: {  	v8 =	vld [tilespmem:s16+$0x0];
	_ =	sdelay $0x4  }
0x6a: {  	vm4 =	vne.s32 v7, $0xFFFFFFFF;
	v6 =	vmax.f32 v8, v6  }
0x6b: {  	(xrf0) =	vmax.seg.scan.f32 vm4, v6  }
0x6c: {  	s18 =	simm.s32 $0x4900;
	v8 =	vld [tilespmem:$0xA0]  }
0x6d: {  	v9 =	vld [tilespmem:s18+$0x0];
	_ =	sdelay $0x1  }
0x6e: {  	v6 =	vperm.xlane v5, v1;
	_ =	sdelay $0x1  }
0x6f: {  	vm6 =	veq.s32 v7, v4;
	vm7 =	veq.s32 v7, v6;
	vm5 =	veq.s32 v8, $0x1;
	v8, _, _ =	vpop (xrf0)  }
0x70: {  	vm8 =	vgt.u32 v7, $0xFFFFFFFD;
	vm7 =	vmor vm7, vm6;
	v9 =	vmax.f32 v8, v9  }
0x71: {  	s31 =	simm.s32 $0xA900;
	v10 =	vld [tilespmem:$0x90];
	vm7 =	vmor vm7, vm8;
	v9 =	vsel vm6, v8, v9  }
0x72: {  	[tilespmem:s31+$0x0] =	vst v9;
	v9 =	vsel vm7, $0xFFFFFFFF, v7;
	_ =	sdelay $0x1  }
0x73: {  	vm9 =	vmand vm4, vm3  }
0x74: {  	s0 =	simm.s32 $0x0;
	s2 =	simm.s32 $0x7910;
	s16 =	simm.s32 $0x110;
	v11 =	vsel vm9, $0xFF800000, v8  }
0x75: {  	s17 =	simm.s32 $0xA910;
	s18 =	simm.s32 $0x4910;
	vm4 =	vmor vm5, vm6;
	v7 =	vsel vm6, v8, v10;
	v8 =	vshift.insert v11, v0, s20;
	(ifvalue) =	ssetifvalue $0xFFFFFFFF  }
.LBB2_9:
0x76: {  	[hbm4b:s1+s14] =	stream.indirect_vreg.scatter [tilespmem:s31], [sflag:$0x2], $0x1, v9, vm0, $0x4038;
	[tilespmem:$0xD920] =	vst v63  }
0x77: {  	s0 =	sadd.s32 $0x10, s0;
	s31 =	smov.u32 s17;
	v9 =	vld [tilespmem:s16+$0x0]  }
0x78: {  	p0 =	slt.u32 s0, $0x17F0;
	v10 =	vld [tilespmem:s2+$0x0];
	_ =	sdelay $0x4  }
0x79: {  	vm5 =	vne.s32 v9, $0xFFFFFFFF;
	v8 =	vmax.f32 v10, v8  }
0x7a: {  	(xrf0) =	vmax.seg.scan.f32 vm5, v8;
	_ =	sdelay $0x1  }
0x7b: {  	v8 =	vld [tilespmem:s18+$0x0]  }
0x7c: {  	vm6 =	veq.s32 v9, v4;
	vm7 =	veq.s32 v9, v6  }
0x7d: {  	vm8 =	vgt.u32 v9, $0xFFFFFFFD;
	vm4 =	vmor vm4, vm6;
	vm7 =	vmor vm7, vm6  }
0x7e: {  	vm7 =	vmor vm7, vm8  }
.Ltmp7:
0x7f: {  	vm5 =	vmand vm5, vm3;
	v9 =	vsel vm7, $0xFFFFFFFF, v9;
	v10, _, _ =	vpop (xrf0);
	(pc) =	sbr.rel @p0 .LBB2_9-.Ltmp7, $4  }
0x80: {  	v7 =	vsel vm6, v10, v7;
	v8 =	vmax.f32 v10, v8;
	v11 =	vsel vm5, $0xFF800000, v10  }
0x81: {  	v10 =	vsel vm6, v10, v8;
	v8 =	vshift.insert v11, v0, s20  }
0x82: {  	s16 =	sadd.s32 $0x10, s16;
	s2 =	sadd.s32 $0x10, s2;
	[tilespmem:s17+$0x0] =	vst v10  }
0x83: {  	s18 =	sadd.s32 $0x10, s18;
	s17 =	sadd.s32 $0x10, s17;
	(ifvalue) =	ssetifvalue $0xFFFFFFFF  }
0x84: {  	_ =	sdelay $0x3  }
0x85: {  	[hbm4b:s1+s14] =	stream.indirect_vreg.scatter [tilespmem:s31], [sflag:$0x2], $0x1, v9, vm0, $0x4038;
	[tilespmem:$0xD920] =	vst v63  }
0x86: {  	v4 =	vld [tilespmem:$0xC0F0];
	_ =	sdelay $0x4  }
0x87: {  	v4 =	vshift.insert v4, v3, s20;
	_ =	sdelay $0x1  }
0x88: {  	[tilespmem:s24+$0x0] =	vst.msk $0x1, v4  }
0x89: {  	v4 =	vsel vm4, $0x1, v1;
	[tilespmem:$0x90] =	vst v7  }
0x8a: {  	[tilespmem:$0xA0] =	vst v4  }
0x8b: {  	[spmem:s12] =	stream.linear.scatter [tilespmem:s25], [sflag:$0x1], $0x1, $0x38;
	[tilespmem:$0xD920] =	vst v63  }
0x8c: {  	v4 =	vmctz.xlane vm4;
	_ =	swait.ge [sflag:s3], $0x1  }
0x8d: {  	(v2sf) =	vpush v5, $0x0  }
0x8e: {  	(v2sf) =	vpush v4, $0x0;
	_ =	sdelay $0xd  }
0x8f: {  	s0 =	spop (v2sf)  }
0x90: {  	s2 =	spop (v2sf)  }
0x91: {  	[sflag:s3] =	ssyncset.done $0x0;
	p0 =	sne.s32 s30, s0;
	p1 =	slt.s32 s2, $0xF  }
0x92: {  	[sflag:s3] =	ssyncadd.s32 $0xFFFFFFFF;
	v4 =	vimm.s32 @!p0 $0xFFFFFFFF;
	s2 =	simm.s32 @!p1 $0xF  }
0x93: {  	[tilespmem:$0x80] =	vst @!p0 v4;
	s31 =	sadd.s32 $0x90, s2  }
0x94: {  	[spmem:s10] =	stream.linear.scatter [tilespmem:s31], [sflag:$0x1], $0x1, $0x38;
	[tilespmem:$0xD920] =	vst v63  }
0x95: {  	_ =	swait.ge [sflag:s3], $0x1  }
0x96: {  	[sflag:s3] =	ssyncset.done $0x0  }
0x97: {  	[sflag:s3] =	ssyncadd.s32 $0xFFFFFFFF  }
0x98: {  	[spmem:s13] =	stream.linear.scatter [tilespmem:s26], [sflag:$0x1], $0x1, $0x38;
	[tilespmem:$0xD920] =	vst v63  }
0x99: {  	_ =	swait.ge [sflag:s3], $0x1  }
0x9a: {  	[sflag:s3] =	ssyncset.done $0x0  }
0x9b: {  	[sflag:s3] =	ssyncadd.s32 $0xFFFFFFFF;
	(ifvalue) =	ssetifvalue $0xFFFFFFFF;
	v4 =	vld [tilespmem:$0x10];
	_ =	sdelay $0x3  }
.Ltmp8:
0x9c: {  	_ = 	snop;
	(pc) =	sbr.rel .LBB2_4-.Ltmp8, $3  }
0x9d: {  	_ =	sdelay $0x1  }
0x9e: {  	(ifvalue) =	ssetifvalue $0xFFFFFFFF  }
0x9f: {  	[hbm4b:s1+s14] =	stream.indirect_vreg.scatter [tilespmem:s19], [sflag:$0x9], $0x1, v4, vm0, $0x4038;
	[tilespmem:$0xD920] =	vst v63  }
.LBB2_12:
0xa0: {  	s0 =	simm.s32 $0x2  }
0xa1: {  	_ =	swait.ge [sflag:s0], $0x1800  }
0xa2: {  	[sflag:s0] =	ssyncset.done $0x0  }
0xa3: {  	s31 =	simm.s32 $0x9;
	[sflag:s0] =	ssyncadd.s32 $0xFFFFE800  }
0xa4: {  	_ =	swait.ge [sflag:s31], $0x10  }
0xa5: {  	[sflag:s31] =	ssyncset.done $0x0  }
0xa6: {  	[sflag:s31] =	ssyncadd.s32 $0xFFFFFFF0  }
.LBB2_13:
0xa7: {  	_ =	sfence.sel $0x180000  }
0xa8: {  	s0 =	simm.s32 $0x7;
	[bflag:$0x0] =	sbarrier.arrive $0xFFFF  }
0xa9: {  	s26 =	simm.s32 $0x8;
	[sflag:s0] =	ssyncpa.u1 $0x1  }
0xaa: {  	s28 =	simm.s32 $0x9;
	[sflag:s26] =	ssyncpa.u1 $0x1  }
0xab: {  	[sflag:s28] =	ssyncpa.u1 $0x1  }
0xac: {  	_ =	sfence.stream.spmem  }
0xad: {  	s29 =	simm.s32 $0x3;
	[bflag:$0x0] =	sbarrier.arrive $0xFFFF  }
0xae: {  	s30 =	simm.s32 $0x4;
	[sflag:s29] =	ssyncpa.u1 $0x1  }
0xaf: {  	s31 =	simm.s32 $0x3C;
	s2 =	stileid.u32;
	[sflag:s30] =	ssyncpa.u1 $0x1  }
0xb0: {  	p0 =	sne.s32 s2, $0x0;
	[sflag:s31] =	ssyncpa.u1 $0x1  }
0xb1: {  	s0 =	simm.s32 @p0 $0x1;
	_ =	sfence @p0  }
0xb2: {  	[sflag:s0] =	ssyncpa.u1 @p0 $0x1;
	s0 =	simm.s32 @p0 $0x2  }
0xb3: {  	[sflag:s0] =	ssyncpa.u1 @p0 $0x1  }
0xb4: {  	_ =	strace @p0 $0x90000047  }
0xb5: {  	[bflag:$0x2] =	sbarrier.arrive @p0 $0xFFFF  }
0xb6: {  	_ =	shalt @p0  }
.LBB2_14:
0xb7: {  	_ =	sfence.stream.spmem;
	s0 =	simm.s32 $0x5  }
0xb8: {  	s2 =	simm.s32 $0x80;
	s3 =	simm.s32 $0xC0;
	[sflag:s0] =	ssyncpa.u1 $0x0  }
0xb9: {  	[tilespmem:s3], [sflag:$0x5] =	stream.linear.gather [spmem:s2], $0x20, $0x38;
	[tilespmem:$0xD920] =	vst v63  }
0xba: {  	s30 =	simm.s32 $0xE0;
	s2 =	simm.s32 $0x0  }
0xbb: {  	[tilespmem:s30], [sflag:$0x5] =	stream.linear.gather [spmem:s2], $0x20, $0x38;
	[tilespmem:$0xD920] =	vst v63  }
.Ltmp9:
0xbc: {  	_ = 	snop;
	(pc) =	sbr.rel .LBB2_15-.Ltmp9, $4  }
0xbd: {  	_ =	swait.ge [sflag:s0], $0x40  }
0xbe: {  	[sflag:s0] =	ssyncset.done $0x0  }
0xbf: {  	s31 =	simm.s32 $0x6;
	[sflag:s0] =	ssyncadd.s32 $0xFFFFFFC0  }
0xc0: {  	s3 =	simm.s32 $0x0;
	[sflag:s31] =	ssyncpa.u1 $0x0  }
.LBB2_20:
0xc1: {  	p0 =	sgt.u32 s4, $0x3FFF  }
0xc2: {  	s0 =	sshrl.u32 @!p0 s4, $0x3  }
0xc3: {  	s4 =	sand.u32 @!p0 $0x7, s4;
	s5 =	simm.s32 @!p0 $0xB0;
	s0 =	sadd.s32 @!p0 s1, s0  }
0xc4: {  	[tilespmem:s5], [sflag:$0x6] =	stream.linear.gather @!p0 [hbm4b:s0+s4], $0x1, $0x38;
	[tilespmem:$0xD920] =	vst v63  }
0xc5: {  	s0 =	simm.s32 @!p0 $0x6  }
0xc6: {  	_ =	swait.ge @!p0 [sflag:s0], $0x1  }
0xc7: {  	[sflag:s0] =	ssyncset.done @!p0 $0x0  }
0xc8: {  	[sflag:s0] =	ssyncadd.s32 @!p0 $0xFFFFFFFF  }
0xc9: {  	v1 =	vld.msk @!p0 [tilespmem:$0xB0], $0x1  }
0xca: {  	v2 =	vld.msk @!p0 [tilespmem:s3+$0xE0], $0x1;
	_ =	sdelay $0x4  }
0xcb: {  	v1 =	vmax.f32 @!p0 v2, v1  }
0xcc: {  	[tilespmem:s3+$0xE0] =	vst.msk @!p0 $0x1, v1  }
0xcd: {  	[tilespmem:s2+$0xC0] =	vst.msk $0x1, v0  }
0xce: {  	v0 =	vld.msk [tilespmem:s3+$0xE0], $0x1;
	_ =	sdelay $0x4  }
0xcf: {  	[tilespmem:s2+$0xE0] =	vst.msk $0x1, v0;
	s2 =	sadd.s32 $0x1, s2  }
.LBB2_22:
0xd0: {  	s3 =	sadd.s32 $0x1, s3  }
0xd1: {  	p0 =	sne.s32 s3, $0x20  }
.Ltmp10:
0xd2: {  	_ = 	snop;
	(pc) =	sbr.rel @!p0 .LBB2_23-.Ltmp10, $1  }
0xd3: {  	_ =	sdelay $0x3  }
.LBB2_15:
0xd4: {  	v0 =	vld.msk [tilespmem:s3+$0xC0], $0x1;
	_ =	sdelay $0x4  }
0xd5: {  	(v2sf) =	vpush v0, $0x0;
	_ =	sdelay $0xe  }
0xd6: {  	s4 =	spop (v2sf)  }
0xd7: {  	p0 =	seq.s32 s4, $0xFFFFFFFF  }
.Ltmp11:
0xd8: {  	_ = 	snop;
	(pc) =	sbr.rel @p0 .LBB2_22-.Ltmp11, $1  }
0xd9: {  	_ =	sdelay $0x3  }
0xda: {  	p0 =	slt.s32 s2, $0x1  }
.Ltmp12:
0xdb: {  	_ = 	snop;
	(pc) =	sbr.rel @p0 .LBB2_20-.Ltmp12, $1  }
0xdc: {  	_ =	sdelay $0x3  }
0xdd: {  	s0 =	simm.s32 $0xC0;
	p0 =	por $0x0, $0x0  }
0xde: {  	v1 =	vld.msk @!p0 [tilespmem:s0+$0x0], $0x1;
	_ =	sdelay $0x4  }
0xdf: {  	(v2sf) =	vpush @!p0 v1, $0x0;
	_ =	sdelay $0xd  }
0xe0: {  	p2 =	sne.s32 s2, $0x1  }
.Ltmp13:
0xe1: {  	s5 =	spop @!p0 (v2sf);
	(pc) =	sbr.rel @!p2 .LBB2_19-.Ltmp13, $4  }
0xe2: {  	p1 =	seq.s32 @!p0 s4, s5  }
0xe3: {  	s5 =	simm.s32 $0x0;
	p1 =	por !p1, p0  }
0xe4: {  	s7 =	simm.s32 $0xFFFFFFFF;
	s5 =	simm.s32 @p1 $0xFFFFFFFF  }
0xe5: {  	s6 =	simm.s32 $0x1;
	s5 =	smov.u32 @p0 s7  }
.LBB2_18:
0xe6: {  	s7 =	smov.u32 s5;
	p0 =	sne.s32 s5, $0xFFFFFFFF  }
0xe7: {  	s0 =	sadd.s32 $0x1, s0;
	s5 =	smov.u32 s6;
	s6 =	sadd.s32 $0x1, s6  }
0xe8: {  	p1 =	sne.s32 s2, s6;
	v1 =	vld.msk @!p0 [tilespmem:s0+$0x0], $0x1;
	_ =	sdelay $0x4  }
0xe9: {  	(v2sf) =	vpush @!p0 v1, $0x0;
	_ =	sdelay $0xe  }
.Ltmp14:
0xea: {  	s8 =	spop @!p0 (v2sf);
	(pc) =	sbr.rel @p1 .LBB2_18-.Ltmp14, $4  }
0xeb: {  	p2 =	seq.s32 @!p0 s4, s8  }
0xec: {  	p2 =	por !p2, p0  }
0xed: {  	s5 =	simm.s32 @p2 $0xFFFFFFFF  }
0xee: {  	s5 =	smov.u32 @p0 s7  }
.LBB2_19:
0xef: {  	p0 =	sne.s32 s5, $0xFFFFFFFF  }
.Ltmp15:
0xf0: {  	_ = 	snop;
	(pc) =	sbr.rel @!p0 .LBB2_20-.Ltmp15, $1  }
0xf1: {  	_ =	sdelay $0x3  }
0xf2: {  	v0 =	vld.msk [tilespmem:s3+$0xE0], $0x1  }
0xf3: {  	v1 =	vld.msk [tilespmem:s5+$0xE0], $0x1;
	_ =	sdelay $0x1  }
.Ltmp16:
0xf4: {  	_ = 	snop;
	(pc) =	sbr.rel .LBB2_22-.Ltmp16, $3  }
0xf5: {  	_ =	sdelay $0x1  }
0xf6: {  	v0 =	vmax.f32 v1, v0  }
0xf7: {  	[tilespmem:s5+$0xE0] =	vst.msk $0x1, v0  }
.LBB2_23:
0xf8: {  	p0 =	slt.s32 s2, $0x1  }
.Ltmp17:
0xf9: {  	_ = 	snop;
	(pc) =	sbr.rel @p0 .LBB2_27-.Ltmp17, $3  }
0xfa: {  	_ =	sdelay $0x1  }
0xfb: {  	s0 =	simm.s32 $0x6  }
0xfc: {  	s3 =	simm.s32 $0x0;
	[sflag:s0] =	ssyncpa.u1 $0x1  }
0xfd: {  	s0 =	simm.s32 $0xC0  }
0xfe: {  	v0 =	vld.msk [tilespmem:s0+$0x0], $0x1;
	_ =	sdelay $0x4  }
0xff: {  	(v2sf) =	vpush v0, $0x0;
	_ =	sdelay $0xe  }
0x100: {  	s2 =	sadd.s32 $0xFFFFFFFF, s2;
	s4 =	spop (v2sf)  }
0x101: {  	p1 =	sne.s32 s2, $0x0;
	p0 =	sgt.u32 s4, $0x3FFF  }
.Ltmp18:
0x102: {  	s5 =	sshrl.u32 @!p0 s4, $0x3;
	(pc) =	sbr.rel @!p1 .LBB2_26-.Ltmp18, $4  }
0x103: {  	s0 =	simm.s32 $0xE0;
	s4 =	sand.u32 @!p0 $0x7, s4;
	s5 =	sadd.s32 @!p0 s1, s5  }
0x104: {  	[hbm4b:s5+s4] =	stream.linear.scatter @!p0 [tilespmem:s0], [sflag:$0x5], $0x1, $0x38;
	[tilespmem:$0xD920] =	vst v63  }
0x105: {  	s5 =	simm.s32 $0x0  }
0x106: {  	s4 =	simm.s32 $0xC1;
	s5 =	simm.s32 @!p0 $0x4  }
.LBB2_25:
0x107: {  	v0 =	vld.msk [tilespmem:s4+$0x0], $0x1;
	s2 =	sadd.s32 $0xFFFFFFFF, s2;
	s3 =	sadd.s32 s3, s5  }
0x108: {  	p0 =	sne.s32 s2, $0x0;
	_ =	sdelay $0x3  }
0x109: {  	(v2sf) =	vpush v0, $0x0;
	_ =	sdelay $0xe  }
.Ltmp19:
0x10a: {  	s6 =	spop (v2sf);
	(pc) =	sbr.rel @p0 .LBB2_25-.Ltmp19, $4  }
0x10b: {  	s5 =	simm.s32 $0x0;
	p1 =	sgt.u32 s6, $0x3FFF  }
0x10c: {  	s0 =	sadd.s32 $0x1, s0;
	s5 =	simm.s32 @!p1 $0x4;
	s7 =	sshrl.u32 @!p1 s6, $0x3  }
0x10d: {  	s4 =	sadd.s32 $0x1, s4;
	s6 =	sand.u32 @!p1 $0x7, s6;
	s7 =	sadd.s32 @!p1 s1, s7  }
0x10e: {  	[hbm4b:s7+s6] =	stream.linear.scatter @!p1 [tilespmem:s0], [sflag:$0x5], $0x1, $0x38;
	[tilespmem:$0xD920] =	vst v63  }
.LBB2_26:
0x10f: {  	s0 =	sadd.s32 s3, s5  }
0x110: {  	s3 =	sshrl.u32 s0, $0x2  }
.LBB2_27:
0x111: {  	s0 =	simm.s32 $0x5  }
0x112: {  	_ =	swait.ge [sflag:s0], s3  }
0x113: {  	s1 =	ssub.s32 $0x0, s3;
	[sflag:s0] =	ssyncset.done $0x0  }
0x114: {  	[sflag:s0] =	ssyncadd.s32 s1  }
0x115: {  	[sflag:s0] =	ssyncpa.u1 $0x1  }
0x116: {  	s29 =	simm.s32 $0x1;
	_ =	sfence  }
0x117: {  	s30 =	simm.s32 $0x2;
	[sflag:s29] =	ssyncpa.u1 $0x1  }
0x118: {  	[sflag:s30] =	ssyncpa.u1 $0x1  }
0x119: {  	_ =	strace $0x90000047  }
0x11a: {  	[bflag:$0x2] =	sbarrier.arrive $0xFFFF  }
0x11b: {  	s31 =	rddreg [dreg:$0x1]  }
0x11c: {  	s0 =	sadd.s32 $0x100000, s31  }
0x11d: {  	[sflag:s0] =	ssyncadd.tile.s32 $0x1;
	_ =	shalt  }
.Lfunc_end2:
_tile_overlayer_lowered:
.L_overlay_start_2:
0x11e: {  	(tag) =	ssettag $0x2  }
0x11f: {  	s0 =	rddreg [dreg:$0x0];
	s2 =	stileid.u32  }
0x120: {  	s1 =	rddreg [dreg:$0x1];
	p0 =	sne.s32 s2, $0x0  }
0x121: {  	s3 =	rddreg [dreg:$0x2];
	[bflag:$0x3] =	sbarrier.arrive $0xFFFF;
	s2 =	simm.s32 @!p0 $0x1C01  }
0x122: {  	[timem:s3], [sflag:s2] =	dma.local @!p0 [hbm:s0], s1  }
0x123: {  	s0 =	simm.s32 @!p0 $0x1  }
0x124: {  	_ =	swait.ge @!p0 [sflag:s0], s1  }
0x125: {  	s1 =	ssub.s32 @!p0 $0x0, s1;
	[sflag:s0] =	ssyncset.done @!p0 $0x0  }
0x126: {  	[sflag:s0] =	ssyncadd.s32 @!p0 s1  }
0x127: {  	[bflag:$0x3] =	sbarrier.arrive $0xFFFF  }
0x128: {  	_ =	shalt  }

</sc_bundles>
